<compile_context>
chip_gen: v7x
topology: tpu7x:2x2x1
jax: 0.10.2.dev20260603
libtpu: 0.0.44.dev20260713+nightly
codegen_flags: <defaults>
</compile_context>

<pallas_src>
import jax
import jax.numpy as jnp
from jax import lax
from jax.experimental import pallas as pl
from jax.experimental.pallas import tpu as pltpu
from jax.experimental.pallas import tpu_sc as plsc

NF = 128
N = 10129
NP = 10240
E = 320000
NC, NS = 2, 16
NW = NC * NS
CH = 96
NCH = 2 * (-(-E // (NW * CH * 2)))
NPAIR = NCH // 2
EPW = NCH * CH
EP = NW * EPW
RPS = NP // NS
BN = 1024
NBLK = NP // BN


def _mesh():
    return plsc.VectorSubcoreMesh(
        core_axis_name="c", subcore_axis_name="s", num_cores=NC, num_subcores=NS
    )


def _sc_degree():

    def body(dst_hbm, ones_hbm, z_hbm, out_hbm, dst_v, ones_v, acc):
        c = lax.axis_index("c")
        s = lax.axis_index("s")
        w = s * NC + c
        pltpu.sync_copy(z_hbm, acc.at[pl.ds(s * RPS, RPS)])
        pltpu.sync_copy(ones_hbm, ones_v)
        pltpu.sync_copy(dst_hbm.at[w], dst_v)
        plsc.subcore_barrier()

        def step(i, carry):
            pltpu.sync_copy(ones_v, acc.at[dst_v.at[i]], add=True)
            return carry

        lax.fori_loop(0, NCH, step, 0)
        plsc.subcore_barrier()
        base = c * NP + s * RPS
        pltpu.sync_copy(acc.at[pl.ds(s * RPS, RPS)], out_hbm.at[pl.ds(base, RPS)])

    return pl.kernel(
        body,
        out_type=jax.ShapeDtypeStruct((NC * NP, 16), jnp.float32),
        mesh=_mesh(),
        compiler_params=pltpu.CompilerParams(use_tc_tiling_on_sc=False),
        scratch_types=[
            pltpu.VMEM((NCH, CH), jnp.int32),
            pltpu.VMEM((CH, 16), jnp.float32),
            pltpu.VMEM_SHARED((NP, 16), jnp.float32),
        ],
    )


def _sc_aggregate(F, ch, k0, k1):
    km = max(k0, k1)

    def body(g_hbm, src_hbm, dst_hbm, z_hbm, out_hbm, src_v, dst_v,
             rows0, rows1, acc, sem0, sem1):
        c = lax.axis_index("c")
        s = lax.axis_index("s")
        pltpu.sync_copy(z_hbm, acc.at[pl.ds(s * RPS, RPS)])

        @pl.when(c == 0)
        def _():
            pltpu.sync_copy(src_hbm.at[pl.ds(s * 2 * k0, 2 * k0)],
                            src_v.at[pl.ds(0, 2 * k0)])
            pltpu.sync_copy(dst_hbm.at[pl.ds(s * 2 * k0, 2 * k0)],
                            dst_v.at[pl.ds(0, 2 * k0)])

        @pl.when(c == 1)
        def _():
            pltpu.sync_copy(src_hbm.at[pl.ds(NS * 2 * k0 + s * 2 * k1, 2 * k1)],
                            src_v.at[pl.ds(0, 2 * k1)])
            pltpu.sync_copy(dst_hbm.at[pl.ds(NS * 2 * k0 + s * 2 * k1, 2 * k1)],
                            dst_v.at[pl.ds(0, 2 * k1)])

        plsc.subcore_barrier()
        npair = jnp.where(c == 0, k0, k1)

        pltpu.async_copy(g_hbm.at[src_v.at[0]], rows0, sem0)

        def pair(j, carry):
            @pl.when(j < npair)
            def _():
                i0 = j * 2
                i1 = i0 + 1
                pltpu.async_copy(g_hbm.at[src_v.at[i1]], rows1, sem1)
                pltpu.make_async_copy(g_hbm.at[src_v.at[i0]], rows0, sem0).wait()
                pltpu.sync_copy(rows0, acc.at[dst_v.at[i0]], add=True)

                @pl.when(j < npair - 1)
                def _():
                    pltpu.async_copy(g_hbm.at[src_v.at[i0 + 2]], rows0, sem0)

                pltpu.make_async_copy(g_hbm.at[src_v.at[i1]], rows1, sem1).wait()
                pltpu.sync_copy(rows1, acc.at[dst_v.at[i1]], add=True)

            return carry

        lax.fori_loop(0, km, pair, 0)
        plsc.subcore_barrier()
        base = c * NP + s * RPS
        pltpu.sync_copy(acc.at[pl.ds(s * RPS, RPS)], out_hbm.at[pl.ds(base, RPS)])

    return pl.kernel(
        body,
        out_type=jax.ShapeDtypeStruct((NC * NP, F), jnp.float32),
        mesh=_mesh(),
        compiler_params=pltpu.CompilerParams(use_tc_tiling_on_sc=False),
        scratch_types=[
            pltpu.VMEM((2 * km, ch), jnp.int32),
            pltpu.VMEM((2 * km, ch), jnp.int32),
            pltpu.VMEM((ch, F), jnp.float32),
            pltpu.VMEM((ch, F), jnp.float32),
            pltpu.VMEM_SHARED((NP, F), jnp.float32),
            pltpu.SemaphoreType.DMA,
            pltpu.SemaphoreType.DMA,
        ],
    )


def _dinv(d0, d1):
    return lax.rsqrt(d0[:, :1] + d1[:, :1] + 1.0)


def _leaky(v):
    return jnp.where(v >= 0.0, v, 0.01 * v)


def _tc_first(x_ref, d0_ref, d1_ref, w_ref, o_ref):
    dinv = _dinv(d0_ref[...], d1_ref[...])
    hw = jnp.dot(x_ref[...], w_ref[...], preferred_element_type=jnp.float32)
    o_ref[...] = dinv * hw


def _tc_mid(s0_ref, s1_ref, g_ref, d0_ref, d1_ref, b_ref, w_ref, o_ref):
    dinv = _dinv(d0_ref[...], d1_ref[...])
    agg = s0_ref[...] + s1_ref[...] + g_ref[...]
    h = _leaky(dinv * agg + b_ref[...])
    o_ref[...] = dinv * jnp.dot(h, w_ref[...], preferred_element_type=jnp.float32)


def _tc_head(s0_ref, s1_ref, g_ref, d0_ref, d1_ref, b_ref, wm1_ref, bm1_ref,
             wm2_ref, bm2_ref, o_ref):
    dinv = _dinv(d0_ref[...], d1_ref[...])
    out3 = dinv * (s0_ref[...] + s1_ref[...] + g_ref[...]) + b_ref[...]
    h = _leaky(jnp.dot(out3, wm1_ref[...], preferred_element_type=jnp.float32)
               + bm1_ref[...])
    logits = jnp.dot(h, wm2_ref[...], preferred_element_type=jnp.float32) + bm2_ref[...]
    rows = pl.program_id(0) * BN + lax.broadcasted_iota(jnp.int32, (BN, 4), 0)
    cols = lax.broadcasted_iota(jnp.int32, (BN, 4), 1)
    keep = (rows < 10000) | (cols == 1) | (cols == 3)
    o_ref[...] = jnp.where(keep, logits, -100.0)


def _row_spec(F):
    return pl.BlockSpec((BN, F), lambda i: (i, 0))


def _pair_specs(F):
    return (pl.BlockSpec((BN, F), lambda i: (i, 0)),
            pl.BlockSpec((BN, F), lambda i: (i + NBLK, 0)))


def _full_spec(shape):
    return pl.BlockSpec(shape, lambda i: (0, 0))


def kernel(x, edge_index, W1, b1, W2, b2, W3, b3, Wm1, bm1, Wm2, bm2):
    f32 = jnp.float32
    cand = jnp.concatenate([jnp.zeros((1, NF), f32), jnp.eye(NF, dtype=f32)], axis=0)
    xc = jnp.concatenate([x, cand, jnp.zeros((NP - N, NF), f32)], axis=0)
    pad = jnp.full((EP - E,), NP - 1, jnp.int32)
    srcp = jnp.concatenate([edge_index[0], pad]).reshape(NW, NCH, CH)
    dstp = jnp.concatenate([edge_index[1], pad]).reshape(NW, NCH, CH)
    ones16 = jnp.ones((CH, 16), f32)
    z16 = jnp.zeros((RPS, 16), f32)

    def edges_for(ch, k0, k1):
        epl = NS * 2 * (k0 + k1) * ch
        p = jnp.full((epl - E,), NP - 1, jnp.int32)
        return (jnp.concatenate([edge_index[0], p]).reshape(epl // ch, ch),
                jnp.concatenate([edge_index[1], p]).reshape(epl // ch, ch))

    L1 = (128, 53, 26)
    L2 = (128, 66, 13)
    L3 = (80, 62, 63)
    src1, dst1 = edges_for(*L1)
    src2, dst2 = edges_for(*L2)
    src3, dst3 = edges_for(*L3)

    dp0, dp1 = _pair_specs(16)

    deg = _sc_degree()(dstp, ones16, z16)

    g1 = pl.pallas_call(
        _tc_first,
        grid=(NBLK,),
        in_specs=[_row_spec(NF), dp0, dp1, _full_spec((NF, 32))],
        out_specs=_row_spec(32),
        out_shape=jax.ShapeDtypeStruct((NP, 32), f32),
    )(xc, deg, deg, W1)

    s1 = _sc_aggregate(32, *L1)(g1, src1, dst1, jnp.zeros((RPS, 32), f32))

    sp0, sp1 = _pair_specs(32)
    g2 = pl.pallas_call(
        _tc_mid,
        grid=(NBLK,),
        in_specs=[sp0, sp1, _row_spec(32), dp0, dp1, _full_spec((1, 32)), _full_spec((32, 64))],
        out_specs=_row_spec(64),
        out_shape=jax.ShapeDtypeStruct((NP, 64), f32),
    )(s1, s1, g1, deg, deg, b1.reshape(1, 32), W2)

    s2 = _sc_aggregate(64, *L2)(g2, src2, dst2, jnp.zeros((RPS, 64), f32))

    sp0, sp1 = _pair_specs(64)
    g3 = pl.pallas_call(
        _tc_mid,
        grid=(NBLK,),
        in_specs=[sp0, sp1, _row_spec(64), dp0, dp1, _full_spec((1, 64)), _full_spec((64, NF))],
        out_specs=_row_spec(NF),
        out_shape=jax.ShapeDtypeStruct((NP, NF), f32),
    )(s2, s2, g2, deg, deg, b2.reshape(1, 64), W3)

    s3 = _sc_aggregate(NF, *L3)(g3, src3, dst3, jnp.zeros((RPS, NF), f32))

    sp0, sp1 = _pair_specs(NF)
    out4 = pl.pallas_call(
        _tc_head,
        grid=(NBLK,),
        in_specs=[sp0, sp1, _row_spec(NF), dp0, dp1,
                  _full_spec((1, NF)), _full_spec((NF, NF)), _full_spec((1, NF)),
                  _full_spec((NF, 4)), _full_spec((1, 4))],
        out_specs=_row_spec(4),
        out_shape=jax.ShapeDtypeStruct((NP, 4), f32),
    )(s3, s3, g3, deg, deg, b3.reshape(1, NF), Wm1, bm1.reshape(1, NF),
      Wm2, bm2.reshape(1, 4))

    return (out4[:N, 0], out4[:N, 1], out4[:N, 2], out4[:N, 3])

# --- scband reference (transcript-rebuilt; emitter-appended) ---
"""Pipeline reference for scband-gflow-net-is-acyclic-33389075759490 (READ-ONLY COPY).

The authoritative reference and input builder live on the scoring server;
editing this copy changes nothing except your own understanding.
"""

import jax, jax.numpy as jnp
import numpy as np

NUM_FEATURES = 128
NUM_HIDDEN = 128
N_NODES = 10000
N_EDGES = 320000


def setup_inputs(seed: int = 0) -> dict:
    key = jax.random.key(seed)
    ks = jax.random.split(key, 12)
    x = jax.random.normal(ks[0], (N_NODES, NUM_FEATURES), dtype=jnp.float32)
    edge_index = jax.random.randint(ks[1], (2, N_EDGES), 0, N_NODES, dtype=jnp.int32)
    # GCNConv weights: conv1 (128->32), conv2 (32->64), conv3 (64->128)
    W1 = jax.random.normal(ks[2], (NUM_FEATURES, 32), dtype=jnp.float32) * 0.05
    b1 = jnp.zeros((32,), dtype=jnp.float32)
    W2 = jax.random.normal(ks[3], (32, 64), dtype=jnp.float32) * 0.05
    b2 = jnp.zeros((64,), dtype=jnp.float32)
    W3 = jax.random.normal(ks[4], (64, 128), dtype=jnp.float32) * 0.05
    b3 = jnp.zeros((128,), dtype=jnp.float32)
    # MLP: Linear(128, num_hidden), LeakyReLU, Linear(num_hidden, 4)
    Wm1 = jax.random.normal(ks[5], (128, NUM_HIDDEN), dtype=jnp.float32) * 0.05
    bm1 = jnp.zeros((NUM_HIDDEN,), dtype=jnp.float32)
    Wm2 = jax.random.normal(ks[6], (NUM_HIDDEN, 4), dtype=jnp.float32) * 0.05
    bm2 = jnp.zeros((4,), dtype=jnp.float32)
    return {"x": x, "edge_index": edge_index, "W1": W1, "b1": b1, "W2": W2, "b2": b2,
            "W3": W3, "b3": b3, "Wm1": Wm1, "bm1": bm1, "Wm2": Wm2, "bm2": bm2}


def _candidate_x():
    # Data(x=zeros(num_features+1, num_features)); x[i, i-1] = 1 for i in 1..num_features
    c = jnp.zeros((NUM_FEATURES + 1, NUM_FEATURES), dtype=jnp.float32)
    c = c.at[jnp.arange(1, NUM_FEATURES + 1), jnp.arange(NUM_FEATURES)].set(1.0)
    return c


def _gcn_conv(h, edge_index, W, b, n):
    # PyG GCNConv: out = D^{-1/2} (A + I) D^{-1/2} (h @ W) + b
    src = jnp.concatenate([edge_index[0], jnp.arange(n, dtype=edge_index.dtype)])
    dst = jnp.concatenate([edge_index[1], jnp.arange(n, dtype=edge_index.dtype)])
    deg = jnp.zeros((n,), dtype=jnp.float32).at[dst].add(1.0)
    dinv = jnp.where(deg > 0, deg ** -0.5, 0.0)
    norm = dinv[src] * dinv[dst]
    hw = h @ W
    msg = hw[src] * norm[:, None]
    out = jnp.zeros((n, W.shape[1]), dtype=jnp.float32).at[dst].add(msg)
    return out + b


def leaky_relu(x):
    return jax.nn.leaky_relu(x, negative_slope=0.01)


def reference(x, edge_index, W1, b1, W2, b2, W3, b3, Wm1, bm1, Wm2, bm2):
    cand = _candidate_x()
    combined_x = jnp.concatenate([x, cand], axis=0)
    # candidate_set.edge_index is empty -> edge_index unchanged
    n = combined_x.shape[0]
    out = _gcn_conv(combined_x, edge_index, W1, b1, n)
    out = leaky_relu(out)
    out = _gcn_conv(out, edge_index, W2, b2, n)
    out = leaky_relu(out)
    out = _gcn_conv(out, edge_index, W3, b3, n)
    h = leaky_relu(out @ Wm1 + bm1)
    logits = h @ Wm2 + bm2
    candidate_mask = jnp.zeros_like(logits[:, 0])
    candidate_mask = candidate_mask.at[: x.shape[0]].set(1.0)
    return (logits[:, 0] * candidate_mask - 100.0 * (1.0 - candidate_mask),
            logits[:, 1],
            logits[:, 2] * candidate_mask - 100.0 * (1.0 - candidate_mask),
            logits[:, 3])


if False:  # reference __main__ guard neutralized (emitter)
    inp = setup_inputs()
    out = reference(**inp)
    print([o.shape for o in out])

if __name__ == "__main__":
    import jax
    _d = setup_inputs()
    print(jax.jit(kernel)(*tuple(_d.values())))

</pallas_src>

<mosaic_0001>
#map = affine_map<(d0, d1) -> (0, 0, 0)>
#map1 = affine_map<(d0, d1) -> (0, 0)>
module attributes {stable_mosaic.version = 14 : i64} {
  func.func @body(%arg0: i32, %arg1: i32, %arg2: memref<32x106x96xi32, #tpu.memory_space<hbm>>, %arg3: memref<96x16xf32, #tpu.memory_space<hbm>>, %arg4: memref<640x16xf32, #tpu.memory_space<hbm>>, %arg5: memref<20480x16xf32, #tpu.memory_space<hbm>>, %arg6: memref<106x96xi32, #tpu.memory_space<vmem>>, %arg7: memref<96x16xf32, #tpu.memory_space<vmem>>, %arg8: memref<10240x16xf32, #tpu.memory_space<vmem_shared>>) attributes {dimension_semantics = [#tpu.dimension_semantics<core_parallel>, #tpu.dimension_semantics<subcore_parallel>], iteration_bounds = array<i64: 2, 16>, scalar_prefetch = 0 : i64, scratch_operands = 3 : i64, tpu.core_type = #tpu.core_type<sc_vector_subcore>, window_params = [{transform_indices = #map}, {transform_indices = #map1}, {transform_indices = #map1}, {transform_indices = #map1}]} {
    %mul3A = arith.constant 2 : i32
    %mul3A_0 = arith.muli %arg1, %mul3A : i32
    %add3A = arith.addi %mul3A_0, %arg0 : i32
    %mul3A_1 = arith.constant 640 : i32
    %mul3A_2 = arith.muli %arg1, %mul3A_1 : i32
    "tpu.region"() ({
      %run_scoped3A = tpu.sem_alloc : memref<!tpu.dma_semaphore, #tpu.memory_space<semaphore_mem>>
      %dma_start3A = arith.constant 0 : i32
      %dma_start3A_16 = tpu.memref_slice %arg8[%mul3A_2, %dma_start3A] : memref<10240x16xf32, #tpu.memory_space<vmem_shared>> -> memref<640x16xf32, #tpu.memory_space<vmem_shared>>
      tpu.enqueue_dma source(%arg4 : memref<640x16xf32, #tpu.memory_space<hbm>>) target(%dma_start3A_16 : memref<640x16xf32, #tpu.memory_space<vmem_shared>>) target_semaphore(%run_scoped3A : memref<!tpu.dma_semaphore, #tpu.memory_space<semaphore_mem>>)
      %dma_wait3A = arith.constant 0 : i32
      %dma_wait3A_17 = tpu.memref_slice %arg8[%mul3A_2, %dma_wait3A] : memref<10240x16xf32, #tpu.memory_space<vmem_shared>> -> memref<640x16xf32, #tpu.memory_space<vmem_shared>>
      tpu.wait_dma2 semaphore(%run_scoped3A : memref<!tpu.dma_semaphore, #tpu.memory_space<semaphore_mem>>) src(%arg4 : memref<640x16xf32, #tpu.memory_space<hbm>>) dst(%dma_wait3A_17 : memref<640x16xf32, #tpu.memory_space<vmem_shared>>)
      tpu.yield
    }) : () -> ()
    "tpu.region"() ({
      %run_scoped3A = tpu.sem_alloc : memref<!tpu.dma_semaphore, #tpu.memory_space<semaphore_mem>>
      tpu.enqueue_dma source(%arg3 : memref<96x16xf32, #tpu.memory_space<hbm>>) target(%arg7 : memref<96x16xf32, #tpu.memory_space<vmem>>) target_semaphore(%run_scoped3A : memref<!tpu.dma_semaphore, #tpu.memory_space<semaphore_mem>>)
      tpu.wait_dma2 semaphore(%run_scoped3A : memref<!tpu.dma_semaphore, #tpu.memory_space<semaphore_mem>>) src(%arg3 : memref<96x16xf32, #tpu.memory_space<hbm>>) dst(%arg7 : memref<96x16xf32, #tpu.memory_space<vmem>>)
      tpu.yield
    }) : () -> ()
    "tpu.region"() ({
      %run_scoped3A = tpu.sem_alloc : memref<!tpu.dma_semaphore, #tpu.memory_space<semaphore_mem>>
      %dma_start3A = arith.constant 0 : i32
      %dma_start3A_16 = arith.constant 0 : i32
      %dma_start3A_17 = tpu.memref_slice %arg2[%add3A, %dma_start3A, %dma_start3A_16] : memref<32x106x96xi32, #tpu.memory_space<hbm>> -> memref<1x106x96xi32, #tpu.memory_space<hbm>>
      %dma_start3A_18 = tpu.memref_squeeze %dma_start3A_17 : memref<1x106x96xi32, #tpu.memory_space<hbm>> -> memref<106x96xi32, #tpu.memory_space<hbm>>
      %dma_start3A_19 = arith.constant 0 : i32
      %dma_start3A_20 = arith.constant 0 : i32
      %dma_start3A_21 = tpu.memref_slice %arg2[%add3A, %dma_start3A_19, %dma_start3A_20] : memref<32x106x96xi32, #tpu.memory_space<hbm>> -> memref<1x106x96xi32, #tpu.memory_space<hbm>>
      %dma_start3A_22 = tpu.memref_squeeze %dma_start3A_21 : memref<1x106x96xi32, #tpu.memory_space<hbm>> -> memref<106x96xi32, #tpu.memory_space<hbm>>
      tpu.enqueue_dma source(%dma_start3A_22 : memref<106x96xi32, #tpu.memory_space<hbm>>) target(%arg6 : memref<106x96xi32, #tpu.memory_space<vmem>>) target_semaphore(%run_scoped3A : memref<!tpu.dma_semaphore, #tpu.memory_space<semaphore_mem>>)
      %dma_wait3A = arith.constant 0 : i32
      %dma_wait3A_23 = arith.constant 0 : i32
      %dma_wait3A_24 = tpu.memref_slice %arg2[%add3A, %dma_wait3A, %dma_wait3A_23] : memref<32x106x96xi32, #tpu.memory_space<hbm>> -> memref<1x106x96xi32, #tpu.memory_space<hbm>>
      %dma_wait3A_25 = tpu.memref_squeeze %dma_wait3A_24 : memref<1x106x96xi32, #tpu.memory_space<hbm>> -> memref<106x96xi32, #tpu.memory_space<hbm>>
      %dma_wait3A_26 = arith.constant 0 : i32
      %dma_wait3A_27 = arith.constant 0 : i32
      %dma_wait3A_28 = tpu.memref_slice %arg2[%add3A, %dma_wait3A_26, %dma_wait3A_27] : memref<32x106x96xi32, #tpu.memory_space<hbm>> -> memref<1x106x96xi32, #tpu.memory_space<hbm>>
      %dma_wait3A_29 = tpu.memref_squeeze %dma_wait3A_28 : memref<1x106x96xi32, #tpu.memory_space<hbm>> -> memref<106x96xi32, #tpu.memory_space<hbm>>
      tpu.wait_dma2 semaphore(%run_scoped3A : memref<!tpu.dma_semaphore, #tpu.memory_space<semaphore_mem>>) src(%dma_wait3A_29 : memref<106x96xi32, #tpu.memory_space<hbm>>) dst(%arg6 : memref<106x96xi32, #tpu.memory_space<vmem>>)
      tpu.yield
    }) : () -> ()
    %barrier3A = arith.constant 0 : index
    tpu.barrier barrier_id(%barrier3A)
    %scan3A = arith.constant 0 : i32
    %scan3A_3 = arith.constant 0 : i32
    %scan3A_4 = arith.constant 106 : i32
    %scan3A_5 = arith.addi %scan3A_3, %scan3A_4 : i32
    %scan3A_6 = arith.constant 1 : i32
    scf.for %scan3A_16 = %scan3A_3 to %scan3A_5 step %scan3A_6  : i32 {
      "tpu.region"() ({
        %run_scoped3A = tpu.sem_alloc : memref<!tpu.dma_semaphore, #tpu.memory_space<semaphore_mem>>
        %dma_start3A = arith.constant 0 : i32
        %dma_start3A_17 = tpu.memref_slice %arg6[%scan3A_16, %dma_start3A] : memref<106x96xi32, #tpu.memory_space<vmem>> -> memref<1x96xi32, #tpu.memory_space<vmem>>
        %dma_start3A_18 = tpu.memref_squeeze %dma_start3A_17 : memref<1x96xi32, #tpu.memory_space<vmem>> -> memref<96xi32, #tpu.memory_space<vmem>>
        %dma_start3A_19 = arith.constant 0 : i32
        %dma_start3A_20 = arith.constant 0 : i32
        %dma_start3A_21 = tpu.memref_slice %arg8[%dma_start3A_19, %dma_start3A_20] : memref<10240x16xf32, #tpu.memory_space<vmem_shared>> -> memref<10240x16xf32, #tpu.memory_space<vmem_shared>>
        tpu.enqueue_indirect_dma source(%arg7 : memref<96x16xf32, #tpu.memory_space<vmem>>) target(%dma_start3A_21 : memref<10240x16xf32, #tpu.memory_space<vmem_shared>>) offsets(%dma_start3A_18 : memref<96xi32, #tpu.memory_space<vmem>>) semaphore(%run_scoped3A : memref<!tpu.dma_semaphore, #tpu.memory_space<semaphore_mem>>) {add = true}
        %dma_wait3A = arith.constant 0 : i32
        %dma_wait3A_22 = tpu.memref_slice %arg6[%scan3A_16, %dma_wait3A] : memref<106x96xi32, #tpu.memory_space<vmem>> -> memref<1x96xi32, #tpu.memory_space<vmem>>
        %dma_wait3A_23 = tpu.memref_squeeze %dma_wait3A_22 : memref<1x96xi32, #tpu.memory_space<vmem>> -> memref<96xi32, #tpu.memory_space<vmem>>
        %dma_wait3A_24 = arith.constant 0 : i32
        %dma_wait3A_25 = arith.constant 0 : i32
        %dma_wait3A_26 = tpu.memref_slice %arg8[%dma_wait3A_24, %dma_wait3A_25] : memref<10240x16xf32, #tpu.memory_space<vmem_shared>> -> memref<10240x16xf32, #tpu.memory_space<vmem_shared>>
        tpu.wait_indirect_dma semaphore(%run_scoped3A : memref<!tpu.dma_semaphore, #tpu.memory_space<semaphore_mem>>) src(%arg7 : memref<96x16xf32, #tpu.memory_space<vmem>>) dst(%dma_wait3A_26 : memref<10240x16xf32, #tpu.memory_space<vmem_shared>>)
        tpu.yield
      }) : () -> ()
    }
    %scan3A_7 = arith.constant 106 : i32
    %barrier3A_8 = arith.constant 0 : index
    tpu.barrier barrier_id(%barrier3A_8)
    %mul3A_9 = arith.constant 10240 : i32
    %mul3A_10 = arith.muli %arg0, %mul3A_9 : i32
    %mul3A_11 = arith.constant 640 : i32
    %mul3A_12 = arith.muli %arg1, %mul3A_11 : i32
    %add3A_13 = arith.addi %mul3A_10, %mul3A_12 : i32
    %mul3A_14 = arith.constant 640 : i32
    %mul3A_15 = arith.muli %arg1, %mul3A_14 : i32
    "tpu.region"() ({
      %run_scoped3A = tpu.sem_alloc : memref<!tpu.dma_semaphore, #tpu.memory_space<semaphore_mem>>
      %dma_start3A = arith.constant 0 : i32
      %dma_start3A_16 = tpu.memref_slice %arg5[%add3A_13, %dma_start3A] : memref<20480x16xf32, #tpu.memory_space<hbm>> -> memref<640x16xf32, #tpu.memory_space<hbm>>
      %dma_start3A_17 = arith.constant 0 : i32
      %dma_start3A_18 = tpu.memref_slice %arg8[%mul3A_15, %dma_start3A_17] : memref<10240x16xf32, #tpu.memory_space<vmem_shared>> -> memref<640x16xf32, #tpu.memory_space<vmem_shared>>
      tpu.enqueue_dma source(%dma_start3A_18 : memref<640x16xf32, #tpu.memory_space<vmem_shared>>) target(%dma_start3A_16 : memref<640x16xf32, #tpu.memory_space<hbm>>) target_semaphore(%run_scoped3A : memref<!tpu.dma_semaphore, #tpu.memory_space<semaphore_mem>>)
      %dma_wait3A = arith.constant 0 : i32
      %dma_wait3A_19 = tpu.memref_slice %arg5[%add3A_13, %dma_wait3A] : memref<20480x16xf32, #tpu.memory_space<hbm>> -> memref<640x16xf32, #tpu.memory_space<hbm>>
      %dma_wait3A_20 = arith.constant 0 : i32
      %dma_wait3A_21 = tpu.memref_slice %arg8[%mul3A_15, %dma_wait3A_20] : memref<10240x16xf32, #tpu.memory_space<vmem_shared>> -> memref<640x16xf32, #tpu.memory_space<vmem_shared>>
      tpu.wait_dma2 semaphore(%run_scoped3A : memref<!tpu.dma_semaphore, #tpu.memory_space<semaphore_mem>>) src(%dma_wait3A_21 : memref<640x16xf32, #tpu.memory_space<vmem_shared>>) dst(%dma_wait3A_19 : memref<640x16xf32, #tpu.memory_space<hbm>>)
      tpu.yield
    }) : () -> ()
    return
  }
}

#map = affine_map<(d0, d1) -> (0, 0)>
module attributes {stable_mosaic.version = 14 : i64} {
  func.func @body(%arg0: i32, %arg1: i32, %arg2: memref<10240x128xf32, #tpu.memory_space<hbm>>, %arg3: memref<4000x80xi32, #tpu.memory_space<hbm>>, %arg4: memref<4000x80xi32, #tpu.memory_space<hbm>>, %arg5: memref<640x128xf32, #tpu.memory_space<hbm>>, %arg6: memref<20480x128xf32, #tpu.memory_space<hbm>>, %arg7: memref<126x80xi32, #tpu.memory_space<vmem>>, %arg8: memref<126x80xi32, #tpu.memory_space<vmem>>, %arg9: memref<80x128xf32, #tpu.memory_space<vmem>>, %arg10: memref<80x128xf32, #tpu.memory_space<vmem>>, %arg11: memref<10240x128xf32, #tpu.memory_space<vmem_shared>>, %arg12: memref<!tpu.dma_semaphore, #tpu.memory_space<semaphore_mem>>, %arg13: memref<!tpu.dma_semaphore, #tpu.memory_space<semaphore_mem>>) attributes {dimension_semantics = [#tpu.dimension_semantics<core_parallel>, #tpu.dimension_semantics<subcore_parallel>], iteration_bounds = array<i64: 2, 16>, scalar_prefetch = 0 : i64, scratch_operands = 7 : i64, tpu.core_type = #tpu.core_type<sc_vector_subcore>, window_params = [{transform_indices = #map}, {transform_indices = #map}, {transform_indices = #map}, {transform_indices = #map}, {transform_indices = #map}]} {
    %mul3A = arith.constant 640 : i32
    %mul3A_0 = arith.muli %arg1, %mul3A : i32
    "tpu.region"() ({
      %run_scoped3A = tpu.sem_alloc : memref<!tpu.dma_semaphore, #tpu.memory_space<semaphore_mem>>
      %dma_start3A_29 = arith.constant 0 : i32
      %dma_start3A_30 = tpu.memref_slice %arg11[%mul3A_0, %dma_start3A_29] : memref<10240x128xf32, #tpu.memory_space<vmem_shared>> -> memref<640x128xf32, #tpu.memory_space<vmem_shared>>
      tpu.enqueue_dma source(%arg5 : memref<640x128xf32, #tpu.memory_space<hbm>>) target(%dma_start3A_30 : memref<640x128xf32, #tpu.memory_space<vmem_shared>>) target_semaphore(%run_scoped3A : memref<!tpu.dma_semaphore, #tpu.memory_space<semaphore_mem>>)
      %dma_wait3A = arith.constant 0 : i32
      %dma_wait3A_31 = tpu.memref_slice %arg11[%mul3A_0, %dma_wait3A] : memref<10240x128xf32, #tpu.memory_space<vmem_shared>> -> memref<640x128xf32, #tpu.memory_space<vmem_shared>>
      tpu.wait_dma2 semaphore(%run_scoped3A : memref<!tpu.dma_semaphore, #tpu.memory_space<semaphore_mem>>) src(%arg5 : memref<640x128xf32, #tpu.memory_space<hbm>>) dst(%dma_wait3A_31 : memref<640x128xf32, #tpu.memory_space<vmem_shared>>)
      tpu.yield
    }) : () -> ()
    %eq3A = arith.constant 0 : i32
    %eq3A_1 = arith.cmpi eq, %arg0, %eq3A : i32
    %convert_element_type3A = arith.extui %eq3A_1 : i1 to i32
    %cond3A = arith.constant 0 : i32
    %cond3A_2 = arith.cmpi ne, %convert_element_type3A, %cond3A : i32
    scf.if %cond3A_2 {
      %mul3A_29 = arith.constant 2 : i32
      %mul3A_30 = arith.muli %arg1, %mul3A_29 : i32
      %mul3A_31 = arith.constant 62 : i32
      %mul3A_32 = arith.muli %mul3A_30, %mul3A_31 : i32
      "tpu.region"() ({
        %run_scoped3A = tpu.sem_alloc : memref<!tpu.dma_semaphore, #tpu.memory_space<semaphore_mem>>
        %dma_start3A_37 = arith.constant 0 : i32
        %dma_start3A_38 = arith.constant 0 : i32
        %dma_start3A_39 = tpu.memref_slice %arg7[%dma_start3A_37, %dma_start3A_38] : memref<126x80xi32, #tpu.memory_space<vmem>> -> memref<124x80xi32, #tpu.memory_space<vmem>>
        %dma_start3A_40 = arith.constant 0 : i32
        %dma_start3A_41 = tpu.memref_slice %arg3[%mul3A_32, %dma_start3A_40] : memref<4000x80xi32, #tpu.memory_space<hbm>> -> memref<124x80xi32, #tpu.memory_space<hbm>>
        %dma_start3A_42 = arith.constant 0 : i32
        %dma_start3A_43 = arith.constant 0 : i32
        %dma_start3A_44 = tpu.memref_slice %arg7[%dma_start3A_42, %dma_start3A_43] : memref<126x80xi32, #tpu.memory_space<vmem>> -> memref<124x80xi32, #tpu.memory_space<vmem>>
        %dma_start3A_45 = arith.constant 0 : i32
        %dma_start3A_46 = tpu.memref_slice %arg3[%mul3A_32, %dma_start3A_45] : memref<4000x80xi32, #tpu.memory_space<hbm>> -> memref<124x80xi32, #tpu.memory_space<hbm>>
        tpu.enqueue_dma source(%dma_start3A_46 : memref<124x80xi32, #tpu.memory_space<hbm>>) target(%dma_start3A_44 : memref<124x80xi32, #tpu.memory_space<vmem>>) target_semaphore(%run_scoped3A : memref<!tpu.dma_semaphore, #tpu.memory_space<semaphore_mem>>)
        %dma_wait3A = arith.constant 0 : i32
        %dma_wait3A_47 = arith.constant 0 : i32
        %dma_wait3A_48 = tpu.memref_slice %arg7[%dma_wait3A, %dma_wait3A_47] : memref<126x80xi32, #tpu.memory_space<vmem>> -> memref<124x80xi32, #tpu.memory_space<vmem>>
        %dma_wait3A_49 = arith.constant 0 : i32
        %dma_wait3A_50 = tpu.memref_slice %arg3[%mul3A_32, %dma_wait3A_49] : memref<4000x80xi32, #tpu.memory_space<hbm>> -> memref<124x80xi32, #tpu.memory_space<hbm>>
        %dma_wait3A_51 = arith.constant 0 : i32
        %dma_wait3A_52 = arith.constant 0 : i32
        %dma_wait3A_53 = tpu.memref_slice %arg7[%dma_wait3A_51, %dma_wait3A_52] : memref<126x80xi32, #tpu.memory_space<vmem>> -> memref<124x80xi32, #tpu.memory_space<vmem>>
        %dma_wait3A_54 = arith.constant 0 : i32
        %dma_wait3A_55 = tpu.memref_slice %arg3[%mul3A_32, %dma_wait3A_54] : memref<4000x80xi32, #tpu.memory_space<hbm>> -> memref<124x80xi32, #tpu.memory_space<hbm>>
        tpu.wait_dma2 semaphore(%run_scoped3A : memref<!tpu.dma_semaphore, #tpu.memory_space<semaphore_mem>>) src(%dma_wait3A_55 : memref<124x80xi32, #tpu.memory_space<hbm>>) dst(%dma_wait3A_53 : memref<124x80xi32, #tpu.memory_space<vmem>>)
        tpu.yield
      }) : () -> ()
      %mul3A_33 = arith.constant 2 : i32
      %mul3A_34 = arith.muli %arg1, %mul3A_33 : i32
      %mul3A_35 = arith.constant 62 : i32
      %mul3A_36 = arith.muli %mul3A_34, %mul3A_35 : i32
      "tpu.region"() ({
        %run_scoped3A = tpu.sem_alloc : memref<!tpu.dma_semaphore, #tpu.memory_space<semaphore_mem>>
        %dma_start3A_37 = arith.constant 0 : i32
        %dma_start3A_38 = arith.constant 0 : i32
        %dma_start3A_39 = tpu.memref_slice %arg8[%dma_start3A_37, %dma_start3A_38] : memref<126x80xi32, #tpu.memory_space<vmem>> -> memref<124x80xi32, #tpu.memory_space<vmem>>
        %dma_start3A_40 = arith.constant 0 : i32
        %dma_start3A_41 = tpu.memref_slice %arg4[%mul3A_36, %dma_start3A_40] : memref<4000x80xi32, #tpu.memory_space<hbm>> -> memref<124x80xi32, #tpu.memory_space<hbm>>
        %dma_start3A_42 = arith.constant 0 : i32
        %dma_start3A_43 = arith.constant 0 : i32
        %dma_start3A_44 = tpu.memref_slice %arg8[%dma_start3A_42, %dma_start3A_43] : memref<126x80xi32, #tpu.memory_space<vmem>> -> memref<124x80xi32, #tpu.memory_space<vmem>>
        %dma_start3A_45 = arith.constant 0 : i32
        %dma_start3A_46 = tpu.memref_slice %arg4[%mul3A_36, %dma_start3A_45] : memref<4000x80xi32, #tpu.memory_space<hbm>> -> memref<124x80xi32, #tpu.memory_space<hbm>>
        tpu.enqueue_dma source(%dma_start3A_46 : memref<124x80xi32, #tpu.memory_space<hbm>>) target(%dma_start3A_44 : memref<124x80xi32, #tpu.memory_space<vmem>>) target_semaphore(%run_scoped3A : memref<!tpu.dma_semaphore, #tpu.memory_space<semaphore_mem>>)
        %dma_wait3A = arith.constant 0 : i32
        %dma_wait3A_47 = arith.constant 0 : i32
        %dma_wait3A_48 = tpu.memref_slice %arg8[%dma_wait3A, %dma_wait3A_47] : memref<126x80xi32, #tpu.memory_space<vmem>> -> memref<124x80xi32, #tpu.memory_space<vmem>>
        %dma_wait3A_49 = arith.constant 0 : i32
        %dma_wait3A_50 = tpu.memref_slice %arg4[%mul3A_36, %dma_wait3A_49] : memref<4000x80xi32, #tpu.memory_space<hbm>> -> memref<124x80xi32, #tpu.memory_space<hbm>>
        %dma_wait3A_51 = arith.constant 0 : i32
        %dma_wait3A_52 = arith.constant 0 : i32
        %dma_wait3A_53 = tpu.memref_slice %arg8[%dma_wait3A_51, %dma_wait3A_52] : memref<126x80xi32, #tpu.memory_space<vmem>> -> memref<124x80xi32, #tpu.memory_space<vmem>>
        %dma_wait3A_54 = arith.constant 0 : i32
        %dma_wait3A_55 = tpu.memref_slice %arg4[%mul3A_36, %dma_wait3A_54] : memref<4000x80xi32, #tpu.memory_space<hbm>> -> memref<124x80xi32, #tpu.memory_space<hbm>>
        tpu.wait_dma2 semaphore(%run_scoped3A : memref<!tpu.dma_semaphore, #tpu.memory_space<semaphore_mem>>) src(%dma_wait3A_55 : memref<124x80xi32, #tpu.memory_space<hbm>>) dst(%dma_wait3A_53 : memref<124x80xi32, #tpu.memory_space<vmem>>)
        tpu.yield
      }) : () -> ()
    } else {
    }
    %eq3A_3 = arith.constant 1 : i32
    %eq3A_4 = arith.cmpi eq, %arg0, %eq3A_3 : i32
    %convert_element_type3A_5 = arith.extui %eq3A_4 : i1 to i32
    %cond3A_6 = arith.constant 0 : i32
    %cond3A_7 = arith.cmpi ne, %convert_element_type3A_5, %cond3A_6 : i32
    scf.if %cond3A_7 {
      %mul3A_29 = arith.constant 2 : i32
      %mul3A_30 = arith.muli %arg1, %mul3A_29 : i32
      %mul3A_31 = arith.constant 63 : i32
      %mul3A_32 = arith.muli %mul3A_30, %mul3A_31 : i32
      %add3A_33 = arith.constant 1984 : i32
      %add3A_34 = arith.addi %add3A_33, %mul3A_32 : i32
      "tpu.region"() ({
        %run_scoped3A = tpu.sem_alloc : memref<!tpu.dma_semaphore, #tpu.memory_space<semaphore_mem>>
        %dma_start3A_41 = arith.constant 0 : i32
        %dma_start3A_42 = arith.constant 0 : i32
        %dma_start3A_43 = tpu.memref_slice %arg7[%dma_start3A_41, %dma_start3A_42] : memref<126x80xi32, #tpu.memory_space<vmem>> -> memref<126x80xi32, #tpu.memory_space<vmem>>
        %dma_start3A_44 = arith.constant 0 : i32
        %dma_start3A_45 = tpu.memref_slice %arg3[%add3A_34, %dma_start3A_44] : memref<4000x80xi32, #tpu.memory_space<hbm>> -> memref<126x80xi32, #tpu.memory_space<hbm>>
        %dma_start3A_46 = arith.constant 0 : i32
        %dma_start3A_47 = arith.constant 0 : i32
        %dma_start3A_48 = tpu.memref_slice %arg7[%dma_start3A_46, %dma_start3A_47] : memref<126x80xi32, #tpu.memory_space<vmem>> -> memref<126x80xi32, #tpu.memory_space<vmem>>
        %dma_start3A_49 = arith.constant 0 : i32
        %dma_start3A_50 = tpu.memref_slice %arg3[%add3A_34, %dma_start3A_49] : memref<4000x80xi32, #tpu.memory_space<hbm>> -> memref<126x80xi32, #tpu.memory_space<hbm>>
        tpu.enqueue_dma source(%dma_start3A_50 : memref<126x80xi32, #tpu.memory_space<hbm>>) target(%dma_start3A_48 : memref<126x80xi32, #tpu.memory_space<vmem>>) target_semaphore(%run_scoped3A : memref<!tpu.dma_semaphore, #tpu.memory_space<semaphore_mem>>)
        %dma_wait3A = arith.constant 0 : i32
        %dma_wait3A_51 = arith.constant 0 : i32
        %dma_wait3A_52 = tpu.memref_slice %arg7[%dma_wait3A, %dma_wait3A_51] : memref<126x80xi32, #tpu.memory_space<vmem>> -> memref<126x80xi32, #tpu.memory_space<vmem>>
        %dma_wait3A_53 = arith.constant 0 : i32
        %dma_wait3A_54 = tpu.memref_slice %arg3[%add3A_34, %dma_wait3A_53] : memref<4000x80xi32, #tpu.memory_space<hbm>> -> memref<126x80xi32, #tpu.memory_space<hbm>>
        %dma_wait3A_55 = arith.constant 0 : i32
        %dma_wait3A_56 = arith.constant 0 : i32
        %dma_wait3A_57 = tpu.memref_slice %arg7[%dma_wait3A_55, %dma_wait3A_56] : memref<126x80xi32, #tpu.memory_space<vmem>> -> memref<126x80xi32, #tpu.memory_space<vmem>>
        %dma_wait3A_58 = arith.constant 0 : i32
        %dma_wait3A_59 = tpu.memref_slice %arg3[%add3A_34, %dma_wait3A_58] : memref<4000x80xi32, #tpu.memory_space<hbm>> -> memref<126x80xi32, #tpu.memory_space<hbm>>
        tpu.wait_dma2 semaphore(%run_scoped3A : memref<!tpu.dma_semaphore, #tpu.memory_space<semaphore_mem>>) src(%dma_wait3A_59 : memref<126x80xi32, #tpu.memory_space<hbm>>) dst(%dma_wait3A_57 : memref<126x80xi32, #tpu.memory_space<vmem>>)
        tpu.yield
      }) : () -> ()
      %mul3A_35 = arith.constant 2 : i32
      %mul3A_36 = arith.muli %arg1, %mul3A_35 : i32
      %mul3A_37 = arith.constant 63 : i32
      %mul3A_38 = arith.muli %mul3A_36, %mul3A_37 : i32
      %add3A_39 = arith.constant 1984 : i32
      %add3A_40 = arith.addi %add3A_39, %mul3A_38 : i32
      "tpu.region"() ({
        %run_scoped3A = tpu.sem_alloc : memref<!tpu.dma_semaphore, #tpu.memory_space<semaphore_mem>>
        %dma_start3A_41 = arith.constant 0 : i32
        %dma_start3A_42 = arith.constant 0 : i32
        %dma_start3A_43 = tpu.memref_slice %arg8[%dma_start3A_41, %dma_start3A_42] : memref<126x80xi32, #tpu.memory_space<vmem>> -> memref<126x80xi32, #tpu.memory_space<vmem>>
        %dma_start3A_44 = arith.constant 0 : i32
        %dma_start3A_45 = tpu.memref_slice %arg4[%add3A_40, %dma_start3A_44] : memref<4000x80xi32, #tpu.memory_space<hbm>> -> memref<126x80xi32, #tpu.memory_space<hbm>>
        %dma_start3A_46 = arith.constant 0 : i32
        %dma_start3A_47 = arith.constant 0 : i32
        %dma_start3A_48 = tpu.memref_slice %arg8[%dma_start3A_46, %dma_start3A_47] : memref<126x80xi32, #tpu.memory_space<vmem>> -> memref<126x80xi32, #tpu.memory_space<vmem>>
        %dma_start3A_49 = arith.constant 0 : i32
        %dma_start3A_50 = tpu.memref_slice %arg4[%add3A_40, %dma_start3A_49] : memref<4000x80xi32, #tpu.memory_space<hbm>> -> memref<126x80xi32, #tpu.memory_space<hbm>>
        tpu.enqueue_dma source(%dma_start3A_50 : memref<126x80xi32, #tpu.memory_space<hbm>>) target(%dma_start3A_48 : memref<126x80xi32, #tpu.memory_space<vmem>>) target_semaphore(%run_scoped3A : memref<!tpu.dma_semaphore, #tpu.memory_space<semaphore_mem>>)
        %dma_wait3A = arith.constant 0 : i32
        %dma_wait3A_51 = arith.constant 0 : i32
        %dma_wait3A_52 = tpu.memref_slice %arg8[%dma_wait3A, %dma_wait3A_51] : memref<126x80xi32, #tpu.memory_space<vmem>> -> memref<126x80xi32, #tpu.memory_space<vmem>>
        %dma_wait3A_53 = arith.constant 0 : i32
        %dma_wait3A_54 = tpu.memref_slice %arg4[%add3A_40, %dma_wait3A_53] : memref<4000x80xi32, #tpu.memory_space<hbm>> -> memref<126x80xi32, #tpu.memory_space<hbm>>
        %dma_wait3A_55 = arith.constant 0 : i32
        %dma_wait3A_56 = arith.constant 0 : i32
        %dma_wait3A_57 = tpu.memref_slice %arg8[%dma_wait3A_55, %dma_wait3A_56] : memref<126x80xi32, #tpu.memory_space<vmem>> -> memref<126x80xi32, #tpu.memory_space<vmem>>
        %dma_wait3A_58 = arith.constant 0 : i32
        %dma_wait3A_59 = tpu.memref_slice %arg4[%add3A_40, %dma_wait3A_58] : memref<4000x80xi32, #tpu.memory_space<hbm>> -> memref<126x80xi32, #tpu.memory_space<hbm>>
        tpu.wait_dma2 semaphore(%run_scoped3A : memref<!tpu.dma_semaphore, #tpu.memory_space<semaphore_mem>>) src(%dma_wait3A_59 : memref<126x80xi32, #tpu.memory_space<hbm>>) dst(%dma_wait3A_57 : memref<126x80xi32, #tpu.memory_space<vmem>>)
        tpu.yield
      }) : () -> ()
    } else {
    }
    %barrier3A = arith.constant 0 : index
    tpu.barrier barrier_id(%barrier3A)
    %eq3A_8 = arith.constant 0 : i32
    %eq3A_9 = arith.cmpi eq, %arg0, %eq3A_8 : i32
    %jit3A = arith.constant 62 : i32
    %jit3A_10 = arith.constant 63 : i32
    %select_n3A = arith.select %eq3A_9, %jit3A, %jit3A_10 : i32
    %dma_start3A = arith.constant 0 : i32
    %dma_start3A_11 = arith.constant 0 : i32
    %dma_start3A_12 = tpu.memref_slice %arg7[%dma_start3A, %dma_start3A_11] : memref<126x80xi32, #tpu.memory_space<vmem>> -> memref<1x80xi32, #tpu.memory_space<vmem>>
    %dma_start3A_13 = tpu.memref_squeeze %dma_start3A_12 : memref<1x80xi32, #tpu.memory_space<vmem>> -> memref<80xi32, #tpu.memory_space<vmem>>
    %dma_start3A_14 = arith.constant 0 : i32
    %dma_start3A_15 = arith.constant 0 : i32
    %dma_start3A_16 = tpu.memref_slice %arg2[%dma_start3A_14, %dma_start3A_15] : memref<10240x128xf32, #tpu.memory_space<hbm>> -> memref<10240x128xf32, #tpu.memory_space<hbm>>
    tpu.enqueue_indirect_dma source(%dma_start3A_16 : memref<10240x128xf32, #tpu.memory_space<hbm>>) target(%arg9 : memref<80x128xf32, #tpu.memory_space<vmem>>) offsets(%dma_start3A_13 : memref<80xi32, #tpu.memory_space<vmem>>) semaphore(%arg12 : memref<!tpu.dma_semaphore, #tpu.memory_space<semaphore_mem>>)
    %scan3A = arith.constant 0 : i32
    %scan3A_17 = arith.constant 0 : i32
    %scan3A_18 = arith.constant 63 : i32
    %scan3A_19 = arith.addi %scan3A_17, %scan3A_18 : i32
    %scan3A_20 = arith.constant 1 : i32
    scf.for %scan3A_29 = %scan3A_17 to %scan3A_19 step %scan3A_20  : i32 {
      %lt3A = arith.cmpi slt, %scan3A_29, %select_n3A : i32
      %convert_element_type3A_30 = arith.extui %lt3A : i1 to i32
      %cond3A_31 = arith.constant 0 : i32
      %cond3A_32 = arith.cmpi ne, %convert_element_type3A_30, %cond3A_31 : i32
      scf.if %cond3A_32 {
        %mul3A_33 = arith.constant 2 : i32
        %mul3A_34 = arith.muli %scan3A_29, %mul3A_33 : i32
        %add3A_35 = arith.constant 1 : i32
        %add3A_36 = arith.addi %mul3A_34, %add3A_35 : i32
        %dma_start3A_37 = arith.constant 0 : i32
        %dma_start3A_38 = tpu.memref_slice %arg7[%add3A_36, %dma_start3A_37] : memref<126x80xi32, #tpu.memory_space<vmem>> -> memref<1x80xi32, #tpu.memory_space<vmem>>
        %dma_start3A_39 = tpu.memref_squeeze %dma_start3A_38 : memref<1x80xi32, #tpu.memory_space<vmem>> -> memref<80xi32, #tpu.memory_space<vmem>>
        %dma_start3A_40 = arith.constant 0 : i32
        %dma_start3A_41 = arith.constant 0 : i32
        %dma_start3A_42 = tpu.memref_slice %arg2[%dma_start3A_40, %dma_start3A_41] : memref<10240x128xf32, #tpu.memory_space<hbm>> -> memref<10240x128xf32, #tpu.memory_space<hbm>>
        tpu.enqueue_indirect_dma source(%dma_start3A_42 : memref<10240x128xf32, #tpu.memory_space<hbm>>) target(%arg10 : memref<80x128xf32, #tpu.memory_space<vmem>>) offsets(%dma_start3A_39 : memref<80xi32, #tpu.memory_space<vmem>>) semaphore(%arg13 : memref<!tpu.dma_semaphore, #tpu.memory_space<semaphore_mem>>)
        %dma_wait3A = arith.constant 0 : i32
        %dma_wait3A_43 = tpu.memref_slice %arg7[%mul3A_34, %dma_wait3A] : memref<126x80xi32, #tpu.memory_space<vmem>> -> memref<1x80xi32, #tpu.memory_space<vmem>>
        %dma_wait3A_44 = tpu.memref_squeeze %dma_wait3A_43 : memref<1x80xi32, #tpu.memory_space<vmem>> -> memref<80xi32, #tpu.memory_space<vmem>>
        %dma_wait3A_45 = arith.constant 0 : i32
        %dma_wait3A_46 = arith.constant 0 : i32
        %dma_wait3A_47 = tpu.memref_slice %arg2[%dma_wait3A_45, %dma_wait3A_46] : memref<10240x128xf32, #tpu.memory_space<hbm>> -> memref<10240x128xf32, #tpu.memory_space<hbm>>
        tpu.wait_indirect_dma semaphore(%arg12 : memref<!tpu.dma_semaphore, #tpu.memory_space<semaphore_mem>>) src(%dma_wait3A_47 : memref<10240x128xf32, #tpu.memory_space<hbm>>) dst(%arg9 : memref<80x128xf32, #tpu.memory_space<vmem>>)
        "tpu.region"() ({
          %run_scoped3A = tpu.sem_alloc : memref<!tpu.dma_semaphore, #tpu.memory_space<semaphore_mem>>
          %dma_start3A_59 = arith.constant 0 : i32
          %dma_start3A_60 = tpu.memref_slice %arg8[%mul3A_34, %dma_start3A_59] : memref<126x80xi32, #tpu.memory_space<vmem>> -> memref<1x80xi32, #tpu.memory_space<vmem>>
          %dma_start3A_61 = tpu.memref_squeeze %dma_start3A_60 : memref<1x80xi32, #tpu.memory_space<vmem>> -> memref<80xi32, #tpu.memory_space<vmem>>
          %dma_start3A_62 = arith.constant 0 : i32
          %dma_start3A_63 = arith.constant 0 : i32
          %dma_start3A_64 = tpu.memref_slice %arg11[%dma_start3A_62, %dma_start3A_63] : memref<10240x128xf32, #tpu.memory_space<vmem_shared>> -> memref<10240x128xf32, #tpu.memory_space<vmem_shared>>
          tpu.enqueue_indirect_dma source(%arg9 : memref<80x128xf32, #tpu.memory_space<vmem>>) target(%dma_start3A_64 : memref<10240x128xf32, #tpu.memory_space<vmem_shared>>) offsets(%dma_start3A_61 : memref<80xi32, #tpu.memory_space<vmem>>) semaphore(%run_scoped3A : memref<!tpu.dma_semaphore, #tpu.memory_space<semaphore_mem>>) {add = true}
          %dma_wait3A_65 = arith.constant 0 : i32
          %dma_wait3A_66 = tpu.memref_slice %arg8[%mul3A_34, %dma_wait3A_65] : memref<126x80xi32, #tpu.memory_space<vmem>> -> memref<1x80xi32, #tpu.memory_space<vmem>>
          %dma_wait3A_67 = tpu.memref_squeeze %dma_wait3A_66 : memref<1x80xi32, #tpu.memory_space<vmem>> -> memref<80xi32, #tpu.memory_space<vmem>>
          %dma_wait3A_68 = arith.constant 0 : i32
          %dma_wait3A_69 = arith.constant 0 : i32
          %dma_wait3A_70 = tpu.memref_slice %arg11[%dma_wait3A_68, %dma_wait3A_69] : memref<10240x128xf32, #tpu.memory_space<vmem_shared>> -> memref<10240x128xf32, #tpu.memory_space<vmem_shared>>
          tpu.wait_indirect_dma semaphore(%run_scoped3A : memref<!tpu.dma_semaphore, #tpu.memory_space<semaphore_mem>>) src(%arg9 : memref<80x128xf32, #tpu.memory_space<vmem>>) dst(%dma_wait3A_70 : memref<10240x128xf32, #tpu.memory_space<vmem_shared>>)
          tpu.yield
        }) : () -> ()
        %sub3A = arith.constant 1 : i32
        %sub3A_48 = arith.subi %select_n3A, %sub3A : i32
        %lt3A_49 = arith.cmpi slt, %scan3A_29, %sub3A_48 : i32
        %convert_element_type3A_50 = arith.extui %lt3A_49 : i1 to i32
        %cond3A_51 = arith.constant 0 : i32
        %cond3A_52 = arith.cmpi ne, %convert_element_type3A_50, %cond3A_51 : i32
        scf.if %cond3A_52 {
          %add3A_59 = arith.constant 2 : i32
          %add3A_60 = arith.addi %mul3A_34, %add3A_59 : i32
          %dma_start3A_61 = arith.constant 0 : i32
          %dma_start3A_62 = tpu.memref_slice %arg7[%add3A_60, %dma_start3A_61] : memref<126x80xi32, #tpu.memory_space<vmem>> -> memref<1x80xi32, #tpu.memory_space<vmem>>
          %dma_start3A_63 = tpu.memref_squeeze %dma_start3A_62 : memref<1x80xi32, #tpu.memory_space<vmem>> -> memref<80xi32, #tpu.memory_space<vmem>>
          %dma_start3A_64 = arith.constant 0 : i32
          %dma_start3A_65 = arith.constant 0 : i32
          %dma_start3A_66 = tpu.memref_slice %arg2[%dma_start3A_64, %dma_start3A_65] : memref<10240x128xf32, #tpu.memory_space<hbm>> -> memref<10240x128xf32, #tpu.memory_space<hbm>>
          tpu.enqueue_indirect_dma source(%dma_start3A_66 : memref<10240x128xf32, #tpu.memory_space<hbm>>) target(%arg9 : memref<80x128xf32, #tpu.memory_space<vmem>>) offsets(%dma_start3A_63 : memref<80xi32, #tpu.memory_space<vmem>>) semaphore(%arg12 : memref<!tpu.dma_semaphore, #tpu.memory_space<semaphore_mem>>)
        } else {
        }
        %dma_wait3A_53 = arith.constant 0 : i32
        %dma_wait3A_54 = tpu.memref_slice %arg7[%add3A_36, %dma_wait3A_53] : memref<126x80xi32, #tpu.memory_space<vmem>> -> memref<1x80xi32, #tpu.memory_space<vmem>>
        %dma_wait3A_55 = tpu.memref_squeeze %dma_wait3A_54 : memref<1x80xi32, #tpu.memory_space<vmem>> -> memref<80xi32, #tpu.memory_space<vmem>>
        %dma_wait3A_56 = arith.constant 0 : i32
        %dma_wait3A_57 = arith.constant 0 : i32
        %dma_wait3A_58 = tpu.memref_slice %arg2[%dma_wait3A_56, %dma_wait3A_57] : memref<10240x128xf32, #tpu.memory_space<hbm>> -> memref<10240x128xf32, #tpu.memory_space<hbm>>
        tpu.wait_indirect_dma semaphore(%arg13 : memref<!tpu.dma_semaphore, #tpu.memory_space<semaphore_mem>>) src(%dma_wait3A_58 : memref<10240x128xf32, #tpu.memory_space<hbm>>) dst(%arg10 : memref<80x128xf32, #tpu.memory_space<vmem>>)
        "tpu.region"() ({
          %run_scoped3A = tpu.sem_alloc : memref<!tpu.dma_semaphore, #tpu.memory_space<semaphore_mem>>
          %dma_start3A_59 = arith.constant 0 : i32
          %dma_start3A_60 = tpu.memref_slice %arg8[%add3A_36, %dma_start3A_59] : memref<126x80xi32, #tpu.memory_space<vmem>> -> memref<1x80xi32, #tpu.memory_space<vmem>>
          %dma_start3A_61 = tpu.memref_squeeze %dma_start3A_60 : memref<1x80xi32, #tpu.memory_space<vmem>> -> memref<80xi32, #tpu.memory_space<vmem>>
          %dma_start3A_62 = arith.constant 0 : i32
          %dma_start3A_63 = arith.constant 0 : i32
          %dma_start3A_64 = tpu.memref_slice %arg11[%dma_start3A_62, %dma_start3A_63] : memref<10240x128xf32, #tpu.memory_space<vmem_shared>> -> memref<10240x128xf32, #tpu.memory_space<vmem_shared>>
          tpu.enqueue_indirect_dma source(%arg10 : memref<80x128xf32, #tpu.memory_space<vmem>>) target(%dma_start3A_64 : memref<10240x128xf32, #tpu.memory_space<vmem_shared>>) offsets(%dma_start3A_61 : memref<80xi32, #tpu.memory_space<vmem>>) semaphore(%run_scoped3A : memref<!tpu.dma_semaphore, #tpu.memory_space<semaphore_mem>>) {add = true}
          %dma_wait3A_65 = arith.constant 0 : i32
          %dma_wait3A_66 = tpu.memref_slice %arg8[%add3A_36, %dma_wait3A_65] : memref<126x80xi32, #tpu.memory_space<vmem>> -> memref<1x80xi32, #tpu.memory_space<vmem>>
          %dma_wait3A_67 = tpu.memref_squeeze %dma_wait3A_66 : memref<1x80xi32, #tpu.memory_space<vmem>> -> memref<80xi32, #tpu.memory_space<vmem>>
          %dma_wait3A_68 = arith.constant 0 : i32
          %dma_wait3A_69 = arith.constant 0 : i32
          %dma_wait3A_70 = tpu.memref_slice %arg11[%dma_wait3A_68, %dma_wait3A_69] : memref<10240x128xf32, #tpu.memory_space<vmem_shared>> -> memref<10240x128xf32, #tpu.memory_space<vmem_shared>>
          tpu.wait_indirect_dma semaphore(%run_scoped3A : memref<!tpu.dma_semaphore, #tpu.memory_space<semaphore_mem>>) src(%arg10 : memref<80x128xf32, #tpu.memory_space<vmem>>) dst(%dma_wait3A_70 : memref<10240x128xf32, #tpu.memory_space<vmem_shared>>)
          tpu.yield
        }) : () -> ()
      } else {
      }
    }
    %scan3A_21 = arith.constant 63 : i32
    %barrier3A_22 = arith.constant 0 : index
    tpu.barrier barrier_id(%barrier3A_22)
    %mul3A_23 = arith.constant 10240 : i32
    %mul3A_24 = arith.muli %arg0, %mul3A_23 : i32
    %mul3A_25 = arith.constant 640 : i32
    %mul3A_26 = arith.muli %arg1, %mul3A_25 : i32
    %add3A = arith.addi %mul3A_24, %mul3A_26 : i32
    %mul3A_27 = arith.constant 640 : i32
    %mul3A_28 = arith.muli %arg1, %mul3A_27 : i32
    "tpu.region"() ({
      %run_scoped3A = tpu.sem_alloc : memref<!tpu.dma_semaphore, #tpu.memory_space<semaphore_mem>>
      %dma_start3A_29 = arith.constant 0 : i32
      %dma_start3A_30 = tpu.memref_slice %arg6[%add3A, %dma_start3A_29] : memref<20480x128xf32, #tpu.memory_space<hbm>> -> memref<640x128xf32, #tpu.memory_space<hbm>>
      %dma_start3A_31 = arith.constant 0 : i32
      %dma_start3A_32 = tpu.memref_slice %arg11[%mul3A_28, %dma_start3A_31] : memref<10240x128xf32, #tpu.memory_space<vmem_shared>> -> memref<640x128xf32, #tpu.memory_space<vmem_shared>>
      tpu.enqueue_dma source(%dma_start3A_32 : memref<640x128xf32, #tpu.memory_space<vmem_shared>>) target(%dma_start3A_30 : memref<640x128xf32, #tpu.memory_space<hbm>>) target_semaphore(%run_scoped3A : memref<!tpu.dma_semaphore, #tpu.memory_space<semaphore_mem>>)
      %dma_wait3A = arith.constant 0 : i32
      %dma_wait3A_33 = tpu.memref_slice %arg6[%add3A, %dma_wait3A] : memref<20480x128xf32, #tpu.memory_space<hbm>> -> memref<640x128xf32, #tpu.memory_space<hbm>>
      %dma_wait3A_34 = arith.constant 0 : i32
      %dma_wait3A_35 = tpu.memref_slice %arg11[%mul3A_28, %dma_wait3A_34] : memref<10240x128xf32, #tpu.memory_space<vmem_shared>> -> memref<640x128xf32, #tpu.memory_space<vmem_shared>>
      tpu.wait_dma2 semaphore(%run_scoped3A : memref<!tpu.dma_semaphore, #tpu.memory_space<semaphore_mem>>) src(%dma_wait3A_35 : memref<640x128xf32, #tpu.memory_space<vmem_shared>>) dst(%dma_wait3A_33 : memref<640x128xf32, #tpu.memory_space<hbm>>)
      tpu.yield
    }) : () -> ()
    return
  }
}

#map = affine_map<(d0, d1) -> (0, 0)>
module attributes {stable_mosaic.version = 14 : i64} {
  func.func @body(%arg0: i32, %arg1: i32, %arg2: memref<10240x32xf32, #tpu.memory_space<hbm>>, %arg3: memref<2528x128xi32, #tpu.memory_space<hbm>>, %arg4: memref<2528x128xi32, #tpu.memory_space<hbm>>, %arg5: memref<640x32xf32, #tpu.memory_space<hbm>>, %arg6: memref<20480x32xf32, #tpu.memory_space<hbm>>, %arg7: memref<106x128xi32, #tpu.memory_space<vmem>>, %arg8: memref<106x128xi32, #tpu.memory_space<vmem>>, %arg9: memref<128x32xf32, #tpu.memory_space<vmem>>, %arg10: memref<128x32xf32, #tpu.memory_space<vmem>>, %arg11: memref<10240x32xf32, #tpu.memory_space<vmem_shared>>, %arg12: memref<!tpu.dma_semaphore, #tpu.memory_space<semaphore_mem>>, %arg13: memref<!tpu.dma_semaphore, #tpu.memory_space<semaphore_mem>>) attributes {dimension_semantics = [#tpu.dimension_semantics<core_parallel>, #tpu.dimension_semantics<subcore_parallel>], iteration_bounds = array<i64: 2, 16>, scalar_prefetch = 0 : i64, scratch_operands = 7 : i64, tpu.core_type = #tpu.core_type<sc_vector_subcore>, window_params = [{transform_indices = #map}, {transform_indices = #map}, {transform_indices = #map}, {transform_indices = #map}, {transform_indices = #map}]} {
    %mul3A = arith.constant 640 : i32
    %mul3A_0 = arith.muli %arg1, %mul3A : i32
    "tpu.region"() ({
      %run_scoped3A = tpu.sem_alloc : memref<!tpu.dma_semaphore, #tpu.memory_space<semaphore_mem>>
      %dma_start3A_29 = arith.constant 0 : i32
      %dma_start3A_30 = tpu.memref_slice %arg11[%mul3A_0, %dma_start3A_29] : memref<10240x32xf32, #tpu.memory_space<vmem_shared>> -> memref<640x32xf32, #tpu.memory_space<vmem_shared>>
      tpu.enqueue_dma source(%arg5 : memref<640x32xf32, #tpu.memory_space<hbm>>) target(%dma_start3A_30 : memref<640x32xf32, #tpu.memory_space<vmem_shared>>) target_semaphore(%run_scoped3A : memref<!tpu.dma_semaphore, #tpu.memory_space<semaphore_mem>>)
      %dma_wait3A = arith.constant 0 : i32
      %dma_wait3A_31 = tpu.memref_slice %arg11[%mul3A_0, %dma_wait3A] : memref<10240x32xf32, #tpu.memory_space<vmem_shared>> -> memref<640x32xf32, #tpu.memory_space<vmem_shared>>
      tpu.wait_dma2 semaphore(%run_scoped3A : memref<!tpu.dma_semaphore, #tpu.memory_space<semaphore_mem>>) src(%arg5 : memref<640x32xf32, #tpu.memory_space<hbm>>) dst(%dma_wait3A_31 : memref<640x32xf32, #tpu.memory_space<vmem_shared>>)
      tpu.yield
    }) : () -> ()
    %eq3A = arith.constant 0 : i32
    %eq3A_1 = arith.cmpi eq, %arg0, %eq3A : i32
    %convert_element_type3A = arith.extui %eq3A_1 : i1 to i32
    %cond3A = arith.constant 0 : i32
    %cond3A_2 = arith.cmpi ne, %convert_element_type3A, %cond3A : i32
    scf.if %cond3A_2 {
      %mul3A_29 = arith.constant 2 : i32
      %mul3A_30 = arith.muli %arg1, %mul3A_29 : i32
      %mul3A_31 = arith.constant 53 : i32
      %mul3A_32 = arith.muli %mul3A_30, %mul3A_31 : i32
      "tpu.region"() ({
        %run_scoped3A = tpu.sem_alloc : memref<!tpu.dma_semaphore, #tpu.memory_space<semaphore_mem>>
        %dma_start3A_37 = arith.constant 0 : i32
        %dma_start3A_38 = arith.constant 0 : i32
        %dma_start3A_39 = tpu.memref_slice %arg7[%dma_start3A_37, %dma_start3A_38] : memref<106x128xi32, #tpu.memory_space<vmem>> -> memref<106x128xi32, #tpu.memory_space<vmem>>
        %dma_start3A_40 = arith.constant 0 : i32
        %dma_start3A_41 = tpu.memref_slice %arg3[%mul3A_32, %dma_start3A_40] : memref<2528x128xi32, #tpu.memory_space<hbm>> -> memref<106x128xi32, #tpu.memory_space<hbm>>
        %dma_start3A_42 = arith.constant 0 : i32
        %dma_start3A_43 = arith.constant 0 : i32
        %dma_start3A_44 = tpu.memref_slice %arg7[%dma_start3A_42, %dma_start3A_43] : memref<106x128xi32, #tpu.memory_space<vmem>> -> memref<106x128xi32, #tpu.memory_space<vmem>>
        %dma_start3A_45 = arith.constant 0 : i32
        %dma_start3A_46 = tpu.memref_slice %arg3[%mul3A_32, %dma_start3A_45] : memref<2528x128xi32, #tpu.memory_space<hbm>> -> memref<106x128xi32, #tpu.memory_space<hbm>>
        tpu.enqueue_dma source(%dma_start3A_46 : memref<106x128xi32, #tpu.memory_space<hbm>>) target(%dma_start3A_44 : memref<106x128xi32, #tpu.memory_space<vmem>>) target_semaphore(%run_scoped3A : memref<!tpu.dma_semaphore, #tpu.memory_space<semaphore_mem>>)
        %dma_wait3A = arith.constant 0 : i32
        %dma_wait3A_47 = arith.constant 0 : i32
        %dma_wait3A_48 = tpu.memref_slice %arg7[%dma_wait3A, %dma_wait3A_47] : memref<106x128xi32, #tpu.memory_space<vmem>> -> memref<106x128xi32, #tpu.memory_space<vmem>>
        %dma_wait3A_49 = arith.constant 0 : i32
        %dma_wait3A_50 = tpu.memref_slice %arg3[%mul3A_32, %dma_wait3A_49] : memref<2528x128xi32, #tpu.memory_space<hbm>> -> memref<106x128xi32, #tpu.memory_space<hbm>>
        %dma_wait3A_51 = arith.constant 0 : i32
        %dma_wait3A_52 = arith.constant 0 : i32
        %dma_wait3A_53 = tpu.memref_slice %arg7[%dma_wait3A_51, %dma_wait3A_52] : memref<106x128xi32, #tpu.memory_space<vmem>> -> memref<106x128xi32, #tpu.memory_space<vmem>>
        %dma_wait3A_54 = arith.constant 0 : i32
        %dma_wait3A_55 = tpu.memref_slice %arg3[%mul3A_32, %dma_wait3A_54] : memref<2528x128xi32, #tpu.memory_space<hbm>> -> memref<106x128xi32, #tpu.memory_space<hbm>>
        tpu.wait_dma2 semaphore(%run_scoped3A : memref<!tpu.dma_semaphore, #tpu.memory_space<semaphore_mem>>) src(%dma_wait3A_55 : memref<106x128xi32, #tpu.memory_space<hbm>>) dst(%dma_wait3A_53 : memref<106x128xi32, #tpu.memory_space<vmem>>)
        tpu.yield
      }) : () -> ()
      %mul3A_33 = arith.constant 2 : i32
      %mul3A_34 = arith.muli %arg1, %mul3A_33 : i32
      %mul3A_35 = arith.constant 53 : i32
      %mul3A_36 = arith.muli %mul3A_34, %mul3A_35 : i32
      "tpu.region"() ({
        %run_scoped3A = tpu.sem_alloc : memref<!tpu.dma_semaphore, #tpu.memory_space<semaphore_mem>>
        %dma_start3A_37 = arith.constant 0 : i32
        %dma_start3A_38 = arith.constant 0 : i32
        %dma_start3A_39 = tpu.memref_slice %arg8[%dma_start3A_37, %dma_start3A_38] : memref<106x128xi32, #tpu.memory_space<vmem>> -> memref<106x128xi32, #tpu.memory_space<vmem>>
        %dma_start3A_40 = arith.constant 0 : i32
        %dma_start3A_41 = tpu.memref_slice %arg4[%mul3A_36, %dma_start3A_40] : memref<2528x128xi32, #tpu.memory_space<hbm>> -> memref<106x128xi32, #tpu.memory_space<hbm>>
        %dma_start3A_42 = arith.constant 0 : i32
        %dma_start3A_43 = arith.constant 0 : i32
        %dma_start3A_44 = tpu.memref_slice %arg8[%dma_start3A_42, %dma_start3A_43] : memref<106x128xi32, #tpu.memory_space<vmem>> -> memref<106x128xi32, #tpu.memory_space<vmem>>
        %dma_start3A_45 = arith.constant 0 : i32
        %dma_start3A_46 = tpu.memref_slice %arg4[%mul3A_36, %dma_start3A_45] : memref<2528x128xi32, #tpu.memory_space<hbm>> -> memref<106x128xi32, #tpu.memory_space<hbm>>
        tpu.enqueue_dma source(%dma_start3A_46 : memref<106x128xi32, #tpu.memory_space<hbm>>) target(%dma_start3A_44 : memref<106x128xi32, #tpu.memory_space<vmem>>) target_semaphore(%run_scoped3A : memref<!tpu.dma_semaphore, #tpu.memory_space<semaphore_mem>>)
        %dma_wait3A = arith.constant 0 : i32
        %dma_wait3A_47 = arith.constant 0 : i32
        %dma_wait3A_48 = tpu.memref_slice %arg8[%dma_wait3A, %dma_wait3A_47] : memref<106x128xi32, #tpu.memory_space<vmem>> -> memref<106x128xi32, #tpu.memory_space<vmem>>
        %dma_wait3A_49 = arith.constant 0 : i32
        %dma_wait3A_50 = tpu.memref_slice %arg4[%mul3A_36, %dma_wait3A_49] : memref<2528x128xi32, #tpu.memory_space<hbm>> -> memref<106x128xi32, #tpu.memory_space<hbm>>
        %dma_wait3A_51 = arith.constant 0 : i32
        %dma_wait3A_52 = arith.constant 0 : i32
        %dma_wait3A_53 = tpu.memref_slice %arg8[%dma_wait3A_51, %dma_wait3A_52] : memref<106x128xi32, #tpu.memory_space<vmem>> -> memref<106x128xi32, #tpu.memory_space<vmem>>
        %dma_wait3A_54 = arith.constant 0 : i32
        %dma_wait3A_55 = tpu.memref_slice %arg4[%mul3A_36, %dma_wait3A_54] : memref<2528x128xi32, #tpu.memory_space<hbm>> -> memref<106x128xi32, #tpu.memory_space<hbm>>
        tpu.wait_dma2 semaphore(%run_scoped3A : memref<!tpu.dma_semaphore, #tpu.memory_space<semaphore_mem>>) src(%dma_wait3A_55 : memref<106x128xi32, #tpu.memory_space<hbm>>) dst(%dma_wait3A_53 : memref<106x128xi32, #tpu.memory_space<vmem>>)
        tpu.yield
      }) : () -> ()
    } else {
    }
    %eq3A_3 = arith.constant 1 : i32
    %eq3A_4 = arith.cmpi eq, %arg0, %eq3A_3 : i32
    %convert_element_type3A_5 = arith.extui %eq3A_4 : i1 to i32
    %cond3A_6 = arith.constant 0 : i32
    %cond3A_7 = arith.cmpi ne, %convert_element_type3A_5, %cond3A_6 : i32
    scf.if %cond3A_7 {
      %mul3A_29 = arith.constant 2 : i32
      %mul3A_30 = arith.muli %arg1, %mul3A_29 : i32
      %mul3A_31 = arith.constant 26 : i32
      %mul3A_32 = arith.muli %mul3A_30, %mul3A_31 : i32
      %add3A_33 = arith.constant 1696 : i32
      %add3A_34 = arith.addi %add3A_33, %mul3A_32 : i32
      "tpu.region"() ({
        %run_scoped3A = tpu.sem_alloc : memref<!tpu.dma_semaphore, #tpu.memory_space<semaphore_mem>>
        %dma_start3A_41 = arith.constant 0 : i32
        %dma_start3A_42 = arith.constant 0 : i32
        %dma_start3A_43 = tpu.memref_slice %arg7[%dma_start3A_41, %dma_start3A_42] : memref<106x128xi32, #tpu.memory_space<vmem>> -> memref<52x128xi32, #tpu.memory_space<vmem>>
        %dma_start3A_44 = arith.constant 0 : i32
        %dma_start3A_45 = tpu.memref_slice %arg3[%add3A_34, %dma_start3A_44] : memref<2528x128xi32, #tpu.memory_space<hbm>> -> memref<52x128xi32, #tpu.memory_space<hbm>>
        %dma_start3A_46 = arith.constant 0 : i32
        %dma_start3A_47 = arith.constant 0 : i32
        %dma_start3A_48 = tpu.memref_slice %arg7[%dma_start3A_46, %dma_start3A_47] : memref<106x128xi32, #tpu.memory_space<vmem>> -> memref<52x128xi32, #tpu.memory_space<vmem>>
        %dma_start3A_49 = arith.constant 0 : i32
        %dma_start3A_50 = tpu.memref_slice %arg3[%add3A_34, %dma_start3A_49] : memref<2528x128xi32, #tpu.memory_space<hbm>> -> memref<52x128xi32, #tpu.memory_space<hbm>>
        tpu.enqueue_dma source(%dma_start3A_50 : memref<52x128xi32, #tpu.memory_space<hbm>>) target(%dma_start3A_48 : memref<52x128xi32, #tpu.memory_space<vmem>>) target_semaphore(%run_scoped3A : memref<!tpu.dma_semaphore, #tpu.memory_space<semaphore_mem>>)
        %dma_wait3A = arith.constant 0 : i32
        %dma_wait3A_51 = arith.constant 0 : i32
        %dma_wait3A_52 = tpu.memref_slice %arg7[%dma_wait3A, %dma_wait3A_51] : memref<106x128xi32, #tpu.memory_space<vmem>> -> memref<52x128xi32, #tpu.memory_space<vmem>>
        %dma_wait3A_53 = arith.constant 0 : i32
        %dma_wait3A_54 = tpu.memref_slice %arg3[%add3A_34, %dma_wait3A_53] : memref<2528x128xi32, #tpu.memory_space<hbm>> -> memref<52x128xi32, #tpu.memory_space<hbm>>
        %dma_wait3A_55 = arith.constant 0 : i32
        %dma_wait3A_56 = arith.constant 0 : i32
        %dma_wait3A_57 = tpu.memref_slice %arg7[%dma_wait3A_55, %dma_wait3A_56] : memref<106x128xi32, #tpu.memory_space<vmem>> -> memref<52x128xi32, #tpu.memory_space<vmem>>
        %dma_wait3A_58 = arith.constant 0 : i32
        %dma_wait3A_59 = tpu.memref_slice %arg3[%add3A_34, %dma_wait3A_58] : memref<2528x128xi32, #tpu.memory_space<hbm>> -> memref<52x128xi32, #tpu.memory_space<hbm>>
        tpu.wait_dma2 semaphore(%run_scoped3A : memref<!tpu.dma_semaphore, #tpu.memory_space<semaphore_mem>>) src(%dma_wait3A_59 : memref<52x128xi32, #tpu.memory_space<hbm>>) dst(%dma_wait3A_57 : memref<52x128xi32, #tpu.memory_space<vmem>>)
        tpu.yield
      }) : () -> ()
      %mul3A_35 = arith.constant 2 : i32
      %mul3A_36 = arith.muli %arg1, %mul3A_35 : i32
      %mul3A_37 = arith.constant 26 : i32
      %mul3A_38 = arith.muli %mul3A_36, %mul3A_37 : i32
      %add3A_39 = arith.constant 1696 : i32
      %add3A_40 = arith.addi %add3A_39, %mul3A_38 : i32
      "tpu.region"() ({
        %run_scoped3A = tpu.sem_alloc : memref<!tpu.dma_semaphore, #tpu.memory_space<semaphore_mem>>
        %dma_start3A_41 = arith.constant 0 : i32
        %dma_start3A_42 = arith.constant 0 : i32
        %dma_start3A_43 = tpu.memref_slice %arg8[%dma_start3A_41, %dma_start3A_42] : memref<106x128xi32, #tpu.memory_space<vmem>> -> memref<52x128xi32, #tpu.memory_space<vmem>>
        %dma_start3A_44 = arith.constant 0 : i32
        %dma_start3A_45 = tpu.memref_slice %arg4[%add3A_40, %dma_start3A_44] : memref<2528x128xi32, #tpu.memory_space<hbm>> -> memref<52x128xi32, #tpu.memory_space<hbm>>
        %dma_start3A_46 = arith.constant 0 : i32
        %dma_start3A_47 = arith.constant 0 : i32
        %dma_start3A_48 = tpu.memref_slice %arg8[%dma_start3A_46, %dma_start3A_47] : memref<106x128xi32, #tpu.memory_space<vmem>> -> memref<52x128xi32, #tpu.memory_space<vmem>>
        %dma_start3A_49 = arith.constant 0 : i32
        %dma_start3A_50 = tpu.memref_slice %arg4[%add3A_40, %dma_start3A_49] : memref<2528x128xi32, #tpu.memory_space<hbm>> -> memref<52x128xi32, #tpu.memory_space<hbm>>
        tpu.enqueue_dma source(%dma_start3A_50 : memref<52x128xi32, #tpu.memory_space<hbm>>) target(%dma_start3A_48 : memref<52x128xi32, #tpu.memory_space<vmem>>) target_semaphore(%run_scoped3A : memref<!tpu.dma_semaphore, #tpu.memory_space<semaphore_mem>>)
        %dma_wait3A = arith.constant 0 : i32
        %dma_wait3A_51 = arith.constant 0 : i32
        %dma_wait3A_52 = tpu.memref_slice %arg8[%dma_wait3A, %dma_wait3A_51] : memref<106x128xi32, #tpu.memory_space<vmem>> -> memref<52x128xi32, #tpu.memory_space<vmem>>
        %dma_wait3A_53 = arith.constant 0 : i32
        %dma_wait3A_54 = tpu.memref_slice %arg4[%add3A_40, %dma_wait3A_53] : memref<2528x128xi32, #tpu.memory_space<hbm>> -> memref<52x128xi32, #tpu.memory_space<hbm>>
        %dma_wait3A_55 = arith.constant 0 : i32
        %dma_wait3A_56 = arith.constant 0 : i32
        %dma_wait3A_57 = tpu.memref_slice %arg8[%dma_wait3A_55, %dma_wait3A_56] : memref<106x128xi32, #tpu.memory_space<vmem>> -> memref<52x128xi32, #tpu.memory_space<vmem>>
        %dma_wait3A_58 = arith.constant 0 : i32
        %dma_wait3A_59 = tpu.memref_slice %arg4[%add3A_40, %dma_wait3A_58] : memref<2528x128xi32, #tpu.memory_space<hbm>> -> memref<52x128xi32, #tpu.memory_space<hbm>>
        tpu.wait_dma2 semaphore(%run_scoped3A : memref<!tpu.dma_semaphore, #tpu.memory_space<semaphore_mem>>) src(%dma_wait3A_59 : memref<52x128xi32, #tpu.memory_space<hbm>>) dst(%dma_wait3A_57 : memref<52x128xi32, #tpu.memory_space<vmem>>)
        tpu.yield
      }) : () -> ()
    } else {
    }
    %barrier3A = arith.constant 0 : index
    tpu.barrier barrier_id(%barrier3A)
    %eq3A_8 = arith.constant 0 : i32
    %eq3A_9 = arith.cmpi eq, %arg0, %eq3A_8 : i32
    %jit3A = arith.constant 53 : i32
    %jit3A_10 = arith.constant 26 : i32
    %select_n3A = arith.select %eq3A_9, %jit3A, %jit3A_10 : i32
    %dma_start3A = arith.constant 0 : i32
    %dma_start3A_11 = arith.constant 0 : i32
    %dma_start3A_12 = tpu.memref_slice %arg7[%dma_start3A, %dma_start3A_11] : memref<106x128xi32, #tpu.memory_space<vmem>> -> memref<1x128xi32, #tpu.memory_space<vmem>>
    %dma_start3A_13 = tpu.memref_squeeze %dma_start3A_12 : memref<1x128xi32, #tpu.memory_space<vmem>> -> memref<128xi32, #tpu.memory_space<vmem>>
    %dma_start3A_14 = arith.constant 0 : i32
    %dma_start3A_15 = arith.constant 0 : i32
    %dma_start3A_16 = tpu.memref_slice %arg2[%dma_start3A_14, %dma_start3A_15] : memref<10240x32xf32, #tpu.memory_space<hbm>> -> memref<10240x32xf32, #tpu.memory_space<hbm>>
    tpu.enqueue_indirect_dma source(%dma_start3A_16 : memref<10240x32xf32, #tpu.memory_space<hbm>>) target(%arg9 : memref<128x32xf32, #tpu.memory_space<vmem>>) offsets(%dma_start3A_13 : memref<128xi32, #tpu.memory_space<vmem>>) semaphore(%arg12 : memref<!tpu.dma_semaphore, #tpu.memory_space<semaphore_mem>>)
    %scan3A = arith.constant 0 : i32
    %scan3A_17 = arith.constant 0 : i32
    %scan3A_18 = arith.constant 53 : i32
    %scan3A_19 = arith.addi %scan3A_17, %scan3A_18 : i32
    %scan3A_20 = arith.constant 1 : i32
    scf.for %scan3A_29 = %scan3A_17 to %scan3A_19 step %scan3A_20  : i32 {
      %lt3A = arith.cmpi slt, %scan3A_29, %select_n3A : i32
      %convert_element_type3A_30 = arith.extui %lt3A : i1 to i32
      %cond3A_31 = arith.constant 0 : i32
      %cond3A_32 = arith.cmpi ne, %convert_element_type3A_30, %cond3A_31 : i32
      scf.if %cond3A_32 {
        %mul3A_33 = arith.constant 2 : i32
        %mul3A_34 = arith.muli %scan3A_29, %mul3A_33 : i32
        %add3A_35 = arith.constant 1 : i32
        %add3A_36 = arith.addi %mul3A_34, %add3A_35 : i32
        %dma_start3A_37 = arith.constant 0 : i32
        %dma_start3A_38 = tpu.memref_slice %arg7[%add3A_36, %dma_start3A_37] : memref<106x128xi32, #tpu.memory_space<vmem>> -> memref<1x128xi32, #tpu.memory_space<vmem>>
        %dma_start3A_39 = tpu.memref_squeeze %dma_start3A_38 : memref<1x128xi32, #tpu.memory_space<vmem>> -> memref<128xi32, #tpu.memory_space<vmem>>
        %dma_start3A_40 = arith.constant 0 : i32
        %dma_start3A_41 = arith.constant 0 : i32
        %dma_start3A_42 = tpu.memref_slice %arg2[%dma_start3A_40, %dma_start3A_41] : memref<10240x32xf32, #tpu.memory_space<hbm>> -> memref<10240x32xf32, #tpu.memory_space<hbm>>
        tpu.enqueue_indirect_dma source(%dma_start3A_42 : memref<10240x32xf32, #tpu.memory_space<hbm>>) target(%arg10 : memref<128x32xf32, #tpu.memory_space<vmem>>) offsets(%dma_start3A_39 : memref<128xi32, #tpu.memory_space<vmem>>) semaphore(%arg13 : memref<!tpu.dma_semaphore, #tpu.memory_space<semaphore_mem>>)
        %dma_wait3A = arith.constant 0 : i32
        %dma_wait3A_43 = tpu.memref_slice %arg7[%mul3A_34, %dma_wait3A] : memref<106x128xi32, #tpu.memory_space<vmem>> -> memref<1x128xi32, #tpu.memory_space<vmem>>
        %dma_wait3A_44 = tpu.memref_squeeze %dma_wait3A_43 : memref<1x128xi32, #tpu.memory_space<vmem>> -> memref<128xi32, #tpu.memory_space<vmem>>
        %dma_wait3A_45 = arith.constant 0 : i32
        %dma_wait3A_46 = arith.constant 0 : i32
        %dma_wait3A_47 = tpu.memref_slice %arg2[%dma_wait3A_45, %dma_wait3A_46] : memref<10240x32xf32, #tpu.memory_space<hbm>> -> memref<10240x32xf32, #tpu.memory_space<hbm>>
        tpu.wait_indirect_dma semaphore(%arg12 : memref<!tpu.dma_semaphore, #tpu.memory_space<semaphore_mem>>) src(%dma_wait3A_47 : memref<10240x32xf32, #tpu.memory_space<hbm>>) dst(%arg9 : memref<128x32xf32, #tpu.memory_space<vmem>>)
        "tpu.region"() ({
          %run_scoped3A = tpu.sem_alloc : memref<!tpu.dma_semaphore, #tpu.memory_space<semaphore_mem>>
          %dma_start3A_59 = arith.constant 0 : i32
          %dma_start3A_60 = tpu.memref_slice %arg8[%mul3A_34, %dma_start3A_59] : memref<106x128xi32, #tpu.memory_space<vmem>> -> memref<1x128xi32, #tpu.memory_space<vmem>>
          %dma_start3A_61 = tpu.memref_squeeze %dma_start3A_60 : memref<1x128xi32, #tpu.memory_space<vmem>> -> memref<128xi32, #tpu.memory_space<vmem>>
          %dma_start3A_62 = arith.constant 0 : i32
          %dma_start3A_63 = arith.constant 0 : i32
          %dma_start3A_64 = tpu.memref_slice %arg11[%dma_start3A_62, %dma_start3A_63] : memref<10240x32xf32, #tpu.memory_space<vmem_shared>> -> memref<10240x32xf32, #tpu.memory_space<vmem_shared>>
          tpu.enqueue_indirect_dma source(%arg9 : memref<128x32xf32, #tpu.memory_space<vmem>>) target(%dma_start3A_64 : memref<10240x32xf32, #tpu.memory_space<vmem_shared>>) offsets(%dma_start3A_61 : memref<128xi32, #tpu.memory_space<vmem>>) semaphore(%run_scoped3A : memref<!tpu.dma_semaphore, #tpu.memory_space<semaphore_mem>>) {add = true}
          %dma_wait3A_65 = arith.constant 0 : i32
          %dma_wait3A_66 = tpu.memref_slice %arg8[%mul3A_34, %dma_wait3A_65] : memref<106x128xi32, #tpu.memory_space<vmem>> -> memref<1x128xi32, #tpu.memory_space<vmem>>
          %dma_wait3A_67 = tpu.memref_squeeze %dma_wait3A_66 : memref<1x128xi32, #tpu.memory_space<vmem>> -> memref<128xi32, #tpu.memory_space<vmem>>
          %dma_wait3A_68 = arith.constant 0 : i32
          %dma_wait3A_69 = arith.constant 0 : i32
          %dma_wait3A_70 = tpu.memref_slice %arg11[%dma_wait3A_68, %dma_wait3A_69] : memref<10240x32xf32, #tpu.memory_space<vmem_shared>> -> memref<10240x32xf32, #tpu.memory_space<vmem_shared>>
          tpu.wait_indirect_dma semaphore(%run_scoped3A : memref<!tpu.dma_semaphore, #tpu.memory_space<semaphore_mem>>) src(%arg9 : memref<128x32xf32, #tpu.memory_space<vmem>>) dst(%dma_wait3A_70 : memref<10240x32xf32, #tpu.memory_space<vmem_shared>>)
          tpu.yield
        }) : () -> ()
        %sub3A = arith.constant 1 : i32
        %sub3A_48 = arith.subi %select_n3A, %sub3A : i32
        %lt3A_49 = arith.cmpi slt, %scan3A_29, %sub3A_48 : i32
        %convert_element_type3A_50 = arith.extui %lt3A_49 : i1 to i32
        %cond3A_51 = arith.constant 0 : i32
        %cond3A_52 = arith.cmpi ne, %convert_element_type3A_50, %cond3A_51 : i32
        scf.if %cond3A_52 {
          %add3A_59 = arith.constant 2 : i32
          %add3A_60 = arith.addi %mul3A_34, %add3A_59 : i32
          %dma_start3A_61 = arith.constant 0 : i32
          %dma_start3A_62 = tpu.memref_slice %arg7[%add3A_60, %dma_start3A_61] : memref<106x128xi32, #tpu.memory_space<vmem>> -> memref<1x128xi32, #tpu.memory_space<vmem>>
          %dma_start3A_63 = tpu.memref_squeeze %dma_start3A_62 : memref<1x128xi32, #tpu.memory_space<vmem>> -> memref<128xi32, #tpu.memory_space<vmem>>
          %dma_start3A_64 = arith.constant 0 : i32
          %dma_start3A_65 = arith.constant 0 : i32
          %dma_start3A_66 = tpu.memref_slice %arg2[%dma_start3A_64, %dma_start3A_65] : memref<10240x32xf32, #tpu.memory_space<hbm>> -> memref<10240x32xf32, #tpu.memory_space<hbm>>
          tpu.enqueue_indirect_dma source(%dma_start3A_66 : memref<10240x32xf32, #tpu.memory_space<hbm>>) target(%arg9 : memref<128x32xf32, #tpu.memory_space<vmem>>) offsets(%dma_start3A_63 : memref<128xi32, #tpu.memory_space<vmem>>) semaphore(%arg12 : memref<!tpu.dma_semaphore, #tpu.memory_space<semaphore_mem>>)
        } else {
        }
        %dma_wait3A_53 = arith.constant 0 : i32
        %dma_wait3A_54 = tpu.memref_slice %arg7[%add3A_36, %dma_wait3A_53] : memref<106x128xi32, #tpu.memory_space<vmem>> -> memref<1x128xi32, #tpu.memory_space<vmem>>
        %dma_wait3A_55 = tpu.memref_squeeze %dma_wait3A_54 : memref<1x128xi32, #tpu.memory_space<vmem>> -> memref<128xi32, #tpu.memory_space<vmem>>
        %dma_wait3A_56 = arith.constant 0 : i32
        %dma_wait3A_57 = arith.constant 0 : i32
        %dma_wait3A_58 = tpu.memref_slice %arg2[%dma_wait3A_56, %dma_wait3A_57] : memref<10240x32xf32, #tpu.memory_space<hbm>> -> memref<10240x32xf32, #tpu.memory_space<hbm>>
        tpu.wait_indirect_dma semaphore(%arg13 : memref<!tpu.dma_semaphore, #tpu.memory_space<semaphore_mem>>) src(%dma_wait3A_58 : memref<10240x32xf32, #tpu.memory_space<hbm>>) dst(%arg10 : memref<128x32xf32, #tpu.memory_space<vmem>>)
        "tpu.region"() ({
          %run_scoped3A = tpu.sem_alloc : memref<!tpu.dma_semaphore, #tpu.memory_space<semaphore_mem>>
          %dma_start3A_59 = arith.constant 0 : i32
          %dma_start3A_60 = tpu.memref_slice %arg8[%add3A_36, %dma_start3A_59] : memref<106x128xi32, #tpu.memory_space<vmem>> -> memref<1x128xi32, #tpu.memory_space<vmem>>
          %dma_start3A_61 = tpu.memref_squeeze %dma_start3A_60 : memref<1x128xi32, #tpu.memory_space<vmem>> -> memref<128xi32, #tpu.memory_space<vmem>>
          %dma_start3A_62 = arith.constant 0 : i32
          %dma_start3A_63 = arith.constant 0 : i32
          %dma_start3A_64 = tpu.memref_slice %arg11[%dma_start3A_62, %dma_start3A_63] : memref<10240x32xf32, #tpu.memory_space<vmem_shared>> -> memref<10240x32xf32, #tpu.memory_space<vmem_shared>>
          tpu.enqueue_indirect_dma source(%arg10 : memref<128x32xf32, #tpu.memory_space<vmem>>) target(%dma_start3A_64 : memref<10240x32xf32, #tpu.memory_space<vmem_shared>>) offsets(%dma_start3A_61 : memref<128xi32, #tpu.memory_space<vmem>>) semaphore(%run_scoped3A : memref<!tpu.dma_semaphore, #tpu.memory_space<semaphore_mem>>) {add = true}
          %dma_wait3A_65 = arith.constant 0 : i32
          %dma_wait3A_66 = tpu.memref_slice %arg8[%add3A_36, %dma_wait3A_65] : memref<106x128xi32, #tpu.memory_space<vmem>> -> memref<1x128xi32, #tpu.memory_space<vmem>>
          %dma_wait3A_67 = tpu.memref_squeeze %dma_wait3A_66 : memref<1x128xi32, #tpu.memory_space<vmem>> -> memref<128xi32, #tpu.memory_space<vmem>>
          %dma_wait3A_68 = arith.constant 0 : i32
          %dma_wait3A_69 = arith.constant 0 : i32
          %dma_wait3A_70 = tpu.memref_slice %arg11[%dma_wait3A_68, %dma_wait3A_69] : memref<10240x32xf32, #tpu.memory_space<vmem_shared>> -> memref<10240x32xf32, #tpu.memory_space<vmem_shared>>
          tpu.wait_indirect_dma semaphore(%run_scoped3A : memref<!tpu.dma_semaphore, #tpu.memory_space<semaphore_mem>>) src(%arg10 : memref<128x32xf32, #tpu.memory_space<vmem>>) dst(%dma_wait3A_70 : memref<10240x32xf32, #tpu.memory_space<vmem_shared>>)
          tpu.yield
        }) : () -> ()
      } else {
      }
    }
    %scan3A_21 = arith.constant 53 : i32
    %barrier3A_22 = arith.constant 0 : index
    tpu.barrier barrier_id(%barrier3A_22)
    %mul3A_23 = arith.constant 10240 : i32
    %mul3A_24 = arith.muli %arg0, %mul3A_23 : i32
    %mul3A_25 = arith.constant 640 : i32
    %mul3A_26 = arith.muli %arg1, %mul3A_25 : i32
    %add3A = arith.addi %mul3A_24, %mul3A_26 : i32
    %mul3A_27 = arith.constant 640 : i32
    %mul3A_28 = arith.muli %arg1, %mul3A_27 : i32
    "tpu.region"() ({
      %run_scoped3A = tpu.sem_alloc : memref<!tpu.dma_semaphore, #tpu.memory_space<semaphore_mem>>
      %dma_start3A_29 = arith.constant 0 : i32
      %dma_start3A_30 = tpu.memref_slice %arg6[%add3A, %dma_start3A_29] : memref<20480x32xf32, #tpu.memory_space<hbm>> -> memref<640x32xf32, #tpu.memory_space<hbm>>
      %dma_start3A_31 = arith.constant 0 : i32
      %dma_start3A_32 = tpu.memref_slice %arg11[%mul3A_28, %dma_start3A_31] : memref<10240x32xf32, #tpu.memory_space<vmem_shared>> -> memref<640x32xf32, #tpu.memory_space<vmem_shared>>
      tpu.enqueue_dma source(%dma_start3A_32 : memref<640x32xf32, #tpu.memory_space<vmem_shared>>) target(%dma_start3A_30 : memref<640x32xf32, #tpu.memory_space<hbm>>) target_semaphore(%run_scoped3A : memref<!tpu.dma_semaphore, #tpu.memory_space<semaphore_mem>>)
      %dma_wait3A = arith.constant 0 : i32
      %dma_wait3A_33 = tpu.memref_slice %arg6[%add3A, %dma_wait3A] : memref<20480x32xf32, #tpu.memory_space<hbm>> -> memref<640x32xf32, #tpu.memory_space<hbm>>
      %dma_wait3A_34 = arith.constant 0 : i32
      %dma_wait3A_35 = tpu.memref_slice %arg11[%mul3A_28, %dma_wait3A_34] : memref<10240x32xf32, #tpu.memory_space<vmem_shared>> -> memref<640x32xf32, #tpu.memory_space<vmem_shared>>
      tpu.wait_dma2 semaphore(%run_scoped3A : memref<!tpu.dma_semaphore, #tpu.memory_space<semaphore_mem>>) src(%dma_wait3A_35 : memref<640x32xf32, #tpu.memory_space<vmem_shared>>) dst(%dma_wait3A_33 : memref<640x32xf32, #tpu.memory_space<hbm>>)
      tpu.yield
    }) : () -> ()
    return
  }
}

#map = affine_map<(d0, d1) -> (0, 0)>
module attributes {stable_mosaic.version = 14 : i64} {
  func.func @body(%arg0: i32, %arg1: i32, %arg2: memref<10240x64xf32, #tpu.memory_space<hbm>>, %arg3: memref<2528x128xi32, #tpu.memory_space<hbm>>, %arg4: memref<2528x128xi32, #tpu.memory_space<hbm>>, %arg5: memref<640x64xf32, #tpu.memory_space<hbm>>, %arg6: memref<20480x64xf32, #tpu.memory_space<hbm>>, %arg7: memref<132x128xi32, #tpu.memory_space<vmem>>, %arg8: memref<132x128xi32, #tpu.memory_space<vmem>>, %arg9: memref<128x64xf32, #tpu.memory_space<vmem>>, %arg10: memref<128x64xf32, #tpu.memory_space<vmem>>, %arg11: memref<10240x64xf32, #tpu.memory_space<vmem_shared>>, %arg12: memref<!tpu.dma_semaphore, #tpu.memory_space<semaphore_mem>>, %arg13: memref<!tpu.dma_semaphore, #tpu.memory_space<semaphore_mem>>) attributes {dimension_semantics = [#tpu.dimension_semantics<core_parallel>, #tpu.dimension_semantics<subcore_parallel>], iteration_bounds = array<i64: 2, 16>, scalar_prefetch = 0 : i64, scratch_operands = 7 : i64, tpu.core_type = #tpu.core_type<sc_vector_subcore>, window_params = [{transform_indices = #map}, {transform_indices = #map}, {transform_indices = #map}, {transform_indices = #map}, {transform_indices = #map}]} {
    %mul3A = arith.constant 640 : i32
    %mul3A_0 = arith.muli %arg1, %mul3A : i32
    "tpu.region"() ({
      %run_scoped3A = tpu.sem_alloc : memref<!tpu.dma_semaphore, #tpu.memory_space<semaphore_mem>>
      %dma_start3A_29 = arith.constant 0 : i32
      %dma_start3A_30 = tpu.memref_slice %arg11[%mul3A_0, %dma_start3A_29] : memref<10240x64xf32, #tpu.memory_space<vmem_shared>> -> memref<640x64xf32, #tpu.memory_space<vmem_shared>>
      tpu.enqueue_dma source(%arg5 : memref<640x64xf32, #tpu.memory_space<hbm>>) target(%dma_start3A_30 : memref<640x64xf32, #tpu.memory_space<vmem_shared>>) target_semaphore(%run_scoped3A : memref<!tpu.dma_semaphore, #tpu.memory_space<semaphore_mem>>)
      %dma_wait3A = arith.constant 0 : i32
      %dma_wait3A_31 = tpu.memref_slice %arg11[%mul3A_0, %dma_wait3A] : memref<10240x64xf32, #tpu.memory_space<vmem_shared>> -> memref<640x64xf32, #tpu.memory_space<vmem_shared>>
      tpu.wait_dma2 semaphore(%run_scoped3A : memref<!tpu.dma_semaphore, #tpu.memory_space<semaphore_mem>>) src(%arg5 : memref<640x64xf32, #tpu.memory_space<hbm>>) dst(%dma_wait3A_31 : memref<640x64xf32, #tpu.memory_space<vmem_shared>>)
      tpu.yield
    }) : () -> ()
    %eq3A = arith.constant 0 : i32
    %eq3A_1 = arith.cmpi eq, %arg0, %eq3A : i32
    %convert_element_type3A = arith.extui %eq3A_1 : i1 to i32
    %cond3A = arith.constant 0 : i32
    %cond3A_2 = arith.cmpi ne, %convert_element_type3A, %cond3A : i32
    scf.if %cond3A_2 {
      %mul3A_29 = arith.constant 2 : i32
      %mul3A_30 = arith.muli %arg1, %mul3A_29 : i32
      %mul3A_31 = arith.constant 66 : i32
      %mul3A_32 = arith.muli %mul3A_30, %mul3A_31 : i32
      "tpu.region"() ({
        %run_scoped3A = tpu.sem_alloc : memref<!tpu.dma_semaphore, #tpu.memory_space<semaphore_mem>>
        %dma_start3A_37 = arith.constant 0 : i32
        %dma_start3A_38 = arith.constant 0 : i32
        %dma_start3A_39 = tpu.memref_slice %arg7[%dma_start3A_37, %dma_start3A_38] : memref<132x128xi32, #tpu.memory_space<vmem>> -> memref<132x128xi32, #tpu.memory_space<vmem>>
        %dma_start3A_40 = arith.constant 0 : i32
        %dma_start3A_41 = tpu.memref_slice %arg3[%mul3A_32, %dma_start3A_40] : memref<2528x128xi32, #tpu.memory_space<hbm>> -> memref<132x128xi32, #tpu.memory_space<hbm>>
        %dma_start3A_42 = arith.constant 0 : i32
        %dma_start3A_43 = arith.constant 0 : i32
        %dma_start3A_44 = tpu.memref_slice %arg7[%dma_start3A_42, %dma_start3A_43] : memref<132x128xi32, #tpu.memory_space<vmem>> -> memref<132x128xi32, #tpu.memory_space<vmem>>
        %dma_start3A_45 = arith.constant 0 : i32
        %dma_start3A_46 = tpu.memref_slice %arg3[%mul3A_32, %dma_start3A_45] : memref<2528x128xi32, #tpu.memory_space<hbm>> -> memref<132x128xi32, #tpu.memory_space<hbm>>
        tpu.enqueue_dma source(%dma_start3A_46 : memref<132x128xi32, #tpu.memory_space<hbm>>) target(%dma_start3A_44 : memref<132x128xi32, #tpu.memory_space<vmem>>) target_semaphore(%run_scoped3A : memref<!tpu.dma_semaphore, #tpu.memory_space<semaphore_mem>>)
        %dma_wait3A = arith.constant 0 : i32
        %dma_wait3A_47 = arith.constant 0 : i32
        %dma_wait3A_48 = tpu.memref_slice %arg7[%dma_wait3A, %dma_wait3A_47] : memref<132x128xi32, #tpu.memory_space<vmem>> -> memref<132x128xi32, #tpu.memory_space<vmem>>
        %dma_wait3A_49 = arith.constant 0 : i32
        %dma_wait3A_50 = tpu.memref_slice %arg3[%mul3A_32, %dma_wait3A_49] : memref<2528x128xi32, #tpu.memory_space<hbm>> -> memref<132x128xi32, #tpu.memory_space<hbm>>
        %dma_wait3A_51 = arith.constant 0 : i32
        %dma_wait3A_52 = arith.constant 0 : i32
        %dma_wait3A_53 = tpu.memref_slice %arg7[%dma_wait3A_51, %dma_wait3A_52] : memref<132x128xi32, #tpu.memory_space<vmem>> -> memref<132x128xi32, #tpu.memory_space<vmem>>
        %dma_wait3A_54 = arith.constant 0 : i32
        %dma_wait3A_55 = tpu.memref_slice %arg3[%mul3A_32, %dma_wait3A_54] : memref<2528x128xi32, #tpu.memory_space<hbm>> -> memref<132x128xi32, #tpu.memory_space<hbm>>
        tpu.wait_dma2 semaphore(%run_scoped3A : memref<!tpu.dma_semaphore, #tpu.memory_space<semaphore_mem>>) src(%dma_wait3A_55 : memref<132x128xi32, #tpu.memory_space<hbm>>) dst(%dma_wait3A_53 : memref<132x128xi32, #tpu.memory_space<vmem>>)
        tpu.yield
      }) : () -> ()
      %mul3A_33 = arith.constant 2 : i32
      %mul3A_34 = arith.muli %arg1, %mul3A_33 : i32
      %mul3A_35 = arith.constant 66 : i32
      %mul3A_36 = arith.muli %mul3A_34, %mul3A_35 : i32
      "tpu.region"() ({
        %run_scoped3A = tpu.sem_alloc : memref<!tpu.dma_semaphore, #tpu.memory_space<semaphore_mem>>
        %dma_start3A_37 = arith.constant 0 : i32
        %dma_start3A_38 = arith.constant 0 : i32
        %dma_start3A_39 = tpu.memref_slice %arg8[%dma_start3A_37, %dma_start3A_38] : memref<132x128xi32, #tpu.memory_space<vmem>> -> memref<132x128xi32, #tpu.memory_space<vmem>>
        %dma_start3A_40 = arith.constant 0 : i32
        %dma_start3A_41 = tpu.memref_slice %arg4[%mul3A_36, %dma_start3A_40] : memref<2528x128xi32, #tpu.memory_space<hbm>> -> memref<132x128xi32, #tpu.memory_space<hbm>>
        %dma_start3A_42 = arith.constant 0 : i32
        %dma_start3A_43 = arith.constant 0 : i32
        %dma_start3A_44 = tpu.memref_slice %arg8[%dma_start3A_42, %dma_start3A_43] : memref<132x128xi32, #tpu.memory_space<vmem>> -> memref<132x128xi32, #tpu.memory_space<vmem>>
        %dma_start3A_45 = arith.constant 0 : i32
        %dma_start3A_46 = tpu.memref_slice %arg4[%mul3A_36, %dma_start3A_45] : memref<2528x128xi32, #tpu.memory_space<hbm>> -> memref<132x128xi32, #tpu.memory_space<hbm>>
        tpu.enqueue_dma source(%dma_start3A_46 : memref<132x128xi32, #tpu.memory_space<hbm>>) target(%dma_start3A_44 : memref<132x128xi32, #tpu.memory_space<vmem>>) target_semaphore(%run_scoped3A : memref<!tpu.dma_semaphore, #tpu.memory_space<semaphore_mem>>)
        %dma_wait3A = arith.constant 0 : i32
        %dma_wait3A_47 = arith.constant 0 : i32
        %dma_wait3A_48 = tpu.memref_slice %arg8[%dma_wait3A, %dma_wait3A_47] : memref<132x128xi32, #tpu.memory_space<vmem>> -> memref<132x128xi32, #tpu.memory_space<vmem>>
        %dma_wait3A_49 = arith.constant 0 : i32
        %dma_wait3A_50 = tpu.memref_slice %arg4[%mul3A_36, %dma_wait3A_49] : memref<2528x128xi32, #tpu.memory_space<hbm>> -> memref<132x128xi32, #tpu.memory_space<hbm>>
        %dma_wait3A_51 = arith.constant 0 : i32
        %dma_wait3A_52 = arith.constant 0 : i32
        %dma_wait3A_53 = tpu.memref_slice %arg8[%dma_wait3A_51, %dma_wait3A_52] : memref<132x128xi32, #tpu.memory_space<vmem>> -> memref<132x128xi32, #tpu.memory_space<vmem>>
        %dma_wait3A_54 = arith.constant 0 : i32
        %dma_wait3A_55 = tpu.memref_slice %arg4[%mul3A_36, %dma_wait3A_54] : memref<2528x128xi32, #tpu.memory_space<hbm>> -> memref<132x128xi32, #tpu.memory_space<hbm>>
        tpu.wait_dma2 semaphore(%run_scoped3A : memref<!tpu.dma_semaphore, #tpu.memory_space<semaphore_mem>>) src(%dma_wait3A_55 : memref<132x128xi32, #tpu.memory_space<hbm>>) dst(%dma_wait3A_53 : memref<132x128xi32, #tpu.memory_space<vmem>>)
        tpu.yield
      }) : () -> ()
    } else {
    }
    %eq3A_3 = arith.constant 1 : i32
    %eq3A_4 = arith.cmpi eq, %arg0, %eq3A_3 : i32
    %convert_element_type3A_5 = arith.extui %eq3A_4 : i1 to i32
    %cond3A_6 = arith.constant 0 : i32
    %cond3A_7 = arith.cmpi ne, %convert_element_type3A_5, %cond3A_6 : i32
    scf.if %cond3A_7 {
      %mul3A_29 = arith.constant 2 : i32
      %mul3A_30 = arith.muli %arg1, %mul3A_29 : i32
      %mul3A_31 = arith.constant 13 : i32
      %mul3A_32 = arith.muli %mul3A_30, %mul3A_31 : i32
      %add3A_33 = arith.constant 2112 : i32
      %add3A_34 = arith.addi %add3A_33, %mul3A_32 : i32
      "tpu.region"() ({
        %run_scoped3A = tpu.sem_alloc : memref<!tpu.dma_semaphore, #tpu.memory_space<semaphore_mem>>
        %dma_start3A_41 = arith.constant 0 : i32
        %dma_start3A_42 = arith.constant 0 : i32
        %dma_start3A_43 = tpu.memref_slice %arg7[%dma_start3A_41, %dma_start3A_42] : memref<132x128xi32, #tpu.memory_space<vmem>> -> memref<26x128xi32, #tpu.memory_space<vmem>>
        %dma_start3A_44 = arith.constant 0 : i32
        %dma_start3A_45 = tpu.memref_slice %arg3[%add3A_34, %dma_start3A_44] : memref<2528x128xi32, #tpu.memory_space<hbm>> -> memref<26x128xi32, #tpu.memory_space<hbm>>
        %dma_start3A_46 = arith.constant 0 : i32
        %dma_start3A_47 = arith.constant 0 : i32
        %dma_start3A_48 = tpu.memref_slice %arg7[%dma_start3A_46, %dma_start3A_47] : memref<132x128xi32, #tpu.memory_space<vmem>> -> memref<26x128xi32, #tpu.memory_space<vmem>>
        %dma_start3A_49 = arith.constant 0 : i32
        %dma_start3A_50 = tpu.memref_slice %arg3[%add3A_34, %dma_start3A_49] : memref<2528x128xi32, #tpu.memory_space<hbm>> -> memref<26x128xi32, #tpu.memory_space<hbm>>
        tpu.enqueue_dma source(%dma_start3A_50 : memref<26x128xi32, #tpu.memory_space<hbm>>) target(%dma_start3A_48 : memref<26x128xi32, #tpu.memory_space<vmem>>) target_semaphore(%run_scoped3A : memref<!tpu.dma_semaphore, #tpu.memory_space<semaphore_mem>>)
        %dma_wait3A = arith.constant 0 : i32
        %dma_wait3A_51 = arith.constant 0 : i32
        %dma_wait3A_52 = tpu.memref_slice %arg7[%dma_wait3A, %dma_wait3A_51] : memref<132x128xi32, #tpu.memory_space<vmem>> -> memref<26x128xi32, #tpu.memory_space<vmem>>
        %dma_wait3A_53 = arith.constant 0 : i32
        %dma_wait3A_54 = tpu.memref_slice %arg3[%add3A_34, %dma_wait3A_53] : memref<2528x128xi32, #tpu.memory_space<hbm>> -> memref<26x128xi32, #tpu.memory_space<hbm>>
        %dma_wait3A_55 = arith.constant 0 : i32
        %dma_wait3A_56 = arith.constant 0 : i32
        %dma_wait3A_57 = tpu.memref_slice %arg7[%dma_wait3A_55, %dma_wait3A_56] : memref<132x128xi32, #tpu.memory_space<vmem>> -> memref<26x128xi32, #tpu.memory_space<vmem>>
        %dma_wait3A_58 = arith.constant 0 : i32
        %dma_wait3A_59 = tpu.memref_slice %arg3[%add3A_34, %dma_wait3A_58] : memref<2528x128xi32, #tpu.memory_space<hbm>> -> memref<26x128xi32, #tpu.memory_space<hbm>>
        tpu.wait_dma2 semaphore(%run_scoped3A : memref<!tpu.dma_semaphore, #tpu.memory_space<semaphore_mem>>) src(%dma_wait3A_59 : memref<26x128xi32, #tpu.memory_space<hbm>>) dst(%dma_wait3A_57 : memref<26x128xi32, #tpu.memory_space<vmem>>)
        tpu.yield
      }) : () -> ()
      %mul3A_35 = arith.constant 2 : i32
      %mul3A_36 = arith.muli %arg1, %mul3A_35 : i32
      %mul3A_37 = arith.constant 13 : i32
      %mul3A_38 = arith.muli %mul3A_36, %mul3A_37 : i32
      %add3A_39 = arith.constant 2112 : i32
      %add3A_40 = arith.addi %add3A_39, %mul3A_38 : i32
      "tpu.region"() ({
        %run_scoped3A = tpu.sem_alloc : memref<!tpu.dma_semaphore, #tpu.memory_space<semaphore_mem>>
        %dma_start3A_41 = arith.constant 0 : i32
        %dma_start3A_42 = arith.constant 0 : i32
        %dma_start3A_43 = tpu.memref_slice %arg8[%dma_start3A_41, %dma_start3A_42] : memref<132x128xi32, #tpu.memory_space<vmem>> -> memref<26x128xi32, #tpu.memory_space<vmem>>
        %dma_start3A_44 = arith.constant 0 : i32
        %dma_start3A_45 = tpu.memref_slice %arg4[%add3A_40, %dma_start3A_44] : memref<2528x128xi32, #tpu.memory_space<hbm>> -> memref<26x128xi32, #tpu.memory_space<hbm>>
        %dma_start3A_46 = arith.constant 0 : i32
        %dma_start3A_47 = arith.constant 0 : i32
        %dma_start3A_48 = tpu.memref_slice %arg8[%dma_start3A_46, %dma_start3A_47] : memref<132x128xi32, #tpu.memory_space<vmem>> -> memref<26x128xi32, #tpu.memory_space<vmem>>
        %dma_start3A_49 = arith.constant 0 : i32
        %dma_start3A_50 = tpu.memref_slice %arg4[%add3A_40, %dma_start3A_49] : memref<2528x128xi32, #tpu.memory_space<hbm>> -> memref<26x128xi32, #tpu.memory_space<hbm>>
        tpu.enqueue_dma source(%dma_start3A_50 : memref<26x128xi32, #tpu.memory_space<hbm>>) target(%dma_start3A_48 : memref<26x128xi32, #tpu.memory_space<vmem>>) target_semaphore(%run_scoped3A : memref<!tpu.dma_semaphore, #tpu.memory_space<semaphore_mem>>)
        %dma_wait3A = arith.constant 0 : i32
        %dma_wait3A_51 = arith.constant 0 : i32
        %dma_wait3A_52 = tpu.memref_slice %arg8[%dma_wait3A, %dma_wait3A_51] : memref<132x128xi32, #tpu.memory_space<vmem>> -> memref<26x128xi32, #tpu.memory_space<vmem>>
        %dma_wait3A_53 = arith.constant 0 : i32
        %dma_wait3A_54 = tpu.memref_slice %arg4[%add3A_40, %dma_wait3A_53] : memref<2528x128xi32, #tpu.memory_space<hbm>> -> memref<26x128xi32, #tpu.memory_space<hbm>>
        %dma_wait3A_55 = arith.constant 0 : i32
        %dma_wait3A_56 = arith.constant 0 : i32
        %dma_wait3A_57 = tpu.memref_slice %arg8[%dma_wait3A_55, %dma_wait3A_56] : memref<132x128xi32, #tpu.memory_space<vmem>> -> memref<26x128xi32, #tpu.memory_space<vmem>>
        %dma_wait3A_58 = arith.constant 0 : i32
        %dma_wait3A_59 = tpu.memref_slice %arg4[%add3A_40, %dma_wait3A_58] : memref<2528x128xi32, #tpu.memory_space<hbm>> -> memref<26x128xi32, #tpu.memory_space<hbm>>
        tpu.wait_dma2 semaphore(%run_scoped3A : memref<!tpu.dma_semaphore, #tpu.memory_space<semaphore_mem>>) src(%dma_wait3A_59 : memref<26x128xi32, #tpu.memory_space<hbm>>) dst(%dma_wait3A_57 : memref<26x128xi32, #tpu.memory_space<vmem>>)
        tpu.yield
      }) : () -> ()
    } else {
    }
    %barrier3A = arith.constant 0 : index
    tpu.barrier barrier_id(%barrier3A)
    %eq3A_8 = arith.constant 0 : i32
    %eq3A_9 = arith.cmpi eq, %arg0, %eq3A_8 : i32
    %jit3A = arith.constant 66 : i32
    %jit3A_10 = arith.constant 13 : i32
    %select_n3A = arith.select %eq3A_9, %jit3A, %jit3A_10 : i32
    %dma_start3A = arith.constant 0 : i32
    %dma_start3A_11 = arith.constant 0 : i32
    %dma_start3A_12 = tpu.memref_slice %arg7[%dma_start3A, %dma_start3A_11] : memref<132x128xi32, #tpu.memory_space<vmem>> -> memref<1x128xi32, #tpu.memory_space<vmem>>
    %dma_start3A_13 = tpu.memref_squeeze %dma_start3A_12 : memref<1x128xi32, #tpu.memory_space<vmem>> -> memref<128xi32, #tpu.memory_space<vmem>>
    %dma_start3A_14 = arith.constant 0 : i32
    %dma_start3A_15 = arith.constant 0 : i32
    %dma_start3A_16 = tpu.memref_slice %arg2[%dma_start3A_14, %dma_start3A_15] : memref<10240x64xf32, #tpu.memory_space<hbm>> -> memref<10240x64xf32, #tpu.memory_space<hbm>>
    tpu.enqueue_indirect_dma source(%dma_start3A_16 : memref<10240x64xf32, #tpu.memory_space<hbm>>) target(%arg9 : memref<128x64xf32, #tpu.memory_space<vmem>>) offsets(%dma_start3A_13 : memref<128xi32, #tpu.memory_space<vmem>>) semaphore(%arg12 : memref<!tpu.dma_semaphore, #tpu.memory_space<semaphore_mem>>)
    %scan3A = arith.constant 0 : i32
    %scan3A_17 = arith.constant 0 : i32
    %scan3A_18 = arith.constant 66 : i32
    %scan3A_19 = arith.addi %scan3A_17, %scan3A_18 : i32
    %scan3A_20 = arith.constant 1 : i32
    scf.for %scan3A_29 = %scan3A_17 to %scan3A_19 step %scan3A_20  : i32 {
      %lt3A = arith.cmpi slt, %scan3A_29, %select_n3A : i32
      %convert_element_type3A_30 = arith.extui %lt3A : i1 to i32
      %cond3A_31 = arith.constant 0 : i32
      %cond3A_32 = arith.cmpi ne, %convert_element_type3A_30, %cond3A_31 : i32
      scf.if %cond3A_32 {
        %mul3A_33 = arith.constant 2 : i32
        %mul3A_34 = arith.muli %scan3A_29, %mul3A_33 : i32
        %add3A_35 = arith.constant 1 : i32
        %add3A_36 = arith.addi %mul3A_34, %add3A_35 : i32
        %dma_start3A_37 = arith.constant 0 : i32
        %dma_start3A_38 = tpu.memref_slice %arg7[%add3A_36, %dma_start3A_37] : memref<132x128xi32, #tpu.memory_space<vmem>> -> memref<1x128xi32, #tpu.memory_space<vmem>>
        %dma_start3A_39 = tpu.memref_squeeze %dma_start3A_38 : memref<1x128xi32, #tpu.memory_space<vmem>> -> memref<128xi32, #tpu.memory_space<vmem>>
        %dma_start3A_40 = arith.constant 0 : i32
        %dma_start3A_41 = arith.constant 0 : i32
        %dma_start3A_42 = tpu.memref_slice %arg2[%dma_start3A_40, %dma_start3A_41] : memref<10240x64xf32, #tpu.memory_space<hbm>> -> memref<10240x64xf32, #tpu.memory_space<hbm>>
        tpu.enqueue_indirect_dma source(%dma_start3A_42 : memref<10240x64xf32, #tpu.memory_space<hbm>>) target(%arg10 : memref<128x64xf32, #tpu.memory_space<vmem>>) offsets(%dma_start3A_39 : memref<128xi32, #tpu.memory_space<vmem>>) semaphore(%arg13 : memref<!tpu.dma_semaphore, #tpu.memory_space<semaphore_mem>>)
        %dma_wait3A = arith.constant 0 : i32
        %dma_wait3A_43 = tpu.memref_slice %arg7[%mul3A_34, %dma_wait3A] : memref<132x128xi32, #tpu.memory_space<vmem>> -> memref<1x128xi32, #tpu.memory_space<vmem>>
        %dma_wait3A_44 = tpu.memref_squeeze %dma_wait3A_43 : memref<1x128xi32, #tpu.memory_space<vmem>> -> memref<128xi32, #tpu.memory_space<vmem>>
        %dma_wait3A_45 = arith.constant 0 : i32
        %dma_wait3A_46 = arith.constant 0 : i32
        %dma_wait3A_47 = tpu.memref_slice %arg2[%dma_wait3A_45, %dma_wait3A_46] : memref<10240x64xf32, #tpu.memory_space<hbm>> -> memref<10240x64xf32, #tpu.memory_space<hbm>>
        tpu.wait_indirect_dma semaphore(%arg12 : memref<!tpu.dma_semaphore, #tpu.memory_space<semaphore_mem>>) src(%dma_wait3A_47 : memref<10240x64xf32, #tpu.memory_space<hbm>>) dst(%arg9 : memref<128x64xf32, #tpu.memory_space<vmem>>)
        "tpu.region"() ({
          %run_scoped3A = tpu.sem_alloc : memref<!tpu.dma_semaphore, #tpu.memory_space<semaphore_mem>>
          %dma_start3A_59 = arith.constant 0 : i32
          %dma_start3A_60 = tpu.memref_slice %arg8[%mul3A_34, %dma_start3A_59] : memref<132x128xi32, #tpu.memory_space<vmem>> -> memref<1x128xi32, #tpu.memory_space<vmem>>
          %dma_start3A_61 = tpu.memref_squeeze %dma_start3A_60 : memref<1x128xi32, #tpu.memory_space<vmem>> -> memref<128xi32, #tpu.memory_space<vmem>>
          %dma_start3A_62 = arith.constant 0 : i32
          %dma_start3A_63 = arith.constant 0 : i32
          %dma_start3A_64 = tpu.memref_slice %arg11[%dma_start3A_62, %dma_start3A_63] : memref<10240x64xf32, #tpu.memory_space<vmem_shared>> -> memref<10240x64xf32, #tpu.memory_space<vmem_shared>>
          tpu.enqueue_indirect_dma source(%arg9 : memref<128x64xf32, #tpu.memory_space<vmem>>) target(%dma_start3A_64 : memref<10240x64xf32, #tpu.memory_space<vmem_shared>>) offsets(%dma_start3A_61 : memref<128xi32, #tpu.memory_space<vmem>>) semaphore(%run_scoped3A : memref<!tpu.dma_semaphore, #tpu.memory_space<semaphore_mem>>) {add = true}
          %dma_wait3A_65 = arith.constant 0 : i32
          %dma_wait3A_66 = tpu.memref_slice %arg8[%mul3A_34, %dma_wait3A_65] : memref<132x128xi32, #tpu.memory_space<vmem>> -> memref<1x128xi32, #tpu.memory_space<vmem>>
          %dma_wait3A_67 = tpu.memref_squeeze %dma_wait3A_66 : memref<1x128xi32, #tpu.memory_space<vmem>> -> memref<128xi32, #tpu.memory_space<vmem>>
          %dma_wait3A_68 = arith.constant 0 : i32
          %dma_wait3A_69 = arith.constant 0 : i32
          %dma_wait3A_70 = tpu.memref_slice %arg11[%dma_wait3A_68, %dma_wait3A_69] : memref<10240x64xf32, #tpu.memory_space<vmem_shared>> -> memref<10240x64xf32, #tpu.memory_space<vmem_shared>>
          tpu.wait_indirect_dma semaphore(%run_scoped3A : memref<!tpu.dma_semaphore, #tpu.memory_space<semaphore_mem>>) src(%arg9 : memref<128x64xf32, #tpu.memory_space<vmem>>) dst(%dma_wait3A_70 : memref<10240x64xf32, #tpu.memory_space<vmem_shared>>)
          tpu.yield
        }) : () -> ()
        %sub3A = arith.constant 1 : i32
        %sub3A_48 = arith.subi %select_n3A, %sub3A : i32
        %lt3A_49 = arith.cmpi slt, %scan3A_29, %sub3A_48 : i32
        %convert_element_type3A_50 = arith.extui %lt3A_49 : i1 to i32
        %cond3A_51 = arith.constant 0 : i32
        %cond3A_52 = arith.cmpi ne, %convert_element_type3A_50, %cond3A_51 : i32
        scf.if %cond3A_52 {
          %add3A_59 = arith.constant 2 : i32
          %add3A_60 = arith.addi %mul3A_34, %add3A_59 : i32
          %dma_start3A_61 = arith.constant 0 : i32
          %dma_start3A_62 = tpu.memref_slice %arg7[%add3A_60, %dma_start3A_61] : memref<132x128xi32, #tpu.memory_space<vmem>> -> memref<1x128xi32, #tpu.memory_space<vmem>>
          %dma_start3A_63 = tpu.memref_squeeze %dma_start3A_62 : memref<1x128xi32, #tpu.memory_space<vmem>> -> memref<128xi32, #tpu.memory_space<vmem>>
          %dma_start3A_64 = arith.constant 0 : i32
          %dma_start3A_65 = arith.constant 0 : i32
          %dma_start3A_66 = tpu.memref_slice %arg2[%dma_start3A_64, %dma_start3A_65] : memref<10240x64xf32, #tpu.memory_space<hbm>> -> memref<10240x64xf32, #tpu.memory_space<hbm>>
          tpu.enqueue_indirect_dma source(%dma_start3A_66 : memref<10240x64xf32, #tpu.memory_space<hbm>>) target(%arg9 : memref<128x64xf32, #tpu.memory_space<vmem>>) offsets(%dma_start3A_63 : memref<128xi32, #tpu.memory_space<vmem>>) semaphore(%arg12 : memref<!tpu.dma_semaphore, #tpu.memory_space<semaphore_mem>>)
        } else {
        }
        %dma_wait3A_53 = arith.constant 0 : i32
        %dma_wait3A_54 = tpu.memref_slice %arg7[%add3A_36, %dma_wait3A_53] : memref<132x128xi32, #tpu.memory_space<vmem>> -> memref<1x128xi32, #tpu.memory_space<vmem>>
        %dma_wait3A_55 = tpu.memref_squeeze %dma_wait3A_54 : memref<1x128xi32, #tpu.memory_space<vmem>> -> memref<128xi32, #tpu.memory_space<vmem>>
        %dma_wait3A_56 = arith.constant 0 : i32
        %dma_wait3A_57 = arith.constant 0 : i32
        %dma_wait3A_58 = tpu.memref_slice %arg2[%dma_wait3A_56, %dma_wait3A_57] : memref<10240x64xf32, #tpu.memory_space<hbm>> -> memref<10240x64xf32, #tpu.memory_space<hbm>>
        tpu.wait_indirect_dma semaphore(%arg13 : memref<!tpu.dma_semaphore, #tpu.memory_space<semaphore_mem>>) src(%dma_wait3A_58 : memref<10240x64xf32, #tpu.memory_space<hbm>>) dst(%arg10 : memref<128x64xf32, #tpu.memory_space<vmem>>)
        "tpu.region"() ({
          %run_scoped3A = tpu.sem_alloc : memref<!tpu.dma_semaphore, #tpu.memory_space<semaphore_mem>>
          %dma_start3A_59 = arith.constant 0 : i32
          %dma_start3A_60 = tpu.memref_slice %arg8[%add3A_36, %dma_start3A_59] : memref<132x128xi32, #tpu.memory_space<vmem>> -> memref<1x128xi32, #tpu.memory_space<vmem>>
          %dma_start3A_61 = tpu.memref_squeeze %dma_start3A_60 : memref<1x128xi32, #tpu.memory_space<vmem>> -> memref<128xi32, #tpu.memory_space<vmem>>
          %dma_start3A_62 = arith.constant 0 : i32
          %dma_start3A_63 = arith.constant 0 : i32
          %dma_start3A_64 = tpu.memref_slice %arg11[%dma_start3A_62, %dma_start3A_63] : memref<10240x64xf32, #tpu.memory_space<vmem_shared>> -> memref<10240x64xf32, #tpu.memory_space<vmem_shared>>
          tpu.enqueue_indirect_dma source(%arg10 : memref<128x64xf32, #tpu.memory_space<vmem>>) target(%dma_start3A_64 : memref<10240x64xf32, #tpu.memory_space<vmem_shared>>) offsets(%dma_start3A_61 : memref<128xi32, #tpu.memory_space<vmem>>) semaphore(%run_scoped3A : memref<!tpu.dma_semaphore, #tpu.memory_space<semaphore_mem>>) {add = true}
          %dma_wait3A_65 = arith.constant 0 : i32
          %dma_wait3A_66 = tpu.memref_slice %arg8[%add3A_36, %dma_wait3A_65] : memref<132x128xi32, #tpu.memory_space<vmem>> -> memref<1x128xi32, #tpu.memory_space<vmem>>
          %dma_wait3A_67 = tpu.memref_squeeze %dma_wait3A_66 : memref<1x128xi32, #tpu.memory_space<vmem>> -> memref<128xi32, #tpu.memory_space<vmem>>
          %dma_wait3A_68 = arith.constant 0 : i32
          %dma_wait3A_69 = arith.constant 0 : i32
          %dma_wait3A_70 = tpu.memref_slice %arg11[%dma_wait3A_68, %dma_wait3A_69] : memref<10240x64xf32, #tpu.memory_space<vmem_shared>> -> memref<10240x64xf32, #tpu.memory_space<vmem_shared>>
          tpu.wait_indirect_dma semaphore(%run_scoped3A : memref<!tpu.dma_semaphore, #tpu.memory_space<semaphore_mem>>) src(%arg10 : memref<128x64xf32, #tpu.memory_space<vmem>>) dst(%dma_wait3A_70 : memref<10240x64xf32, #tpu.memory_space<vmem_shared>>)
          tpu.yield
        }) : () -> ()
      } else {
      }
    }
    %scan3A_21 = arith.constant 66 : i32
    %barrier3A_22 = arith.constant 0 : index
    tpu.barrier barrier_id(%barrier3A_22)
    %mul3A_23 = arith.constant 10240 : i32
    %mul3A_24 = arith.muli %arg0, %mul3A_23 : i32
    %mul3A_25 = arith.constant 640 : i32
    %mul3A_26 = arith.muli %arg1, %mul3A_25 : i32
    %add3A = arith.addi %mul3A_24, %mul3A_26 : i32
    %mul3A_27 = arith.constant 640 : i32
    %mul3A_28 = arith.muli %arg1, %mul3A_27 : i32
    "tpu.region"() ({
      %run_scoped3A = tpu.sem_alloc : memref<!tpu.dma_semaphore, #tpu.memory_space<semaphore_mem>>
      %dma_start3A_29 = arith.constant 0 : i32
      %dma_start3A_30 = tpu.memref_slice %arg6[%add3A, %dma_start3A_29] : memref<20480x64xf32, #tpu.memory_space<hbm>> -> memref<640x64xf32, #tpu.memory_space<hbm>>
      %dma_start3A_31 = arith.constant 0 : i32
      %dma_start3A_32 = tpu.memref_slice %arg11[%mul3A_28, %dma_start3A_31] : memref<10240x64xf32, #tpu.memory_space<vmem_shared>> -> memref<640x64xf32, #tpu.memory_space<vmem_shared>>
      tpu.enqueue_dma source(%dma_start3A_32 : memref<640x64xf32, #tpu.memory_space<vmem_shared>>) target(%dma_start3A_30 : memref<640x64xf32, #tpu.memory_space<hbm>>) target_semaphore(%run_scoped3A : memref<!tpu.dma_semaphore, #tpu.memory_space<semaphore_mem>>)
      %dma_wait3A = arith.constant 0 : i32
      %dma_wait3A_33 = tpu.memref_slice %arg6[%add3A, %dma_wait3A] : memref<20480x64xf32, #tpu.memory_space<hbm>> -> memref<640x64xf32, #tpu.memory_space<hbm>>
      %dma_wait3A_34 = arith.constant 0 : i32
      %dma_wait3A_35 = tpu.memref_slice %arg11[%mul3A_28, %dma_wait3A_34] : memref<10240x64xf32, #tpu.memory_space<vmem_shared>> -> memref<640x64xf32, #tpu.memory_space<vmem_shared>>
      tpu.wait_dma2 semaphore(%run_scoped3A : memref<!tpu.dma_semaphore, #tpu.memory_space<semaphore_mem>>) src(%dma_wait3A_35 : memref<640x64xf32, #tpu.memory_space<vmem_shared>>) dst(%dma_wait3A_33 : memref<640x64xf32, #tpu.memory_space<hbm>>)
      tpu.yield
    }) : () -> ()
    return
  }
}

module attributes {stable_mosaic.version = 14 : i64} {
  func.func @_tc_first(%arg0: i32, %arg1: memref<1024x128xf32, #tpu.memory_space<vmem>>, %arg2: memref<1024x16xf32, #tpu.memory_space<vmem>>, %arg3: memref<1024x16xf32, #tpu.memory_space<vmem>>, %arg4: memref<128x32xf32, #tpu.memory_space<vmem>>, %arg5: memref<1024x32xf32, #tpu.memory_space<vmem>>) attributes {dimension_semantics = [#tpu.dimension_semantics<arbitrary>], iteration_bounds = array<i64: 10>, scalar_prefetch = 0 : i64, scratch_operands = 0 : i64, tpu.core_type = #tpu.core_type<tc>, window_params = [{transform_indices = @transform_0, window_bounds = array<i64: 1024, 128>}, {transform_indices = @transform_1, window_bounds = array<i64: 1024, 16>}, {transform_indices = @transform_2, window_bounds = array<i64: 1024, 16>}, {pipeline_mode = #tpu.pipeline_mode<synchronous>, transform_indices = @transform_3, window_bounds = array<i64: 128, 32>}, {transform_indices = @transform_4, window_bounds = array<i64: 1024, 32>}]} {
    %get3A = arith.constant 0 : index
    %get3A_0 = arith.constant 0 : index
    %get3A_1 = vector.load %arg2[%get3A, %get3A_0] : memref<1024x16xf32, #tpu.memory_space<vmem>>, vector<1024x16xf32>
    %get3A_2 = arith.constant 0 : index
    %get3A_3 = arith.constant 0 : index
    %get3A_4 = vector.load %arg3[%get3A_2, %get3A_3] : memref<1024x16xf32, #tpu.memory_space<vmem>>, vector<1024x16xf32>
    %slice3A = vector.extract_strided_slice %get3A_1 {offsets = [0, 0], sizes = [1024, 1], strides = [1, 1]} : vector<1024x16xf32> to vector<1024x1xf32>
    %slice3A_5 = vector.extract_strided_slice %get3A_4 {offsets = [0, 0], sizes = [1024, 1], strides = [1, 1]} : vector<1024x16xf32> to vector<1024x1xf32>
    %add3A = arith.addf %slice3A, %slice3A_5 : vector<1024x1xf32>
    %add3A_6 = arith.constant 1.000000e+00 : f32
    %add3A_7 = vector.broadcast %add3A_6 : f32 to vector<1024x1xf32>
    %add3A_8 = arith.addf %add3A, %add3A_7 : vector<1024x1xf32>
    %rsqrt3A = math.rsqrt %add3A_8 : vector<1024x1xf32>
    %get3A_9 = arith.constant 0 : index
    %get3A_10 = arith.constant 0 : index
    %get3A_11 = vector.load %arg1[%get3A_9, %get3A_10] : memref<1024x128xf32, #tpu.memory_space<vmem>>, vector<1024x128xf32>
    %get3A_12 = arith.constant 0 : index
    %get3A_13 = arith.constant 0 : index
    %get3A_14 = vector.load %arg4[%get3A_12, %get3A_13] : memref<128x32xf32, #tpu.memory_space<vmem>>, vector<128x32xf32>
    %dot_general3A = arith.constant dense<0.000000e+00> : vector<1024x32xf32>
    %dot_general3A_15 = tpu.matmul %get3A_11, %get3A_14, %dot_general3A {dimension_numbers = #tpu.dot_dimension_numbers<[1], [0], [0], [1], [0, 0, 1, 1], [], []>, transpose_lhs_hint = false} : vector<1024x128xf32>, vector<128x32xf32>, vector<1024x32xf32> -> vector<1024x32xf32>
    %mul3A = vector.broadcast %rsqrt3A : vector<1024x1xf32> to vector<1024x32xf32>
    %mul3A_16 = arith.mulf %mul3A, %dot_general3A_15 : vector<1024x32xf32>
    %swap3A = arith.constant 0 : index
    %swap3A_17 = arith.constant 0 : index
    %swap3A_18 = vector.load %arg5[%swap3A, %swap3A_17] : memref<1024x32xf32, #tpu.memory_space<vmem>>, vector<1024x32xf32>
    tpu.vector_store %arg5[%swap3A, %swap3A_17], %mul3A_16 {strides = array<i32>} : memref<1024x32xf32, #tpu.memory_space<vmem>>, vector<1024x32xf32>,
    return
  }
  func.func @transform_0(%arg0: i32) -> (i32, i32) {
    %c0_i32 = arith.constant 0 : i32
    %c0_i32_0 = arith.constant 0 : i32
    return %arg0, %c0_i32 : i32, i32
  }
  func.func @transform_1(%arg0: i32) -> (i32, i32) {
    %c0_i32 = arith.constant 0 : i32
    %c0_i32_0 = arith.constant 0 : i32
    return %arg0, %c0_i32 : i32, i32
  }
  func.func @transform_2(%arg0: i32) -> (i32, i32) {
    %add3A = arith.constant 10 : i32
    %add3A_0 = arith.addi %arg0, %add3A : i32
    %c0_i32 = arith.constant 0 : i32
    %c0_i32_1 = arith.constant 0 : i32
    return %add3A_0, %c0_i32 : i32, i32
  }
  func.func @transform_3(%arg0: i32) -> (i32, i32) {
    %c0_i32 = arith.constant 0 : i32
    %c0_i32_0 = arith.constant 0 : i32
    %c0_i32_1 = arith.constant 0 : i32
    return %c0_i32, %c0_i32_0 : i32, i32
  }
  func.func @transform_4(%arg0: i32) -> (i32, i32) {
    %c0_i32 = arith.constant 0 : i32
    %c0_i32_0 = arith.constant 0 : i32
    return %arg0, %c0_i32 : i32, i32
  }
}

module attributes {stable_mosaic.version = 14 : i64} {
  func.func @_tc_mid(%arg0: i32, %arg1: memref<1024x32xf32, #tpu.memory_space<vmem>>, %arg2: memref<1024x32xf32, #tpu.memory_space<vmem>>, %arg3: memref<1024x32xf32, #tpu.memory_space<vmem>>, %arg4: memref<1024x16xf32, #tpu.memory_space<vmem>>, %arg5: memref<1024x16xf32, #tpu.memory_space<vmem>>, %arg6: memref<1x32xf32, #tpu.memory_space<vmem>>, %arg7: memref<32x64xf32, #tpu.memory_space<vmem>>, %arg8: memref<1024x64xf32, #tpu.memory_space<vmem>>) attributes {dimension_semantics = [#tpu.dimension_semantics<arbitrary>], iteration_bounds = array<i64: 10>, scalar_prefetch = 0 : i64, scratch_operands = 0 : i64, tpu.core_type = #tpu.core_type<tc>, window_params = [{transform_indices = @transform_0, window_bounds = array<i64: 1024, 32>}, {transform_indices = @transform_1, window_bounds = array<i64: 1024, 32>}, {transform_indices = @transform_2, window_bounds = array<i64: 1024, 32>}, {transform_indices = @transform_3, window_bounds = array<i64: 1024, 16>}, {transform_indices = @transform_4, window_bounds = array<i64: 1024, 16>}, {pipeline_mode = #tpu.pipeline_mode<synchronous>, transform_indices = @transform_5, window_bounds = array<i64: 1, 32>}, {pipeline_mode = #tpu.pipeline_mode<synchronous>, transform_indices = @transform_6, window_bounds = array<i64: 32, 64>}, {transform_indices = @transform_7, window_bounds = array<i64: 1024, 64>}]} {
    %get3A = arith.constant 0 : index
    %get3A_0 = arith.constant 0 : index
    %get3A_1 = vector.load %arg4[%get3A, %get3A_0] : memref<1024x16xf32, #tpu.memory_space<vmem>>, vector<1024x16xf32>
    %get3A_2 = arith.constant 0 : index
    %get3A_3 = arith.constant 0 : index
    %get3A_4 = vector.load %arg5[%get3A_2, %get3A_3] : memref<1024x16xf32, #tpu.memory_space<vmem>>, vector<1024x16xf32>
    %slice3A = vector.extract_strided_slice %get3A_1 {offsets = [0, 0], sizes = [1024, 1], strides = [1, 1]} : vector<1024x16xf32> to vector<1024x1xf32>
    %slice3A_5 = vector.extract_strided_slice %get3A_4 {offsets = [0, 0], sizes = [1024, 1], strides = [1, 1]} : vector<1024x16xf32> to vector<1024x1xf32>
    %add3A = arith.addf %slice3A, %slice3A_5 : vector<1024x1xf32>
    %add3A_6 = arith.constant 1.000000e+00 : f32
    %add3A_7 = vector.broadcast %add3A_6 : f32 to vector<1024x1xf32>
    %add3A_8 = arith.addf %add3A, %add3A_7 : vector<1024x1xf32>
    %rsqrt3A = math.rsqrt %add3A_8 : vector<1024x1xf32>
    %get3A_9 = arith.constant 0 : index
    %get3A_10 = arith.constant 0 : index
    %get3A_11 = vector.load %arg1[%get3A_9, %get3A_10] : memref<1024x32xf32, #tpu.memory_space<vmem>>, vector<1024x32xf32>
    %get3A_12 = arith.constant 0 : index
    %get3A_13 = arith.constant 0 : index
    %get3A_14 = vector.load %arg2[%get3A_12, %get3A_13] : memref<1024x32xf32, #tpu.memory_space<vmem>>, vector<1024x32xf32>
    %add3A_15 = arith.addf %get3A_11, %get3A_14 : vector<1024x32xf32>
    %get3A_16 = arith.constant 0 : index
    %get3A_17 = arith.constant 0 : index
    %get3A_18 = vector.load %arg3[%get3A_16, %get3A_17] : memref<1024x32xf32, #tpu.memory_space<vmem>>, vector<1024x32xf32>
    %add3A_19 = arith.addf %add3A_15, %get3A_18 : vector<1024x32xf32>
    %mul3A = vector.broadcast %rsqrt3A : vector<1024x1xf32> to vector<1024x32xf32>
    %mul3A_20 = arith.mulf %mul3A, %add3A_19 : vector<1024x32xf32>
    %get3A_21 = arith.constant 0 : index
    %get3A_22 = arith.constant 0 : index
    %get3A_23 = vector.load %arg6[%get3A_21, %get3A_22] : memref<1x32xf32, #tpu.memory_space<vmem>>, vector<1x32xf32>
    %add3A_24 = vector.broadcast %get3A_23 : vector<1x32xf32> to vector<1024x32xf32>
    %add3A_25 = arith.addf %mul3A_20, %add3A_24 : vector<1024x32xf32>
    %ge3A = arith.constant 0.000000e+00 : f32
    %ge3A_26 = vector.broadcast %ge3A : f32 to vector<1024x32xf32>
    %ge3A_27 = arith.cmpf oge, %add3A_25, %ge3A_26 : vector<1024x32xf32>
    %mul3A_28 = arith.constant 0.00999999977 : f32
    %mul3A_29 = vector.broadcast %mul3A_28 : f32 to vector<1024x32xf32>
    %mul3A_30 = arith.mulf %mul3A_29, %add3A_25 : vector<1024x32xf32>
    %select_n3A = arith.select %ge3A_27, %add3A_25, %mul3A_30 : vector<1024x32xi1>, vector<1024x32xf32>
    %get3A_31 = arith.constant 0 : index
    %get3A_32 = arith.constant 0 : index
    %get3A_33 = vector.load %arg7[%get3A_31, %get3A_32] : memref<32x64xf32, #tpu.memory_space<vmem>>, vector<32x64xf32>
    %dot_general3A = arith.constant dense<0.000000e+00> : vector<1024x64xf32>
    %dot_general3A_34 = tpu.matmul %select_n3A, %get3A_33, %dot_general3A {dimension_numbers = #tpu.dot_dimension_numbers<[1], [0], [0], [1], [0, 0, 1, 1], [], []>, transpose_lhs_hint = false} : vector<1024x32xf32>, vector<32x64xf32>, vector<1024x64xf32> -> vector<1024x64xf32>
    %mul3A_35 = vector.broadcast %rsqrt3A : vector<1024x1xf32> to vector<1024x64xf32>
    %mul3A_36 = arith.mulf %mul3A_35, %dot_general3A_34 : vector<1024x64xf32>
    %swap3A = arith.constant 0 : index
    %swap3A_37 = arith.constant 0 : index
    %swap3A_38 = vector.load %arg8[%swap3A, %swap3A_37] : memref<1024x64xf32, #tpu.memory_space<vmem>>, vector<1024x64xf32>
    tpu.vector_store %arg8[%swap3A, %swap3A_37], %mul3A_36 {strides = array<i32>} : memref<1024x64xf32, #tpu.memory_space<vmem>>, vector<1024x64xf32>,
    return
  }
  func.func @transform_0(%arg0: i32) -> (i32, i32) {
    %c0_i32 = arith.constant 0 : i32
    %c0_i32_0 = arith.constant 0 : i32
    return %arg0, %c0_i32 : i32, i32
  }
  func.func @transform_1(%arg0: i32) -> (i32, i32) {
    %add3A = arith.constant 10 : i32
    %add3A_0 = arith.addi %arg0, %add3A : i32
    %c0_i32 = arith.constant 0 : i32
    %c0_i32_1 = arith.constant 0 : i32
    return %add3A_0, %c0_i32 : i32, i32
  }
  func.func @transform_2(%arg0: i32) -> (i32, i32) {
    %c0_i32 = arith.constant 0 : i32
    %c0_i32_0 = arith.constant 0 : i32
    return %arg0, %c0_i32 : i32, i32
  }
  func.func @transform_3(%arg0: i32) -> (i32, i32) {
    %c0_i32 = arith.constant 0 : i32
    %c0_i32_0 = arith.constant 0 : i32
    return %arg0, %c0_i32 : i32, i32
  }
  func.func @transform_4(%arg0: i32) -> (i32, i32) {
    %add3A = arith.constant 10 : i32
    %add3A_0 = arith.addi %arg0, %add3A : i32
    %c0_i32 = arith.constant 0 : i32
    %c0_i32_1 = arith.constant 0 : i32
    return %add3A_0, %c0_i32 : i32, i32
  }
  func.func @transform_5(%arg0: i32) -> (i32, i32) {
    %c0_i32 = arith.constant 0 : i32
    %c0_i32_0 = arith.constant 0 : i32
    %c0_i32_1 = arith.constant 0 : i32
    return %c0_i32, %c0_i32_0 : i32, i32
  }
  func.func @transform_6(%arg0: i32) -> (i32, i32) {
    %c0_i32 = arith.constant 0 : i32
    %c0_i32_0 = arith.constant 0 : i32
    %c0_i32_1 = arith.constant 0 : i32
    return %c0_i32, %c0_i32_0 : i32, i32
  }
  func.func @transform_7(%arg0: i32) -> (i32, i32) {
    %c0_i32 = arith.constant 0 : i32
    %c0_i32_0 = arith.constant 0 : i32
    return %arg0, %c0_i32 : i32, i32
  }
}

module attributes {stable_mosaic.version = 14 : i64} {
  func.func @_tc_mid(%arg0: i32, %arg1: memref<1024x64xf32, #tpu.memory_space<vmem>>, %arg2: memref<1024x64xf32, #tpu.memory_space<vmem>>, %arg3: memref<1024x64xf32, #tpu.memory_space<vmem>>, %arg4: memref<1024x16xf32, #tpu.memory_space<vmem>>, %arg5: memref<1024x16xf32, #tpu.memory_space<vmem>>, %arg6: memref<1x64xf32, #tpu.memory_space<vmem>>, %arg7: memref<64x128xf32, #tpu.memory_space<vmem>>, %arg8: memref<1024x128xf32, #tpu.memory_space<vmem>>) attributes {dimension_semantics = [#tpu.dimension_semantics<arbitrary>], iteration_bounds = array<i64: 10>, scalar_prefetch = 0 : i64, scratch_operands = 0 : i64, tpu.core_type = #tpu.core_type<tc>, window_params = [{transform_indices = @transform_0, window_bounds = array<i64: 1024, 64>}, {transform_indices = @transform_1, window_bounds = array<i64: 1024, 64>}, {transform_indices = @transform_2, window_bounds = array<i64: 1024, 64>}, {transform_indices = @transform_3, window_bounds = array<i64: 1024, 16>}, {transform_indices = @transform_4, window_bounds = array<i64: 1024, 16>}, {pipeline_mode = #tpu.pipeline_mode<synchronous>, transform_indices = @transform_5, window_bounds = array<i64: 1, 64>}, {pipeline_mode = #tpu.pipeline_mode<synchronous>, transform_indices = @transform_6, window_bounds = array<i64: 64, 128>}, {transform_indices = @transform_7, window_bounds = array<i64: 1024, 128>}]} {
    %get3A = arith.constant 0 : index
    %get3A_0 = arith.constant 0 : index
    %get3A_1 = vector.load %arg4[%get3A, %get3A_0] : memref<1024x16xf32, #tpu.memory_space<vmem>>, vector<1024x16xf32>
    %get3A_2 = arith.constant 0 : index
    %get3A_3 = arith.constant 0 : index
    %get3A_4 = vector.load %arg5[%get3A_2, %get3A_3] : memref<1024x16xf32, #tpu.memory_space<vmem>>, vector<1024x16xf32>
    %slice3A = vector.extract_strided_slice %get3A_1 {offsets = [0, 0], sizes = [1024, 1], strides = [1, 1]} : vector<1024x16xf32> to vector<1024x1xf32>
    %slice3A_5 = vector.extract_strided_slice %get3A_4 {offsets = [0, 0], sizes = [1024, 1], strides = [1, 1]} : vector<1024x16xf32> to vector<1024x1xf32>
    %add3A = arith.addf %slice3A, %slice3A_5 : vector<1024x1xf32>
    %add3A_6 = arith.constant 1.000000e+00 : f32
    %add3A_7 = vector.broadcast %add3A_6 : f32 to vector<1024x1xf32>
    %add3A_8 = arith.addf %add3A, %add3A_7 : vector<1024x1xf32>
    %rsqrt3A = math.rsqrt %add3A_8 : vector<1024x1xf32>
    %get3A_9 = arith.constant 0 : index
    %get3A_10 = arith.constant 0 : index
    %get3A_11 = vector.load %arg1[%get3A_9, %get3A_10] : memref<1024x64xf32, #tpu.memory_space<vmem>>, vector<1024x64xf32>
    %get3A_12 = arith.constant 0 : index
    %get3A_13 = arith.constant 0 : index
    %get3A_14 = vector.load %arg2[%get3A_12, %get3A_13] : memref<1024x64xf32, #tpu.memory_space<vmem>>, vector<1024x64xf32>
    %add3A_15 = arith.addf %get3A_11, %get3A_14 : vector<1024x64xf32>
    %get3A_16 = arith.constant 0 : index
    %get3A_17 = arith.constant 0 : index
    %get3A_18 = vector.load %arg3[%get3A_16, %get3A_17] : memref<1024x64xf32, #tpu.memory_space<vmem>>, vector<1024x64xf32>
    %add3A_19 = arith.addf %add3A_15, %get3A_18 : vector<1024x64xf32>
    %mul3A = vector.broadcast %rsqrt3A : vector<1024x1xf32> to vector<1024x64xf32>
    %mul3A_20 = arith.mulf %mul3A, %add3A_19 : vector<1024x64xf32>
    %get3A_21 = arith.constant 0 : index
    %get3A_22 = arith.constant 0 : index
    %get3A_23 = vector.load %arg6[%get3A_21, %get3A_22] : memref<1x64xf32, #tpu.memory_space<vmem>>, vector<1x64xf32>
    %add3A_24 = vector.broadcast %get3A_23 : vector<1x64xf32> to vector<1024x64xf32>
    %add3A_25 = arith.addf %mul3A_20, %add3A_24 : vector<1024x64xf32>
    %ge3A = arith.constant 0.000000e+00 : f32
    %ge3A_26 = vector.broadcast %ge3A : f32 to vector<1024x64xf32>
    %ge3A_27 = arith.cmpf oge, %add3A_25, %ge3A_26 : vector<1024x64xf32>
    %mul3A_28 = arith.constant 0.00999999977 : f32
    %mul3A_29 = vector.broadcast %mul3A_28 : f32 to vector<1024x64xf32>
    %mul3A_30 = arith.mulf %mul3A_29, %add3A_25 : vector<1024x64xf32>
    %select_n3A = arith.select %ge3A_27, %add3A_25, %mul3A_30 : vector<1024x64xi1>, vector<1024x64xf32>
    %get3A_31 = arith.constant 0 : index
    %get3A_32 = arith.constant 0 : index
    %get3A_33 = vector.load %arg7[%get3A_31, %get3A_32] : memref<64x128xf32, #tpu.memory_space<vmem>>, vector<64x128xf32>
    %dot_general3A = arith.constant dense<0.000000e+00> : vector<1024x128xf32>
    %dot_general3A_34 = tpu.matmul %select_n3A, %get3A_33, %dot_general3A {dimension_numbers = #tpu.dot_dimension_numbers<[1], [0], [0], [1], [0, 0, 1, 1], [], []>, transpose_lhs_hint = false} : vector<1024x64xf32>, vector<64x128xf32>, vector<1024x128xf32> -> vector<1024x128xf32>
    %mul3A_35 = vector.broadcast %rsqrt3A : vector<1024x1xf32> to vector<1024x128xf32>
    %mul3A_36 = arith.mulf %mul3A_35, %dot_general3A_34 : vector<1024x128xf32>
    %swap3A = arith.constant 0 : index
    %swap3A_37 = arith.constant 0 : index
    %swap3A_38 = vector.load %arg8[%swap3A, %swap3A_37] : memref<1024x128xf32, #tpu.memory_space<vmem>>, vector<1024x128xf32>
    tpu.vector_store %arg8[%swap3A, %swap3A_37], %mul3A_36 {strides = array<i32>} : memref<1024x128xf32, #tpu.memory_space<vmem>>, vector<1024x128xf32>,
    return
  }
  func.func @transform_0(%arg0: i32) -> (i32, i32) {
    %c0_i32 = arith.constant 0 : i32
    %c0_i32_0 = arith.constant 0 : i32
    return %arg0, %c0_i32 : i32, i32
  }
  func.func @transform_1(%arg0: i32) -> (i32, i32) {
    %add3A = arith.constant 10 : i32
    %add3A_0 = arith.addi %arg0, %add3A : i32
    %c0_i32 = arith.constant 0 : i32
    %c0_i32_1 = arith.constant 0 : i32
    return %add3A_0, %c0_i32 : i32, i32
  }
  func.func @transform_2(%arg0: i32) -> (i32, i32) {
    %c0_i32 = arith.constant 0 : i32
    %c0_i32_0 = arith.constant 0 : i32
    return %arg0, %c0_i32 : i32, i32
  }
  func.func @transform_3(%arg0: i32) -> (i32, i32) {
    %c0_i32 = arith.constant 0 : i32
    %c0_i32_0 = arith.constant 0 : i32
    return %arg0, %c0_i32 : i32, i32
  }
  func.func @transform_4(%arg0: i32) -> (i32, i32) {
    %add3A = arith.constant 10 : i32
    %add3A_0 = arith.addi %arg0, %add3A : i32
    %c0_i32 = arith.constant 0 : i32
    %c0_i32_1 = arith.constant 0 : i32
    return %add3A_0, %c0_i32 : i32, i32
  }
  func.func @transform_5(%arg0: i32) -> (i32, i32) {
    %c0_i32 = arith.constant 0 : i32
    %c0_i32_0 = arith.constant 0 : i32
    %c0_i32_1 = arith.constant 0 : i32
    return %c0_i32, %c0_i32_0 : i32, i32
  }
  func.func @transform_6(%arg0: i32) -> (i32, i32) {
    %c0_i32 = arith.constant 0 : i32
    %c0_i32_0 = arith.constant 0 : i32
    %c0_i32_1 = arith.constant 0 : i32
    return %c0_i32, %c0_i32_0 : i32, i32
  }
  func.func @transform_7(%arg0: i32) -> (i32, i32) {
    %c0_i32 = arith.constant 0 : i32
    %c0_i32_0 = arith.constant 0 : i32
    return %arg0, %c0_i32 : i32, i32
  }
}

module attributes {stable_mosaic.version = 14 : i64} {
  func.func @_tc_head(%arg0: i32, %arg1: memref<1024x128xf32, #tpu.memory_space<vmem>>, %arg2: memref<1024x128xf32, #tpu.memory_space<vmem>>, %arg3: memref<1024x128xf32, #tpu.memory_space<vmem>>, %arg4: memref<1024x16xf32, #tpu.memory_space<vmem>>, %arg5: memref<1024x16xf32, #tpu.memory_space<vmem>>, %arg6: memref<1x128xf32, #tpu.memory_space<vmem>>, %arg7: memref<128x128xf32, #tpu.memory_space<vmem>>, %arg8: memref<1x128xf32, #tpu.memory_space<vmem>>, %arg9: memref<128x4xf32, #tpu.memory_space<vmem>>, %arg10: memref<1x4xf32, #tpu.memory_space<vmem>>, %arg11: memref<1024x4xf32, #tpu.memory_space<vmem>>) attributes {dimension_semantics = [#tpu.dimension_semantics<arbitrary>], iteration_bounds = array<i64: 10>, scalar_prefetch = 0 : i64, scratch_operands = 0 : i64, tpu.core_type = #tpu.core_type<tc>, window_params = [{transform_indices = @transform_0, window_bounds = array<i64: 1024, 128>}, {transform_indices = @transform_1, window_bounds = array<i64: 1024, 128>}, {transform_indices = @transform_2, window_bounds = array<i64: 1024, 128>}, {transform_indices = @transform_3, window_bounds = array<i64: 1024, 16>}, {transform_indices = @transform_4, window_bounds = array<i64: 1024, 16>}, {pipeline_mode = #tpu.pipeline_mode<synchronous>, transform_indices = @transform_5, window_bounds = array<i64: 1, 128>}, {pipeline_mode = #tpu.pipeline_mode<synchronous>, transform_indices = @transform_6, window_bounds = array<i64: 128, 128>}, {pipeline_mode = #tpu.pipeline_mode<synchronous>, transform_indices = @transform_7, window_bounds = array<i64: 1, 128>}, {pipeline_mode = #tpu.pipeline_mode<synchronous>, transform_indices = @transform_8, window_bounds = array<i64: 128, 4>}, {pipeline_mode = #tpu.pipeline_mode<synchronous>, transform_indices = @transform_9, window_bounds = array<i64: 1, 4>}, {transform_indices = @transform_10, window_bounds = array<i64: 1024, 4>}]} {
    %get3A = arith.constant 0 : index
    %get3A_0 = arith.constant 0 : index
    %get3A_1 = vector.load %arg4[%get3A, %get3A_0] : memref<1024x16xf32, #tpu.memory_space<vmem>>, vector<1024x16xf32>
    %get3A_2 = arith.constant 0 : index
    %get3A_3 = arith.constant 0 : index
    %get3A_4 = vector.load %arg5[%get3A_2, %get3A_3] : memref<1024x16xf32, #tpu.memory_space<vmem>>, vector<1024x16xf32>
    %slice3A = vector.extract_strided_slice %get3A_1 {offsets = [0, 0], sizes = [1024, 1], strides = [1, 1]} : vector<1024x16xf32> to vector<1024x1xf32>
    %slice3A_5 = vector.extract_strided_slice %get3A_4 {offsets = [0, 0], sizes = [1024, 1], strides = [1, 1]} : vector<1024x16xf32> to vector<1024x1xf32>
    %add3A = arith.addf %slice3A, %slice3A_5 : vector<1024x1xf32>
    %add3A_6 = arith.constant 1.000000e+00 : f32
    %add3A_7 = vector.broadcast %add3A_6 : f32 to vector<1024x1xf32>
    %add3A_8 = arith.addf %add3A, %add3A_7 : vector<1024x1xf32>
    %rsqrt3A = math.rsqrt %add3A_8 : vector<1024x1xf32>
    %get3A_9 = arith.constant 0 : index
    %get3A_10 = arith.constant 0 : index
    %get3A_11 = vector.load %arg1[%get3A_9, %get3A_10] : memref<1024x128xf32, #tpu.memory_space<vmem>>, vector<1024x128xf32>
    %get3A_12 = arith.constant 0 : index
    %get3A_13 = arith.constant 0 : index
    %get3A_14 = vector.load %arg2[%get3A_12, %get3A_13] : memref<1024x128xf32, #tpu.memory_space<vmem>>, vector<1024x128xf32>
    %add3A_15 = arith.addf %get3A_11, %get3A_14 : vector<1024x128xf32>
    %get3A_16 = arith.constant 0 : index
    %get3A_17 = arith.constant 0 : index
    %get3A_18 = vector.load %arg3[%get3A_16, %get3A_17] : memref<1024x128xf32, #tpu.memory_space<vmem>>, vector<1024x128xf32>
    %add3A_19 = arith.addf %add3A_15, %get3A_18 : vector<1024x128xf32>
    %mul3A = vector.broadcast %rsqrt3A : vector<1024x1xf32> to vector<1024x128xf32>
    %mul3A_20 = arith.mulf %mul3A, %add3A_19 : vector<1024x128xf32>
    %get3A_21 = arith.constant 0 : index
    %get3A_22 = arith.constant 0 : index
    %get3A_23 = vector.load %arg6[%get3A_21, %get3A_22] : memref<1x128xf32, #tpu.memory_space<vmem>>, vector<1x128xf32>
    %add3A_24 = vector.broadcast %get3A_23 : vector<1x128xf32> to vector<1024x128xf32>
    %add3A_25 = arith.addf %mul3A_20, %add3A_24 : vector<1024x128xf32>
    %get3A_26 = arith.constant 0 : index
    %get3A_27 = arith.constant 0 : index
    %get3A_28 = vector.load %arg7[%get3A_26, %get3A_27] : memref<128x128xf32, #tpu.memory_space<vmem>>, vector<128x128xf32>
    %dot_general3A = arith.constant dense<0.000000e+00> : vector<1024x128xf32>
    %dot_general3A_29 = tpu.matmul %add3A_25, %get3A_28, %dot_general3A {dimension_numbers = #tpu.dot_dimension_numbers<[1], [0], [0], [1], [0, 0, 1, 1], [], []>, transpose_lhs_hint = false} : vector<1024x128xf32>, vector<128x128xf32>, vector<1024x128xf32> -> vector<1024x128xf32>
    %get3A_30 = arith.constant 0 : index
    %get3A_31 = arith.constant 0 : index
    %get3A_32 = vector.load %arg8[%get3A_30, %get3A_31] : memref<1x128xf32, #tpu.memory_space<vmem>>, vector<1x128xf32>
    %add3A_33 = vector.broadcast %get3A_32 : vector<1x128xf32> to vector<1024x128xf32>
    %add3A_34 = arith.addf %dot_general3A_29, %add3A_33 : vector<1024x128xf32>
    %ge3A = arith.constant 0.000000e+00 : f32
    %ge3A_35 = vector.broadcast %ge3A : f32 to vector<1024x128xf32>
    %ge3A_36 = arith.cmpf oge, %add3A_34, %ge3A_35 : vector<1024x128xf32>
    %mul3A_37 = arith.constant 0.00999999977 : f32
    %mul3A_38 = vector.broadcast %mul3A_37 : f32 to vector<1024x128xf32>
    %mul3A_39 = arith.mulf %mul3A_38, %add3A_34 : vector<1024x128xf32>
    %select_n3A = arith.select %ge3A_36, %add3A_34, %mul3A_39 : vector<1024x128xi1>, vector<1024x128xf32>
    %get3A_40 = arith.constant 0 : index
    %get3A_41 = arith.constant 0 : index
    %get3A_42 = vector.load %arg9[%get3A_40, %get3A_41] : memref<128x4xf32, #tpu.memory_space<vmem>>, vector<128x4xf32>
    %dot_general3A_43 = arith.constant dense<0.000000e+00> : vector<1024x4xf32>
    %dot_general3A_44 = tpu.matmul %select_n3A, %get3A_42, %dot_general3A_43 {dimension_numbers = #tpu.dot_dimension_numbers<[1], [0], [0], [1], [0, 0, 1, 1], [], []>, transpose_lhs_hint = false} : vector<1024x128xf32>, vector<128x4xf32>, vector<1024x4xf32> -> vector<1024x4xf32>
    %get3A_45 = arith.constant 0 : index
    %get3A_46 = arith.constant 0 : index
    %get3A_47 = vector.load %arg10[%get3A_45, %get3A_46] : memref<1x4xf32, #tpu.memory_space<vmem>>, vector<1x4xf32>
    %add3A_48 = vector.broadcast %get3A_47 : vector<1x4xf32> to vector<1024x4xf32>
    %add3A_49 = arith.addf %dot_general3A_44, %add3A_48 : vector<1024x4xf32>
    %mul3A_50 = arith.constant 1024 : i32
    %mul3A_51 = arith.muli %arg0, %mul3A_50 : i32
    %iota3A = tpu.iota {dimensions = array<i32: 0>} : vector<1024x4xi32>
    %add3A_52 = vector.broadcast %mul3A_51 : i32 to vector<1024x4xi32>
    %add3A_53 = arith.addi %add3A_52, %iota3A : vector<1024x4xi32>
    %iota3A_54 = tpu.iota {dimensions = array<i32: 1>} : vector<1024x4xi32>
    %lt3A = arith.constant 10000 : i32
    %lt3A_55 = vector.broadcast %lt3A : i32 to vector<1024x4xi32>
    %lt3A_56 = arith.cmpi slt, %add3A_53, %lt3A_55 : vector<1024x4xi32>
    %eq3A = arith.constant 1 : i32
    %eq3A_57 = vector.broadcast %eq3A : i32 to vector<1024x4xi32>
    %eq3A_58 = arith.cmpi eq, %iota3A_54, %eq3A_57 : vector<1024x4xi32>
    %or3A = arith.ori %lt3A_56, %eq3A_58 : vector<1024x4xi1>
    %eq3A_59 = arith.constant 3 : i32
    %eq3A_60 = vector.broadcast %eq3A_59 : i32 to vector<1024x4xi32>
    %eq3A_61 = arith.cmpi eq, %iota3A_54, %eq3A_60 : vector<1024x4xi32>
    %or3A_62 = arith.ori %or3A, %eq3A_61 : vector<1024x4xi1>
    %jit3A = arith.constant -1.000000e+02 : f32
    %broadcast_in_dim3A = vector.broadcast %jit3A : f32 to vector<1024x4xf32>
    %select_n3A_63 = arith.select %or3A_62, %add3A_49, %broadcast_in_dim3A : vector<1024x4xi1>, vector<1024x4xf32>
    %swap3A = arith.constant 0 : index
    %swap3A_64 = arith.constant 0 : index
    %swap3A_65 = vector.load %arg11[%swap3A, %swap3A_64] : memref<1024x4xf32, #tpu.memory_space<vmem>>, vector<1024x4xf32>
    tpu.vector_store %arg11[%swap3A, %swap3A_64], %select_n3A_63 {strides = array<i32>} : memref<1024x4xf32, #tpu.memory_space<vmem>>, vector<1024x4xf32>,
    return
  }
  func.func @transform_0(%arg0: i32) -> (i32, i32) {
    %c0_i32 = arith.constant 0 : i32
    %c0_i32_0 = arith.constant 0 : i32
    return %arg0, %c0_i32 : i32, i32
  }
  func.func @transform_1(%arg0: i32) -> (i32, i32) {
    %add3A = arith.constant 10 : i32
    %add3A_0 = arith.addi %arg0, %add3A : i32
    %c0_i32 = arith.constant 0 : i32
    %c0_i32_1 = arith.constant 0 : i32
    return %add3A_0, %c0_i32 : i32, i32
  }
  func.func @transform_2(%arg0: i32) -> (i32, i32) {
    %c0_i32 = arith.constant 0 : i32
    %c0_i32_0 = arith.constant 0 : i32
    return %arg0, %c0_i32 : i32, i32
  }
  func.func @transform_3(%arg0: i32) -> (i32, i32) {
    %c0_i32 = arith.constant 0 : i32
    %c0_i32_0 = arith.constant 0 : i32
    return %arg0, %c0_i32 : i32, i32
  }
  func.func @transform_4(%arg0: i32) -> (i32, i32) {
    %add3A = arith.constant 10 : i32
    %add3A_0 = arith.addi %arg0, %add3A : i32
    %c0_i32 = arith.constant 0 : i32
    %c0_i32_1 = arith.constant 0 : i32
    return %add3A_0, %c0_i32 : i32, i32
  }
  func.func @transform_5(%arg0: i32) -> (i32, i32) {
    %c0_i32 = arith.constant 0 : i32
    %c0_i32_0 = arith.constant 0 : i32
    %c0_i32_1 = arith.constant 0 : i32
    return %c0_i32, %c0_i32_0 : i32, i32
  }
  func.func @transform_6(%arg0: i32) -> (i32, i32) {
    %c0_i32 = arith.constant 0 : i32
    %c0_i32_0 = arith.constant 0 : i32
    %c0_i32_1 = arith.constant 0 : i32
    return %c0_i32, %c0_i32_0 : i32, i32
  }
  func.func @transform_7(%arg0: i32) -> (i32, i32) {
    %c0_i32 = arith.constant 0 : i32
    %c0_i32_0 = arith.constant 0 : i32
    %c0_i32_1 = arith.constant 0 : i32
    return %c0_i32, %c0_i32_0 : i32, i32
  }
  func.func @transform_8(%arg0: i32) -> (i32, i32) {
    %c0_i32 = arith.constant 0 : i32
    %c0_i32_0 = arith.constant 0 : i32
    %c0_i32_1 = arith.constant 0 : i32
    return %c0_i32, %c0_i32_0 : i32, i32
  }
  func.func @transform_9(%arg0: i32) -> (i32, i32) {
    %c0_i32 = arith.constant 0 : i32
    %c0_i32_0 = arith.constant 0 : i32
    %c0_i32_1 = arith.constant 0 : i32
    return %c0_i32, %c0_i32_0 : i32, i32
  }
  func.func @transform_10(%arg0: i32) -> (i32, i32) {
    %c0_i32 = arith.constant 0 : i32
    %c0_i32_0 = arith.constant 0 : i32
    return %arg0, %c0_i32 : i32, i32
  }
}

</mosaic_0001>

<sc_bundles>
// kernel: kernel.10.cloned.1.call-start
scs
__scs_entry_jumppad:
0x0: {  	(pc) =	sbr.rel $0x88, $3  }
0x1: {  	(tag) =	ssettag $0x0;
	lr =	simm.s32 $0x1  }
0x2: {  	[smem:$0x3F95] =	sst lr;
	_ =	strace $0xD0000000  }
0x3: {  	_ = 	snop  }
0x4: {  	_ = 	snop  }
0x5: {  	_ = 	snop  }
0x6: {  	_ = 	snop  }
0x7: {  	_ = 	snop  }
__scs_overlays_trampoline_lowered:
0x8: {  	[smem:$0x3FA4] =	sst s0  }
0x9: {  	[smem:$0x3FA5] =	sst s1  }
0xa: {  	[smem:$0x3FA6] =	sst s2  }
0xb: {  	[smem:$0x3FA7] =	sst s3  }
0xc: {  	[smem:$0x3FA8] =	sst s4  }
0xd: {  	[smem:$0x3FA9] =	sst s5  }
0xe: {  	[smem:$0x3FAA] =	sst s6  }
0xf: {  	[smem:$0x3FAB] =	sst s7  }
0x10: {  	[smem:$0x3FAC] =	sst s8  }
0x11: {  	[smem:$0x3FAD] =	sst s9;
	s0 =	simm.s32 @!p0 $0x0  }
0x12: {  	s1 =	sld [smem:$0x3F93];
	s0 =	simm.s32 @p0 $0x1  }
0x13: {  	[smem:$0x3FAE] =	sst s0;
	s0 =	simm.s32 @!p1 $0x0  }
0x14: {  	s2 =	sld [smem:$0x3F92];
	s0 =	simm.s32 @p1 $0x1  }
0x15: {  	[smem:$0x3FAF] =	sst s0;
	s0 =	simm.s32 @!p2 $0x0  }
0x16: {  	s3 =	sld [smem:$0x3FDB];
	s0 =	simm.s32 @p2 $0x1  }
0x17: {  	s4 =	simm.s32 $0x1BF5;
	[smem:$0x3FB1] =	sst s0  }
0x18: {  	s0 =	sld [smem:$0x3F94];
	_ =	swait.ge [sflag:s4], $0x0  }
0x19: {  	s7 =	sld [smem:$0x3F95]  }
0x1a: {  	s8 =	sadd.s32 $0xFFFFE003, lr  }
0x1b: {  	s9 =	sadd.s32 $0xFFFFFEF7, lr;
	s5 =	simm.s32 $0xFFFFFFFF;
	p2 =	slt.u32 s8, $0xFFFFF086  }
0x1c: {  	p1 =	slt.u32 s9, $0xF7A;
	s5 =	simm.s32 @!p2 $0x0  }
0x1d: {  	s5 =	simm.s32 @p1 $0x1;
	p0 =	seq.s32 s7, s2  }
0x1e: {  	s7 =	smul.u32 @!p0 $0xF7A, s2;
	p2 =	seq.s32 @!p0 s5, $0x0  }
0x1f: {  	s9 =	smul.u32 $0xF7A, s1;
	s8 =	simm.s32 @!p0 $0x1BF5;
	p2 =	por !p2, p0  }
0x20: {  	[sflag:s8] =	ssyncset.s32 @!p0 $0xFFFFF086;
	s6 =	sadd.s32 @!p0 s3, s7;
	s7 =	simm.s32 @!p0 $0x108  }
0x21: {  	s3 =	sadd.s32 s3, s9;
	s6 =	sadd.s32 @!p0 $0x88, s6;
	s7 =	simm.s32 @p2 $0x1082  }
0x22: {  	[simem:s7], [sflag:s8] =	dma.local @!p0 [hbm:s6], $0xF7A  }
0x23: {  	s9 =	sor.u32 $0xD0000000, s2;
	s6 =	simm.s32 $0x108;
	_ =	swait.ge @!p0 [sflag:s8], $0x0  }
0x24: {  	s3 =	sadd.s32 $0x88, s3;
	s6 =	simm.s32 @!p1 $0x1082;
	[sflag:s4] =	ssyncset.s32 $0xFFFFF086  }
0x25: {  	[simem:s6], [sflag:s4] =	dma.local [hbm:s3], $0xF7A  }
0x26: {  	[smem:$0x3F95] =	sst s1;
	(tag) =	ssettag s2;
	_ =	strace s9  }
0x27: {  	s1 =	sld [smem:$0x3FA5]  }
0x28: {  	s2 =	sld [smem:$0x3FA6]  }
0x29: {  	s4 =	sld [smem:$0x3FA8]  }
0x2a: {  	p0 =	seq.s32 s5, $0x0;
	s5 =	sld [smem:$0x3FA9]  }
0x2b: {  	s6 =	sld [smem:$0x3FAA]  }
0x2c: {  	s7 =	sld [smem:$0x3FAB]  }
0x2d: {  	s3 =	simm.s32 $0x108;
	s8 =	sld [smem:$0x3FAC]  }
0x2e: {  	s3 =	simm.s32 @!p0 $0x1082;
	s9 =	sld [smem:$0x3FAD]  }
0x2f: {  	lr =	sadd.s32 s0, s3;
	s0 =	sld [smem:$0x3FA4]  }
0x30: {  	s3 =	sld [smem:$0x3FA7]  }
0x31: {  	[smem:$0x3FB0] =	sst s10  }
0x32: {  	s10 =	sld [smem:$0x3FAE];
	_ =	sdelay $0x3  }
0x33: {  	p0 =	seq.s32 s10, $0x1;
	s10 =	sld [smem:$0x3FB0];
	_ =	sdelay $0x3  }
0x34: {  	[smem:$0x3FB0] =	sst s10  }
0x35: {  	s10 =	sld [smem:$0x3FAF];
	_ =	sdelay $0x3  }
0x36: {  	p1 =	seq.s32 s10, $0x1;
	s10 =	sld [smem:$0x3FB0];
	_ =	sdelay $0x3  }
0x37: {  	[smem:$0x3FB0] =	sst s10  }
0x38: {  	s10 =	sld [smem:$0x3FB1]  }
0x39: {  	_ = 	snop;
	(pc) =	sbr.ind lr, $3  }
0x3a: {  	_ = 	snop  }
0x3b: {  	_ = 	snop  }
0x3c: {  	p2 =	seq.s32 s10, $0x1;
	s10 =	sld [smem:$0x3FB0]  }
0x3d: {  	_ =	shalt  }
0x3e: {  	_ =	shalt  }
0x3f: {  	_ =	shalt  }
0x40: {  	_ =	shalt  }
0x41: {  	_ =	shalt  }
0x42: {  	_ =	shalt  }
0x43: {  	_ =	shalt  }
0x44: {  	_ =	shalt  }
0x45: {  	_ =	shalt  }
0x46: {  	_ =	shalt  }
0x47: {  	_ =	shalt  }
0x48: {  	_ =	shalt  }
0x49: {  	_ =	shalt  }
0x4a: {  	_ =	shalt  }
0x4b: {  	_ =	shalt  }
0x4c: {  	_ =	shalt  }
0x4d: {  	_ =	shalt  }
0x4e: {  	_ =	shalt  }
0x4f: {  	_ =	shalt  }
0x50: {  	_ =	shalt  }
0x51: {  	_ =	shalt  }
0x52: {  	_ =	shalt  }
0x53: {  	_ =	shalt  }
0x54: {  	_ =	shalt  }
0x55: {  	_ =	shalt  }
0x56: {  	_ =	shalt  }
0x57: {  	_ =	shalt  }
0x58: {  	_ =	shalt  }
0x59: {  	_ =	shalt  }
0x5a: {  	_ =	shalt  }
0x5b: {  	_ =	shalt  }
0x5c: {  	_ =	shalt  }
0x5d: {  	_ =	shalt  }
0x5e: {  	_ =	shalt  }
0x5f: {  	_ =	shalt  }
0x60: {  	_ =	shalt  }
0x61: {  	_ =	shalt  }
0x62: {  	_ =	shalt  }
0x63: {  	_ =	shalt  }
0x64: {  	_ =	shalt  }
0x65: {  	_ =	shalt  }
0x66: {  	_ =	shalt  }
0x67: {  	_ =	shalt  }
0x68: {  	_ =	shalt  }
0x69: {  	_ =	shalt  }
0x6a: {  	_ =	shalt  }
0x6b: {  	_ =	shalt  }
0x6c: {  	_ =	shalt  }
0x6d: {  	_ =	shalt  }
0x6e: {  	_ =	shalt  }
0x6f: {  	_ =	shalt  }
0x70: {  	_ =	shalt  }
0x71: {  	_ =	shalt  }
0x72: {  	_ =	shalt  }
0x73: {  	_ =	shalt  }
0x74: {  	_ =	shalt  }
0x75: {  	_ =	shalt  }
0x76: {  	_ =	shalt  }
0x77: {  	_ =	shalt  }
0x78: {  	_ =	shalt  }
0x79: {  	_ =	shalt  }
0x7a: {  	_ =	shalt  }
0x7b: {  	_ =	shalt  }
0x7c: {  	_ =	shalt  }
0x7d: {  	_ =	shalt  }
0x7e: {  	_ =	shalt  }
0x7f: {  	_ =	shalt  }
0x80: {  	_ =	shalt  }
0x81: {  	_ =	shalt  }
0x82: {  	_ =	shalt  }
0x83: {  	_ =	shalt  }
0x84: {  	_ =	shalt  }
0x85: {  	_ =	shalt  }
0x86: {  	_ =	shalt  }
0x87: {  	_ =	shalt  }
.Lfunc_end0:
.L_simem_size_0:
called_computation_lowered:
.L_overlay_start_0:
0x88: {  	s2 =	sld [smem:$0x3FD9]  }
0x89: {  	s3 =	sld [smem:$0x3FFE];
	_ =	sdelay $0x1  }
0x8a: {  	s1 =	srdreg.scid  }
0x8b: {  	s0 =	sand.u32 $0x1, s1  }
0x8c: {  	s14 =	sshll.u32 s0, $0xA;
	s2 =	sadd.s32 s3, s2  }
0x8d: {  	s2 =	sadd.s32 s2, s14  }
0x8e: {  	[smem:$0x3FBC] =	sst s2  }
0x8f: {  	_ = 	snop  }
0x90: {  	s2 =	sld [smem:$0x3FD0];
	_ =	sdelay $0x2  }
0x91: {  	s15 =	simm.s32 $0xA;
	s4 =	simm.s32 $0x10  }
0x92: {  	[smem:s4], [sflag:s15] =	dma.local [hbm:s2], $0x1  }
0x93: {  	_ =	swait.eq [sflag:s15], $0x1  }
0x94: {  	[sflag:s15] =	ssyncset.done $0x0  }
0x95: {  	s16 =	sld [smem:$0x10];
	[sflag:s15] =	ssyncadd.s32 $0xFFFFFFFF  }
0x96: {  	s17 =	sld [smem:$0x11];
	(tm) =	ssettm $0x1  }
0x97: {  	s18 =	sld [smem:$0x3FFB];
	_ =	sdelay $0x3  }
0x98: {  	_ =	strace s18  }
0x99: {  	s4 =	sld [smem:$0x3FFC];
	_ =	sdelay $0x3  }
0x9a: {  	_ =	strace s4  }
0x9b: {  	s4 =	sld [smem:$0x3FFD];
	_ =	sdelay $0x3  }
0x9c: {  	_ =	strace s4  }
0x9d: {  	_ =	strace $0x8FFFFFFF  }
0x9e: {  	s19 =	sld [smem:$0x3FDB];
	_ =	sdelay $0x1  }
0x9f: {  	s5 =	simm.s32 $_scs_section_size  }
0xa0: {  	s6 =	simm.s32 $_size__tile_overlayer_lowered;
	s7 =	simm.s32 $_tile_overlayer_lowered  }
0xa1: {  	s22 =	simm.s32 $0x1BFF;
	s21 =	sshll.u32 s7, $0x1;
	s4 =	sadd.s32 s5, s19  }
0xa2: {  	s8 =	simm.s32 $0x0;
	s20 =	sshll.u32 s6, $0x1;
	s6 =	sadd.s32 s21, s4  }
0xa3: {  	[timem:s8], [sflag:s22] =	dma.local [hbm:s6], s20  }
0xa4: {  	_ =	swait.ge [sflag:s22], s20  }
0xa5: {  	s5 =	ssub.s32 $0x0, s20;
	[sflag:s22] =	ssyncset.done $0x0  }
0xa6: {  	[sflag:s22] =	ssyncadd.s32 s5;
	_ =	sdelay $0x1  }
0xa7: {  	s23 =	simm.s32 $0x1B8B  }
0xa8: {  	_ =	swait.ge [sflag:s23], $0x1  }
0xa9: {  	[sflag:s23] =	ssyncset.done $0x0  }
0xaa: {  	s25 =	simm.s32 $0x1B8E;
	s24 =	sld [smem:$0x3FFE];
	[sflag:s23] =	ssyncadd.s32 $0xFFFFFFFF  }
0xab: {  	s26 =	simm.s32 $execute0_lowered;
	[smem:$0x3FD2] =	sst s25  }
0xac: {  	s6 =	sshll.u32 s26, $0x1;
	_ =	strace $0x80000046;
	[dreg:$0x1] =	wrdreg $0xFFFFFFFF  }
0xad: {  	s28 =	simm.s32 $_size_execute0_lowered;
	s4 =	sadd.s32 s4, s6;
	[dreg:$0x0] =	wrdreg $0x0  }
0xae: {  	s6 =	sshll.u32 s28, $0x1;
	[dreg:$0x2] =	wrdreg s4  }
0xaf: {  	[dreg:$0x3] =	wrdreg s6  }
0xb0: {  	[dreg:$0x4] =	wrdreg $0xC0  }
0xb1: {  	_ =	task [dreg:s8], $0x5FFFF  }
0xb2: {  	[dreg:$0x1] =	wrdreg $0xFFFFFFFF  }
0xb3: {  	[dreg:$0x0] =	wrdreg $0x60  }
0xb4: {  	[dreg:$0x2] =	wrdreg s24  }
0xb5: {  	[dreg:$0x3] =	wrdreg s17  }
0xb6: {  	[dreg:$0x4] =	wrdreg s16  }
0xb7: {  	[dreg:$0x5] =	wrdreg $0x2DC00  }
0xb8: {  	[dreg:$0x6] =	wrdreg $0x9  }
0xb9: {  	_ =	task.clear_ibuf [dreg:s8], $0x7FFFF;
	_ =	strace $0x90000046  }
0xba: {  	s29 =	simm.s32 $0x9;
	_ =	strace $0x80000048  }
0xbb: {  	_ =	swait.ge [sflag:s29], $0x1  }
0xbc: {  	[sflag:s29] =	ssyncadd.s32 $0xFFFFFFFF  }
0xbd: {  	_ =	strace $0x90000048  }
0xbe: {  	_ =	sfence  }
0xbf: {  	s30 =	sld [smem:$0x0];
	_ =	sdelay $0x2  }
0xc0: {  	s31 =	sshll.u32 s1, $0xD;
	s1 =	sshrl.u32 s1, $0x2  }
0xc1: {  	s3 =	sand.u32 $0x4000, s31;
	s1 =	sadd.s32 s1, s30  }
0xc2: {  	s0 =	sor.u32 s3, s0;
	s1 =	sshll.u32 s1, $0x11  }
0xc3: {  	s0 =	sor.u32 s1, s0  }
0xc4: {  	s0 =	sadd.s32 $0x8F2B, s0  }
0xc5: {  	[sflag:s0] =	ssyncadd.remote.s32 $0x1  }
0xc6: {  	_ =	sfence.sel $0xFFFF  }
0xc7: {  	[dreg:$0x0] =	wrdreg $0xFFFFFFFF;
	(pc) =	sbr.abs _section_cstart, $3  }
0xc8: {  	[dreg:$0x1] =	wrdreg $0xFFFFFFFF  }
0xc9: {  	_ =	task.clear_ibuf [dreg:s8], $0x2FFFF;
	_ =	strace $0x9FFFFFFF  }
0xca: {  	(tm) =	ssettm $0x7FFFFFFF  }
0xcb: {  	_ =	shalt  }
tec
execute0_lowered:
.L_overlay_start_1:
0x0: {  	(tag) =	ssettag $0x1  }
0x1: {  	s6 =	rddreg [dreg:$0x0]  }
0x2: {  	s2 =	srdreg.scid;
	s1 =	rddreg [dreg:$0x1]  }
0x3: {  	s0 =	stileid.u32;
	s3 =	rddreg [dreg:$0x2]  }
0x4: {  	s4 =	rddreg [dreg:$0x3];
	s5 =	simm.s32 $0x0;
	s12 =	simm.s32 $0x27C0  }
0x5: {  	s13 =	simm.s32 $0x60;
	s14 =	simm.s32 $0x0;
	s9 =	smul.u32 $0x500, s0  }
0x6: {  	s7 =	sand.u32 $0x1, s2;
	s26 =	sshll.u32 s0, $0x1;
	s11 =	smul.u32 $0xA000, s0  }
0x7: {  	[smem:$0x7FF] =	sst s5;
	s2 =	sor.u32 s7, s26;
	s10 =	smul.u32 $0x5000, s7  }
0x8: {  	s31 =	sshll.u32 s0, $0x6;
	s7 =	ssub.s32 $0x2, s7;
	s8 =	smul.u32 $0x4F8, s2  }
0x9: {  	s2 =	rddreg [dreg:$0x4];
	_ =	strace $0x80000047;
	s28 =	sshrl.u32 s7, $0x1  }
0xa: {  	s29 =	sshrl.u32 s11, $0x2;
	s11 =	simm.s32 $0x1;
	s9 =	sadd.s32 s9, s10  }
0xb: {  	s30 =	ssub.s32 s7, s28;
	s10 =	sadd.s32 s29, s4;
	s8 =	sadd.s32 s8, s6  }
0xc: {  	s9 =	sadd.s32 s9, s6;
	s6 =	sor.u32 $0x1C01, s31;
	s10 =	sshrl.u32 s10, $0x3  }
0xd: {  	s7 =	sadd.s32 $0x15A00, s8;
	s8 =	sadd.s32 $0x1FA00, s9;
	s9 =	smax.u32 s30, $0x1  }
.LBB2_1:
0xe: {  	[spmem:s10], [sflag:s6] =	dma.local [hbm:s3], $0x500  }
0xf: {  	_ =	swait.ge [sflag:s11], $0x500  }
0x10: {  	[sflag:s11] =	ssyncset.done $0x0  }
0x11: {  	[sflag:s11] =	ssyncadd.s32 $0xFFFFFB00  }
0x12: {  	[tilespmem:s12], [sflag:$0x1] =	stream.linear.gather [hbm4b:s1+s5], $0x600, $0x38;
	[tilespmem:$0x55C0] =	vst v63  }
0x13: {  	_ =	swait.ge [sflag:s11], $0x600  }
0x14: {  	[sflag:s11] =	ssyncset.done $0x0  }
0x15: {  	[sflag:s11] =	ssyncadd.s32 $0xFFFFFA00  }
0x16: {  	[tilespmem:s5], [sflag:$0x1] =	stream.linear.gather [hbm4b:s7+s5], $0x27C0, $0x38;
	[tilespmem:$0x55C0] =	vst v63  }
0x17: {  	_ =	swait.ge [sflag:s11], $0x27C0  }
0x18: {  	[sflag:s11] =	ssyncset.done $0x0  }
0x19: {  	[sflag:s11] =	ssyncadd.s32 $0xFFFFD840  }
0x1a: {  	s15 =	simm.s32 $0x0;
	[bflag:$0x0] =	sbarrier.arrive $0xFFFF  }
0x1b: {  	[spmem:s4] =	stream.indirect.scatter.add.f32 [tilespmem:s12], [sflag:$0x1], $0x10, s15, s13, $0xb8;
	[tilespmem:$0x55C0] =	vst v63  }
0x1c: {  	_ =	swait.ge [sflag:s11], $0x600  }
0x1d: {  	s15 =	simm.s32 $0x180;
	[sflag:s11] =	ssyncset.done $0x0  }
.LBB2_2:
0x1e: {  	s16 =	sshra.s32 s15, $0x2;
	[sflag:s11] =	ssyncadd.s32 $0xFFFFFA00;
	p0 =	sne.s32 s15, $0x9D80  }
0x1f: {  	[spmem:s4] =	stream.indirect.scatter.add.f32 [tilespmem:s12], [sflag:$0x1], $0x10, s16, s13, $0xb8;
	[tilespmem:$0x55C0] =	vst v63  }
.Ltmp0:
0x20: {  	_ = 	snop;
	(pc) =	sbr.rel @p0 .LBB2_2-.Ltmp0, $4  }
0x21: {  	_ = 	snop  }
0x22: {  	s15 =	sadd.s32 $0x180, s15  }
0x23: {  	_ =	swait.ge [sflag:s11], $0x600  }
0x24: {  	[sflag:s11] =	ssyncset.done $0x0  }
0x25: {  	s14 =	sadd.s32 $0x1, s14  }
0x26: {  	[sflag:s11] =	ssyncadd.s32 $0xFFFFFA00;
	p0 =	sne.s32 s14, s9  }
.Ltmp1:
0x27: {  	[bflag:$0x0] =	sbarrier.arrive $0xFFFF;
	(pc) =	sbr.rel @p0 .LBB2_1-.Ltmp1, $4  }
0x28: {  	[hbm:s8], [sflag:s6] =	dma.local [spmem:s10], $0x500  }
0x29: {  	_ =	swait.ge [sflag:s11], $0x500  }
0x2a: {  	[sflag:s11] =	ssyncset.done $0x0  }
0x2b: {  	[sflag:s11] =	ssyncadd.s32 $0xFFFFFB00  }
0x2c: {  	_ =	sfence.sel $0x180000  }
0x2d: {  	[bflag:$0x0] =	sbarrier.arrive $0xFFFF  }
0x2e: {  	p0 =	sne.s32 s0, $0x0;
	_ =	strace $0x90000047  }
0x2f: {  	s0 =	sadd.s32 @!p0 $0x100000, s2;
	[bflag:$0x2] =	sbarrier.arrive $0xFFFF  }
0x30: {  	[sflag:s0] =	ssyncadd.tile.s32 @!p0 $0x1;
	_ =	shalt  }
.Lfunc_end2:
_tile_overlayer_lowered:
.L_overlay_start_2:
0x31: {  	(tag) =	ssettag $0x2  }
0x32: {  	s0 =	rddreg [dreg:$0x0];
	s2 =	stileid.u32  }
0x33: {  	s1 =	rddreg [dreg:$0x1];
	p0 =	sne.s32 s2, $0x0  }
0x34: {  	s3 =	rddreg [dreg:$0x2];
	[bflag:$0x3] =	sbarrier.arrive $0xFFFF;
	s2 =	simm.s32 @!p0 $0x1C01  }
0x35: {  	[timem:s3], [sflag:s2] =	dma.local @!p0 [hbm:s0], s1  }
0x36: {  	s0 =	simm.s32 @!p0 $0x1  }
0x37: {  	_ =	swait.ge @!p0 [sflag:s0], s1  }
0x38: {  	s1 =	ssub.s32 @!p0 $0x0, s1;
	[sflag:s0] =	ssyncset.done @!p0 $0x0  }
0x39: {  	[sflag:s0] =	ssyncadd.s32 @!p0 s1  }
0x3a: {  	[bflag:$0x3] =	sbarrier.arrive $0xFFFF  }
0x3b: {  	_ =	shalt  }

// kernel: kernel.13.cloned.1.call-start
scs
__scs_entry_jumppad:
0x0: {  	(pc) =	sbr.rel $0x88, $3  }
0x1: {  	(tag) =	ssettag $0x0;
	lr =	simm.s32 $0x1  }
0x2: {  	[smem:$0x3F95] =	sst lr;
	_ =	strace $0xD0000000  }
0x3: {  	_ = 	snop  }
0x4: {  	_ = 	snop  }
0x5: {  	_ = 	snop  }
0x6: {  	_ = 	snop  }
0x7: {  	_ = 	snop  }
__scs_overlays_trampoline_lowered:
0x8: {  	[smem:$0x3FA4] =	sst s0  }
0x9: {  	[smem:$0x3FA5] =	sst s1  }
0xa: {  	[smem:$0x3FA6] =	sst s2  }
0xb: {  	[smem:$0x3FA7] =	sst s3  }
0xc: {  	[smem:$0x3FA8] =	sst s4  }
0xd: {  	[smem:$0x3FA9] =	sst s5  }
0xe: {  	[smem:$0x3FAA] =	sst s6  }
0xf: {  	[smem:$0x3FAB] =	sst s7  }
0x10: {  	[smem:$0x3FAC] =	sst s8  }
0x11: {  	[smem:$0x3FAD] =	sst s9;
	s0 =	simm.s32 @!p0 $0x0  }
0x12: {  	s1 =	sld [smem:$0x3F93];
	s0 =	simm.s32 @p0 $0x1  }
0x13: {  	[smem:$0x3FAE] =	sst s0;
	s0 =	simm.s32 @!p1 $0x0  }
0x14: {  	s2 =	sld [smem:$0x3F92];
	s0 =	simm.s32 @p1 $0x1  }
0x15: {  	[smem:$0x3FAF] =	sst s0;
	s0 =	simm.s32 @!p2 $0x0  }
0x16: {  	s3 =	sld [smem:$0x3FDB];
	s0 =	simm.s32 @p2 $0x1  }
0x17: {  	s4 =	simm.s32 $0x1BF5;
	[smem:$0x3FB1] =	sst s0  }
0x18: {  	s0 =	sld [smem:$0x3F94];
	_ =	swait.ge [sflag:s4], $0x0  }
0x19: {  	s7 =	sld [smem:$0x3F95]  }
0x1a: {  	s8 =	sadd.s32 $0xFFFFE003, lr  }
0x1b: {  	s9 =	sadd.s32 $0xFFFFFEF7, lr;
	s5 =	simm.s32 $0xFFFFFFFF;
	p2 =	slt.u32 s8, $0xFFFFF086  }
0x1c: {  	p1 =	slt.u32 s9, $0xF7A;
	s5 =	simm.s32 @!p2 $0x0  }
0x1d: {  	s5 =	simm.s32 @p1 $0x1;
	p0 =	seq.s32 s7, s2  }
0x1e: {  	s7 =	smul.u32 @!p0 $0xF7A, s2;
	p2 =	seq.s32 @!p0 s5, $0x0  }
0x1f: {  	s9 =	smul.u32 $0xF7A, s1;
	s8 =	simm.s32 @!p0 $0x1BF5;
	p2 =	por !p2, p0  }
0x20: {  	[sflag:s8] =	ssyncset.s32 @!p0 $0xFFFFF086;
	s6 =	sadd.s32 @!p0 s3, s7;
	s7 =	simm.s32 @!p0 $0x108  }
0x21: {  	s3 =	sadd.s32 s3, s9;
	s6 =	sadd.s32 @!p0 $0x88, s6;
	s7 =	simm.s32 @p2 $0x1082  }
0x22: {  	[simem:s7], [sflag:s8] =	dma.local @!p0 [hbm:s6], $0xF7A  }
0x23: {  	s9 =	sor.u32 $0xD0000000, s2;
	s6 =	simm.s32 $0x108;
	_ =	swait.ge @!p0 [sflag:s8], $0x0  }
0x24: {  	s3 =	sadd.s32 $0x88, s3;
	s6 =	simm.s32 @!p1 $0x1082;
	[sflag:s4] =	ssyncset.s32 $0xFFFFF086  }
0x25: {  	[simem:s6], [sflag:s4] =	dma.local [hbm:s3], $0xF7A  }
0x26: {  	[smem:$0x3F95] =	sst s1;
	(tag) =	ssettag s2;
	_ =	strace s9  }
0x27: {  	s1 =	sld [smem:$0x3FA5]  }
0x28: {  	s2 =	sld [smem:$0x3FA6]  }
0x29: {  	s4 =	sld [smem:$0x3FA8]  }
0x2a: {  	p0 =	seq.s32 s5, $0x0;
	s5 =	sld [smem:$0x3FA9]  }
0x2b: {  	s6 =	sld [smem:$0x3FAA]  }
0x2c: {  	s7 =	sld [smem:$0x3FAB]  }
0x2d: {  	s3 =	simm.s32 $0x108;
	s8 =	sld [smem:$0x3FAC]  }
0x2e: {  	s3 =	simm.s32 @!p0 $0x1082;
	s9 =	sld [smem:$0x3FAD]  }
0x2f: {  	lr =	sadd.s32 s0, s3;
	s0 =	sld [smem:$0x3FA4]  }
0x30: {  	s3 =	sld [smem:$0x3FA7]  }
0x31: {  	[smem:$0x3FB0] =	sst s10  }
0x32: {  	s10 =	sld [smem:$0x3FAE];
	_ =	sdelay $0x3  }
0x33: {  	p0 =	seq.s32 s10, $0x1;
	s10 =	sld [smem:$0x3FB0];
	_ =	sdelay $0x3  }
0x34: {  	[smem:$0x3FB0] =	sst s10  }
0x35: {  	s10 =	sld [smem:$0x3FAF];
	_ =	sdelay $0x3  }
0x36: {  	p1 =	seq.s32 s10, $0x1;
	s10 =	sld [smem:$0x3FB0];
	_ =	sdelay $0x3  }
0x37: {  	[smem:$0x3FB0] =	sst s10  }
0x38: {  	s10 =	sld [smem:$0x3FB1]  }
0x39: {  	_ = 	snop;
	(pc) =	sbr.ind lr, $3  }
0x3a: {  	_ = 	snop  }
0x3b: {  	_ = 	snop  }
0x3c: {  	p2 =	seq.s32 s10, $0x1;
	s10 =	sld [smem:$0x3FB0]  }
0x3d: {  	_ =	shalt  }
0x3e: {  	_ =	shalt  }
0x3f: {  	_ =	shalt  }
0x40: {  	_ =	shalt  }
0x41: {  	_ =	shalt  }
0x42: {  	_ =	shalt  }
0x43: {  	_ =	shalt  }
0x44: {  	_ =	shalt  }
0x45: {  	_ =	shalt  }
0x46: {  	_ =	shalt  }
0x47: {  	_ =	shalt  }
0x48: {  	_ =	shalt  }
0x49: {  	_ =	shalt  }
0x4a: {  	_ =	shalt  }
0x4b: {  	_ =	shalt  }
0x4c: {  	_ =	shalt  }
0x4d: {  	_ =	shalt  }
0x4e: {  	_ =	shalt  }
0x4f: {  	_ =	shalt  }
0x50: {  	_ =	shalt  }
0x51: {  	_ =	shalt  }
0x52: {  	_ =	shalt  }
0x53: {  	_ =	shalt  }
0x54: {  	_ =	shalt  }
0x55: {  	_ =	shalt  }
0x56: {  	_ =	shalt  }
0x57: {  	_ =	shalt  }
0x58: {  	_ =	shalt  }
0x59: {  	_ =	shalt  }
0x5a: {  	_ =	shalt  }
0x5b: {  	_ =	shalt  }
0x5c: {  	_ =	shalt  }
0x5d: {  	_ =	shalt  }
0x5e: {  	_ =	shalt  }
0x5f: {  	_ =	shalt  }
0x60: {  	_ =	shalt  }
0x61: {  	_ =	shalt  }
0x62: {  	_ =	shalt  }
0x63: {  	_ =	shalt  }
0x64: {  	_ =	shalt  }
0x65: {  	_ =	shalt  }
0x66: {  	_ =	shalt  }
0x67: {  	_ =	shalt  }
0x68: {  	_ =	shalt  }
0x69: {  	_ =	shalt  }
0x6a: {  	_ =	shalt  }
0x6b: {  	_ =	shalt  }
0x6c: {  	_ =	shalt  }
0x6d: {  	_ =	shalt  }
0x6e: {  	_ =	shalt  }
0x6f: {  	_ =	shalt  }
0x70: {  	_ =	shalt  }
0x71: {  	_ =	shalt  }
0x72: {  	_ =	shalt  }
0x73: {  	_ =	shalt  }
0x74: {  	_ =	shalt  }
0x75: {  	_ =	shalt  }
0x76: {  	_ =	shalt  }
0x77: {  	_ =	shalt  }
0x78: {  	_ =	shalt  }
0x79: {  	_ =	shalt  }
0x7a: {  	_ =	shalt  }
0x7b: {  	_ =	shalt  }
0x7c: {  	_ =	shalt  }
0x7d: {  	_ =	shalt  }
0x7e: {  	_ =	shalt  }
0x7f: {  	_ =	shalt  }
0x80: {  	_ =	shalt  }
0x81: {  	_ =	shalt  }
0x82: {  	_ =	shalt  }
0x83: {  	_ =	shalt  }
0x84: {  	_ =	shalt  }
0x85: {  	_ =	shalt  }
0x86: {  	_ =	shalt  }
0x87: {  	_ =	shalt  }
.Lfunc_end0:
.L_simem_size_0:
called_computation.1_lowered:
.L_overlay_start_0:
0x88: {  	s2 =	sld [smem:$0x3FD9]  }
0x89: {  	s3 =	sld [smem:$0x3FFE];
	_ =	sdelay $0x1  }
0x8a: {  	s1 =	srdreg.scid  }
0x8b: {  	s0 =	sand.u32 $0x1, s1  }
0x8c: {  	s16 =	sshll.u32 s0, $0xA;
	s2 =	sadd.s32 s3, s2  }
0x8d: {  	s2 =	sadd.s32 s2, s16  }
0x8e: {  	[smem:$0x3FBC] =	sst s2  }
0x8f: {  	_ = 	snop  }
0x90: {  	(tm) =	ssettm $0x1  }
0x91: {  	s17 =	sld [smem:$0x3FFB];
	_ =	sdelay $0x3  }
0x92: {  	_ =	strace s17  }
0x93: {  	s2 =	sld [smem:$0x3FFC];
	_ =	sdelay $0x3  }
0x94: {  	_ =	strace s2  }
0x95: {  	s2 =	sld [smem:$0x3FFD];
	_ =	sdelay $0x3  }
0x96: {  	_ =	strace s2  }
0x97: {  	_ =	strace $0x8FFFFFFF  }
0x98: {  	s18 =	sld [smem:$0x3FDB];
	_ =	sdelay $0x1  }
0x99: {  	s19 =	simm.s32 $_scs_section_size  }
0x9a: {  	s4 =	simm.s32 $_size__tile_overlayer_lowered;
	s5 =	simm.s32 $_tile_overlayer_lowered  }
0x9b: {  	s22 =	simm.s32 $0x1BFF;
	s21 =	sshll.u32 s5, $0x1;
	s2 =	sadd.s32 s19, s18  }
0x9c: {  	s6 =	simm.s32 $0x0;
	s20 =	sshll.u32 s4, $0x1;
	s4 =	sadd.s32 s21, s2  }
0x9d: {  	[timem:s6], [sflag:s22] =	dma.local [hbm:s4], s20  }
0x9e: {  	_ =	swait.ge [sflag:s22], s20  }
0x9f: {  	s3 =	ssub.s32 $0x0, s20;
	[sflag:s22] =	ssyncset.done $0x0  }
0xa0: {  	[sflag:s22] =	ssyncadd.s32 s3;
	_ =	sdelay $0x1  }
0xa1: {  	s23 =	simm.s32 $0x1B8B  }
0xa2: {  	_ =	swait.ge [sflag:s23], $0x1  }
0xa3: {  	[sflag:s23] =	ssyncset.done $0x0  }
0xa4: {  	s25 =	simm.s32 $0x1B8E;
	s24 =	sld [smem:$0x3FFE];
	[sflag:s23] =	ssyncadd.s32 $0xFFFFFFFF  }
0xa5: {  	s26 =	simm.s32 $execute0_lowered;
	[smem:$0x3FD2] =	sst s25  }
0xa6: {  	s4 =	sshll.u32 s26, $0x1;
	_ =	strace $0x80000049;
	[dreg:$0x1] =	wrdreg $0xFFFFFFFF  }
0xa7: {  	s28 =	simm.s32 $_size_execute0_lowered;
	s2 =	sadd.s32 s2, s4;
	[dreg:$0x0] =	wrdreg $0x0  }
0xa8: {  	s4 =	sshll.u32 s28, $0x1;
	[dreg:$0x2] =	wrdreg s2  }
0xa9: {  	[dreg:$0x3] =	wrdreg s4  }
0xaa: {  	[dreg:$0x4] =	wrdreg $0xC0  }
0xab: {  	_ =	task [dreg:s6], $0x5FFFF  }
0xac: {  	[dreg:$0x1] =	wrdreg $0xFFFFFFFF  }
0xad: {  	[dreg:$0x0] =	wrdreg $0x60  }
0xae: {  	[dreg:$0x2] =	wrdreg s24  }
0xaf: {  	[dreg:$0x3] =	wrdreg $0x8A000  }
0xb0: {  	[dreg:$0x4] =	wrdreg $0x9  }
0xb1: {  	_ =	task.clear_ibuf [dreg:s6], $0x5FFFF;
	_ =	strace $0x90000049  }
0xb2: {  	s29 =	simm.s32 $0x9;
	_ =	strace $0x8000004B  }
0xb3: {  	_ =	swait.ge [sflag:s29], $0x1  }
0xb4: {  	[sflag:s29] =	ssyncadd.s32 $0xFFFFFFFF  }
0xb5: {  	_ =	strace $0x9000004B  }
0xb6: {  	_ =	sfence  }
0xb7: {  	s30 =	sld [smem:$0x0];
	_ =	sdelay $0x2  }
0xb8: {  	s31 =	sshll.u32 s1, $0xD;
	s1 =	sshrl.u32 s1, $0x2  }
0xb9: {  	s3 =	sand.u32 $0x4000, s31;
	s1 =	sadd.s32 s1, s30  }
0xba: {  	s0 =	sor.u32 s3, s0;
	s1 =	sshll.u32 s1, $0x11  }
0xbb: {  	s0 =	sor.u32 s1, s0  }
0xbc: {  	s0 =	sadd.s32 $0x8F2B, s0  }
0xbd: {  	[sflag:s0] =	ssyncadd.remote.s32 $0x1  }
0xbe: {  	_ =	sfence.sel $0xFFFF  }
0xbf: {  	[dreg:$0x0] =	wrdreg $0xFFFFFFFF;
	(pc) =	sbr.abs _section_cstart, $3  }
0xc0: {  	[dreg:$0x1] =	wrdreg $0xFFFFFFFF  }
0xc1: {  	_ =	task.clear_ibuf [dreg:s6], $0x2FFFF;
	_ =	strace $0x9FFFFFFF  }
0xc2: {  	(tm) =	ssettm $0x7FFFFFFF  }
0xc3: {  	_ =	shalt  }
tec
execute0_lowered:
.L_overlay_start_1:
0x0: {  	(tag) =	ssettag $0x1  }
0x1: {  	s6 =	rddreg [dreg:$0x0]  }
0x2: {  	s1 =	rddreg [dreg:$0x1]  }
0x3: {  	s0 =	rddreg [dreg:$0x2];
	s2 =	stileid.u32  }
0x4: {  	s3 =	simm.s32 $0x0;
	s4 =	srdreg.scid;
	s7 =	smul.u32 $0xA00, s2  }
0x5: {  	[smem:$0x7FF] =	sst s3;
	s13 =	sand.u32 $0x1, s4;
	s11 =	smul.u32 $0x14000, s2  }
0x6: {  	s4 =	sadd.s32 $0x15A00, s6;
	s9 =	sadd.s32 $0x33800, s6;
	s12 =	smul.u32 $0x1A00, s2  }
0x7: {  	s10 =	sadd.s32 $0x29A00, s6;
	s5 =	sadd.s32 $0x1FA00, s6;
	s31 =	smul.u32 $0x6A0, s2  }
0x8: {  	s29 =	sshll.u32 s2, $0x6;
	s8 =	smul.u32 $0xA000, s13;
	s24 =	ssub.s32 $0x2, s13  }
0x9: {  	_ =	strace $0x8000004A;
	p0 =	sne.s32 s13, $0x0;
	s25 =	sshrl.u32 s24, $0x1  }
0xa: {  	s26 =	sshrl.u32 s11, $0x2;
	s28 =	sshrl.u32 s12, $0x3;
	s7 =	sadd.s32 s7, s8  }
0xb: {  	s15 =	ssub.s32 s24, s25;
	s16 =	sadd.s32 s26, s1;
	s30 =	sadd.s32 $0x6A00, s28  }
0xc: {  	s14 =	sadd.s32 s7, s6;
	s6 =	sor.u32 $0x1C03, s29;
	s7 =	sadd.s32 s9, s30  }
0xd: {  	s8 =	sadd.s32 s10, s30;
	s9 =	sadd.s32 s9, s31;
	s10 =	sadd.s32 s10, s31  }
0xe: {  	s12 =	smax.u32 s15, $0x1;
	s13 =	sshrl.u32 s16, $0x3;
	s15 =	simm.s32 $0x6A00  }
0xf: {  	s16 =	simm.s32 $0x0;
	s11 =	sadd.s32 $0xB5600, s14;
	s14 =	simm.s32 $0x3  }
.LBB2_1:
0x10: {  	[spmem:s13], [sflag:s6] =	dma.local [hbm:s5], $0xA00  }
0x11: {  	_ =	swait.ge [sflag:s14], $0xA00  }
0x12: {  	[sflag:s14] =	ssyncset.done $0x0  }
0x13: {  	s17 =	simm.s32 @p0 $0x0;
	s18 =	simm.s32 @p0 $0x3;
	[sflag:s14] =	ssyncadd.s32 $0xFFFFF600  }
0x14: {  	[tilespmem:s17], [sflag:$0x3] =	stream.linear.gather @p0 [hbm4b:s7+s17], $0x1A00, $0x38;
	[tilespmem:$0xDA00] =	vst v63  }
0x15: {  	_ =	swait.ge @p0 [sflag:s18], $0x1A00  }
0x16: {  	[sflag:s18] =	ssyncset.done @p0 $0x0  }
0x17: {  	s19 =	simm.s32 @p0 $0x3500;
	[sflag:s18] =	ssyncadd.s32 @p0 $0xFFFFE600  }
0x18: {  	[tilespmem:s19], [sflag:$0x3] =	stream.linear.gather @p0 [hbm4b:s8+s17], $0x1A00, $0x38;
	[tilespmem:$0xDA00] =	vst v63  }
0x19: {  	_ =	swait.ge @p0 [sflag:s18], $0x1A00  }
0x1a: {  	[sflag:s18] =	ssyncset.done @p0 $0x0  }
0x1b: {  	s17 =	simm.s32 @!p0 $0x0;
	[sflag:s18] =	ssyncadd.s32 @p0 $0xFFFFE600;
	s18 =	simm.s32 @!p0 $0x3  }
0x1c: {  	[tilespmem:s17], [sflag:$0x3] =	stream.linear.gather @!p0 [hbm4b:s9+s17], $0x3500, $0x38;
	[tilespmem:$0xDA00] =	vst v63  }
0x1d: {  	_ =	swait.ge @!p0 [sflag:s18], $0x3500  }
0x1e: {  	[sflag:s18] =	ssyncset.done @!p0 $0x0  }
0x1f: {  	s19 =	simm.s32 @!p0 $0x3500;
	[sflag:s18] =	ssyncadd.s32 @!p0 $0xFFFFCB00  }
0x20: {  	[tilespmem:s19], [sflag:$0x3] =	stream.linear.gather @!p0 [hbm4b:s10+s17], $0x3500, $0x38;
	[tilespmem:$0xDA00] =	vst v63  }
0x21: {  	_ =	swait.ge @!p0 [sflag:s18], $0x3500  }
0x22: {  	s17 =	simm.s32 @!p0 $0x35;
	[sflag:s18] =	ssyncset.done @!p0 $0x0  }
0x23: {  	s17 =	simm.s32 @p0 $0x1A;
	[sflag:s18] =	ssyncadd.s32 @!p0 $0xFFFFCB00  }
0x24: {  	p1 =	sle.u32 s17, $0x0;
	s18 =	simm.s32 $0x80;
	[bflag:$0x0] =	sbarrier.arrive $0xFFFF  }
0x25: {  	[tilespmem:s15], [sflag:$0x1] =	stream.indirect.gather [hbm4b:s4+s18], $0x20, s3, s18, $0xb8;
	[tilespmem:$0xDA00] =	vst v63  }
0x26: {  	s19 =	simm.s32 @!p1 $0x80;
	s20 =	simm.s32 @!p1 $0x7A00;
	s21 =	simm.s32 @!p1 $0x1  }
0x27: {  	[tilespmem:s20], [sflag:$0x2] =	stream.indirect.gather @!p1 [hbm4b:s4+s19], $0x20, s18, s19, $0xb8;
	[tilespmem:$0xDA00] =	vst v63  }
0x28: {  	s22 =	simm.s32 @!p1 $0x4;
	_ =	swait.ge @!p1 [sflag:s21], $0x1000  }
0x29: {  	s23 =	simm.s32 @!p1 $0x6A00;
	s18 =	sadd.s32 $0xFFFFFFFF, s17;
	[sflag:s21] =	ssyncset.done @!p1 $0x0  }
0x2a: {  	p2 =	sle.u32 @!p1 s18, $0x0;
	[sflag:s21] =	ssyncadd.s32 @!p1 $0xFFFFF000;
	s21 =	simm.s32 @!p1 $0x3500  }
0x2b: {  	[spmem:s1] =	stream.indirect.scatter.add.f32 @!p1 [tilespmem:s23], [sflag:$0x4], $0x20, s21, s19, $0xb8;
	[tilespmem:$0xDA00] =	vst v63  }
0x2c: {  	p2 =	por p2, p1;
	_ =	swait.ge @!p1 [sflag:s22], $0x1000  }
0x2d: {  	s24 =	simm.s32 @!p2 $0x80;
	s21 =	simm.s32 @!p2 $0x6A00;
	[sflag:s22] =	ssyncset.done @!p1 $0x0  }
0x2e: {  	s23 =	simm.s32 @!p1 $0x2;
	[sflag:s22] =	ssyncadd.s32 @!p1 $0xFFFFF000;
	s22 =	simm.s32 @!p2 $0x100  }
0x2f: {  	[tilespmem:s21], [sflag:$0x1] =	stream.indirect.gather @!p2 [hbm4b:s4+s24], $0x20, s22, s24, $0xb8;
	[tilespmem:$0xDA00] =	vst v63  }
0x30: {  	_ =	swait.ge @!p1 [sflag:s23], $0x1000  }
0x31: {  	[sflag:s23] =	ssyncset.done @!p1 $0x0  }
0x32: {  	s21 =	simm.s32 $0x3580;
	[sflag:s23] =	ssyncadd.s32 @!p1 $0xFFFFF000;
	s23 =	simm.s32 @!p1 $0x3  }
0x33: {  	[spmem:s1] =	stream.indirect.scatter.add.f32 @!p1 [tilespmem:s20], [sflag:$0x3], $0x20, s21, s19, $0xb8;
	[tilespmem:$0xDA00] =	vst v63  }
0x34: {  	s22 =	simm.s32 $0x1;
	s21 =	simm.s32 $0x2;
	_ =	swait.ge @!p1 [sflag:s23], $0x1000  }
0x35: {  	s19 =	simm.s32 $0x3680;
	s20 =	simm.s32 $0x180;
	[sflag:s23] =	ssyncset.done @!p1 $0x0  }
.LBB2_2:
0x36: {  	[sflag:s23] =	ssyncadd.s32 @!p1 $0xFFFFF000  }
0x37: {  	p1 =	sge.u32 s22, s17;
	s23 =	smov.u32 s21;
	s21 =	sadd.s32 $0x1, s21  }
0x38: {  	s24 =	simm.s32 @!p1 $0x80;
	s25 =	simm.s32 @!p1 $0x7A00;
	s26 =	simm.s32 @!p1 $0x1  }
0x39: {  	[tilespmem:s25], [sflag:$0x2] =	stream.indirect.gather @!p1 [hbm4b:s4+s24], $0x20, s20, s24, $0xb8;
	[tilespmem:$0xDA00] =	vst v63  }
0x3a: {  	p2 =	sne.s32 s21, $0x35;
	p3 =	sge.u32 @!p1 s22, s18;
	_ =	swait.ge @!p1 [sflag:s26], $0x1000  }
0x3b: {  	s28 =	simm.s32 @!p1 $0x4;
	p3 =	por p3, p1;
	[sflag:s26] =	ssyncset.done @!p1 $0x0  }
0x3c: {  	s22 =	sadd.s32 @!p1 $0xFFFFFF80, s19;
	[sflag:s26] =	ssyncadd.s32 @!p1 $0xFFFFF000;
	s26 =	simm.s32 @!p1 $0x6A00  }
0x3d: {  	[spmem:s1] =	stream.indirect.scatter.add.f32 @!p1 [tilespmem:s26], [sflag:$0x4], $0x20, s22, s24, $0xb8;
	[tilespmem:$0xDA00] =	vst v63  }
0x3e: {  	s22 =	smov.u32 s23;
	_ =	swait.ge @!p1 [sflag:s28], $0x1000  }
0x3f: {  	s23 =	simm.s32 @!p3 $0x6A00;
	s26 =	simm.s32 @!p1 $0x2;
	[sflag:s28] =	ssyncset.done @!p1 $0x0  }
0x40: {  	s29 =	simm.s32 @!p3 $0x80;
	[sflag:s28] =	ssyncadd.s32 @!p1 $0xFFFFF000;
	s28 =	sadd.s32 @!p3 $0x80, s20  }
0x41: {  	[tilespmem:s23], [sflag:$0x1] =	stream.indirect.gather @!p3 [hbm4b:s4+s29], $0x20, s28, s29, $0xb8;
	[tilespmem:$0xDA00] =	vst v63  }
0x42: {  	_ =	swait.ge @!p1 [sflag:s26], $0x1000  }
.Ltmp0:
0x43: {  	[sflag:s26] =	ssyncset.done @!p1 $0x0;
	(pc) =	sbr.rel @p2 .LBB2_2-.Ltmp0, $4  }
0x44: {  	s23 =	simm.s32 @!p1 $0x3;
	[sflag:s26] =	ssyncadd.s32 @!p1 $0xFFFFF000  }
0x45: {  	[spmem:s1] =	stream.indirect.scatter.add.f32 @!p1 [tilespmem:s25], [sflag:$0x3], $0x20, s19, s24, $0xb8;
	[tilespmem:$0xDA00] =	vst v63  }
0x46: {  	_ =	swait.ge @!p1 [sflag:s23], $0x1000  }
0x47: {  	s20 =	sadd.s32 $0x100, s20;
	s19 =	sadd.s32 $0x100, s19;
	[sflag:s23] =	ssyncset.done @!p1 $0x0  }
0x48: {  	p2 =	sge.u32 s22, s17;
	[sflag:s23] =	ssyncadd.s32 @!p1 $0xFFFFF000  }
0x49: {  	s17 =	simm.s32 @!p2 $0x80;
	s21 =	simm.s32 @!p2 $0x7A00;
	s23 =	simm.s32 @!p2 $0x1  }
0x4a: {  	[tilespmem:s21], [sflag:$0x2] =	stream.indirect.gather @!p2 [hbm4b:s4+s17], $0x20, s20, s17, $0xb8;
	[tilespmem:$0xDA00] =	vst v63  }
0x4b: {  	_ =	swait.ge @!p2 [sflag:s23], $0x1000  }
0x4c: {  	p1 =	sge.u32 @!p2 s22, s18;
	s18 =	simm.s32 @!p2 $0x4;
	[sflag:s23] =	ssyncset.done @!p2 $0x0  }
0x4d: {  	s22 =	sadd.s32 @!p2 $0xFFFFFF80, s19;
	[sflag:s23] =	ssyncadd.s32 @!p2 $0xFFFFF000;
	s23 =	simm.s32 @!p2 $0x6A00  }
0x4e: {  	[spmem:s1] =	stream.indirect.scatter.add.f32 @!p2 [tilespmem:s23], [sflag:$0x4], $0x20, s22, s17, $0xb8;
	[tilespmem:$0xDA00] =	vst v63  }
0x4f: {  	p1 =	por p1, p2;
	_ =	swait.ge @!p2 [sflag:s18], $0x1000  }
0x50: {  	s22 =	simm.s32 @!p1 $0x6A00;
	s23 =	simm.s32 @!p2 $0x2;
	[sflag:s18] =	ssyncset.done @!p2 $0x0  }
0x51: {  	[sflag:s18] =	ssyncadd.s32 @!p2 $0xFFFFF000;
	s18 =	sadd.s32 @!p1 $0x80, s20;
	s20 =	simm.s32 @!p1 $0x80  }
0x52: {  	[tilespmem:s22], [sflag:$0x1] =	stream.indirect.gather @!p1 [hbm4b:s4+s20], $0x20, s18, s20, $0xb8;
	[tilespmem:$0xDA00] =	vst v63  }
0x53: {  	_ =	swait.ge @!p2 [sflag:s23], $0x1000  }
0x54: {  	[sflag:s23] =	ssyncset.done @!p2 $0x0  }
0x55: {  	s18 =	simm.s32 @!p2 $0x3;
	[sflag:s23] =	ssyncadd.s32 @!p2 $0xFFFFF000  }
0x56: {  	[spmem:s1] =	stream.indirect.scatter.add.f32 @!p2 [tilespmem:s21], [sflag:$0x3], $0x20, s19, s17, $0xb8;
	[tilespmem:$0xDA00] =	vst v63  }
0x57: {  	_ =	swait.ge @!p2 [sflag:s18], $0x1000  }
0x58: {  	s16 =	sadd.s32 $0x1, s16;
	[sflag:s18] =	ssyncset.done @!p2 $0x0  }
0x59: {  	p1 =	sne.s32 s16, s12;
	[sflag:s18] =	ssyncadd.s32 @!p2 $0xFFFFF000  }
.Ltmp1:
0x5a: {  	[bflag:$0x0] =	sbarrier.arrive $0xFFFF;
	(pc) =	sbr.rel @p1 .LBB2_1-.Ltmp1, $4  }
0x5b: {  	[hbm:s11], [sflag:s6] =	dma.local [spmem:s13], $0xA00  }
0x5c: {  	_ =	swait.ge [sflag:s14], $0xA00  }
0x5d: {  	[sflag:s14] =	ssyncset.done $0x0  }
0x5e: {  	[sflag:s14] =	ssyncadd.s32 $0xFFFFF600  }
0x5f: {  	_ =	sfence.sel $0x180000  }
0x60: {  	[bflag:$0x0] =	sbarrier.arrive $0xFFFF  }
0x61: {  	p0 =	sne.s32 s2, $0x0;
	_ =	strace $0x9000004A  }
0x62: {  	s0 =	sadd.s32 @!p0 $0x100000, s0;
	[bflag:$0x2] =	sbarrier.arrive $0xFFFF  }
0x63: {  	[sflag:s0] =	ssyncadd.tile.s32 @!p0 $0x1;
	_ =	shalt  }
.Lfunc_end2:
_tile_overlayer_lowered:
.L_overlay_start_2:
0x64: {  	(tag) =	ssettag $0x2  }
0x65: {  	s0 =	rddreg [dreg:$0x0];
	s2 =	stileid.u32  }
0x66: {  	s1 =	rddreg [dreg:$0x1];
	p0 =	sne.s32 s2, $0x0  }
0x67: {  	s3 =	rddreg [dreg:$0x2];
	[bflag:$0x3] =	sbarrier.arrive $0xFFFF;
	s2 =	simm.s32 @!p0 $0x1C03  }
0x68: {  	[timem:s3], [sflag:s2] =	dma.local @!p0 [hbm:s0], s1  }
0x69: {  	s0 =	simm.s32 @!p0 $0x3  }
0x6a: {  	_ =	swait.ge @!p0 [sflag:s0], s1  }
0x6b: {  	s1 =	ssub.s32 @!p0 $0x0, s1;
	[sflag:s0] =	ssyncset.done @!p0 $0x0  }
0x6c: {  	[sflag:s0] =	ssyncadd.s32 @!p0 s1  }
0x6d: {  	[bflag:$0x3] =	sbarrier.arrive $0xFFFF  }
0x6e: {  	_ =	shalt  }

// kernel: kernel.16.cloned.1.call-start
scs
__scs_entry_jumppad:
0x0: {  	(pc) =	sbr.rel $0x88, $3  }
0x1: {  	(tag) =	ssettag $0x0;
	lr =	simm.s32 $0x1  }
0x2: {  	[smem:$0x3F95] =	sst lr;
	_ =	strace $0xD0000000  }
0x3: {  	_ = 	snop  }
0x4: {  	_ = 	snop  }
0x5: {  	_ = 	snop  }
0x6: {  	_ = 	snop  }
0x7: {  	_ = 	snop  }
__scs_overlays_trampoline_lowered:
0x8: {  	[smem:$0x3FA4] =	sst s0  }
0x9: {  	[smem:$0x3FA5] =	sst s1  }
0xa: {  	[smem:$0x3FA6] =	sst s2  }
0xb: {  	[smem:$0x3FA7] =	sst s3  }
0xc: {  	[smem:$0x3FA8] =	sst s4  }
0xd: {  	[smem:$0x3FA9] =	sst s5  }
0xe: {  	[smem:$0x3FAA] =	sst s6  }
0xf: {  	[smem:$0x3FAB] =	sst s7  }
0x10: {  	[smem:$0x3FAC] =	sst s8  }
0x11: {  	[smem:$0x3FAD] =	sst s9;
	s0 =	simm.s32 @!p0 $0x0  }
0x12: {  	s1 =	sld [smem:$0x3F93];
	s0 =	simm.s32 @p0 $0x1  }
0x13: {  	[smem:$0x3FAE] =	sst s0;
	s0 =	simm.s32 @!p1 $0x0  }
0x14: {  	s2 =	sld [smem:$0x3F92];
	s0 =	simm.s32 @p1 $0x1  }
0x15: {  	[smem:$0x3FAF] =	sst s0;
	s0 =	simm.s32 @!p2 $0x0  }
0x16: {  	s3 =	sld [smem:$0x3FDB];
	s0 =	simm.s32 @p2 $0x1  }
0x17: {  	s4 =	simm.s32 $0x1BF5;
	[smem:$0x3FB1] =	sst s0  }
0x18: {  	s0 =	sld [smem:$0x3F94];
	_ =	swait.ge [sflag:s4], $0x0  }
0x19: {  	s7 =	sld [smem:$0x3F95]  }
0x1a: {  	s8 =	sadd.s32 $0xFFFFE003, lr  }
0x1b: {  	s9 =	sadd.s32 $0xFFFFFEF7, lr;
	s5 =	simm.s32 $0xFFFFFFFF;
	p2 =	slt.u32 s8, $0xFFFFF086  }
0x1c: {  	p1 =	slt.u32 s9, $0xF7A;
	s5 =	simm.s32 @!p2 $0x0  }
0x1d: {  	s5 =	simm.s32 @p1 $0x1;
	p0 =	seq.s32 s7, s2  }
0x1e: {  	s7 =	smul.u32 @!p0 $0xF7A, s2;
	p2 =	seq.s32 @!p0 s5, $0x0  }
0x1f: {  	s9 =	smul.u32 $0xF7A, s1;
	s8 =	simm.s32 @!p0 $0x1BF5;
	p2 =	por !p2, p0  }
0x20: {  	[sflag:s8] =	ssyncset.s32 @!p0 $0xFFFFF086;
	s6 =	sadd.s32 @!p0 s3, s7;
	s7 =	simm.s32 @!p0 $0x108  }
0x21: {  	s3 =	sadd.s32 s3, s9;
	s6 =	sadd.s32 @!p0 $0x88, s6;
	s7 =	simm.s32 @p2 $0x1082  }
0x22: {  	[simem:s7], [sflag:s8] =	dma.local @!p0 [hbm:s6], $0xF7A  }
0x23: {  	s9 =	sor.u32 $0xD0000000, s2;
	s6 =	simm.s32 $0x108;
	_ =	swait.ge @!p0 [sflag:s8], $0x0  }
0x24: {  	s3 =	sadd.s32 $0x88, s3;
	s6 =	simm.s32 @!p1 $0x1082;
	[sflag:s4] =	ssyncset.s32 $0xFFFFF086  }
0x25: {  	[simem:s6], [sflag:s4] =	dma.local [hbm:s3], $0xF7A  }
0x26: {  	[smem:$0x3F95] =	sst s1;
	(tag) =	ssettag s2;
	_ =	strace s9  }
0x27: {  	s1 =	sld [smem:$0x3FA5]  }
0x28: {  	s2 =	sld [smem:$0x3FA6]  }
0x29: {  	s4 =	sld [smem:$0x3FA8]  }
0x2a: {  	p0 =	seq.s32 s5, $0x0;
	s5 =	sld [smem:$0x3FA9]  }
0x2b: {  	s6 =	sld [smem:$0x3FAA]  }
0x2c: {  	s7 =	sld [smem:$0x3FAB]  }
0x2d: {  	s3 =	simm.s32 $0x108;
	s8 =	sld [smem:$0x3FAC]  }
0x2e: {  	s3 =	simm.s32 @!p0 $0x1082;
	s9 =	sld [smem:$0x3FAD]  }
0x2f: {  	lr =	sadd.s32 s0, s3;
	s0 =	sld [smem:$0x3FA4]  }
0x30: {  	s3 =	sld [smem:$0x3FA7]  }
0x31: {  	[smem:$0x3FB0] =	sst s10  }
0x32: {  	s10 =	sld [smem:$0x3FAE];
	_ =	sdelay $0x3  }
0x33: {  	p0 =	seq.s32 s10, $0x1;
	s10 =	sld [smem:$0x3FB0];
	_ =	sdelay $0x3  }
0x34: {  	[smem:$0x3FB0] =	sst s10  }
0x35: {  	s10 =	sld [smem:$0x3FAF];
	_ =	sdelay $0x3  }
0x36: {  	p1 =	seq.s32 s10, $0x1;
	s10 =	sld [smem:$0x3FB0];
	_ =	sdelay $0x3  }
0x37: {  	[smem:$0x3FB0] =	sst s10  }
0x38: {  	s10 =	sld [smem:$0x3FB1]  }
0x39: {  	_ = 	snop;
	(pc) =	sbr.ind lr, $3  }
0x3a: {  	_ = 	snop  }
0x3b: {  	_ = 	snop  }
0x3c: {  	p2 =	seq.s32 s10, $0x1;
	s10 =	sld [smem:$0x3FB0]  }
0x3d: {  	_ =	shalt  }
0x3e: {  	_ =	shalt  }
0x3f: {  	_ =	shalt  }
0x40: {  	_ =	shalt  }
0x41: {  	_ =	shalt  }
0x42: {  	_ =	shalt  }
0x43: {  	_ =	shalt  }
0x44: {  	_ =	shalt  }
0x45: {  	_ =	shalt  }
0x46: {  	_ =	shalt  }
0x47: {  	_ =	shalt  }
0x48: {  	_ =	shalt  }
0x49: {  	_ =	shalt  }
0x4a: {  	_ =	shalt  }
0x4b: {  	_ =	shalt  }
0x4c: {  	_ =	shalt  }
0x4d: {  	_ =	shalt  }
0x4e: {  	_ =	shalt  }
0x4f: {  	_ =	shalt  }
0x50: {  	_ =	shalt  }
0x51: {  	_ =	shalt  }
0x52: {  	_ =	shalt  }
0x53: {  	_ =	shalt  }
0x54: {  	_ =	shalt  }
0x55: {  	_ =	shalt  }
0x56: {  	_ =	shalt  }
0x57: {  	_ =	shalt  }
0x58: {  	_ =	shalt  }
0x59: {  	_ =	shalt  }
0x5a: {  	_ =	shalt  }
0x5b: {  	_ =	shalt  }
0x5c: {  	_ =	shalt  }
0x5d: {  	_ =	shalt  }
0x5e: {  	_ =	shalt  }
0x5f: {  	_ =	shalt  }
0x60: {  	_ =	shalt  }
0x61: {  	_ =	shalt  }
0x62: {  	_ =	shalt  }
0x63: {  	_ =	shalt  }
0x64: {  	_ =	shalt  }
0x65: {  	_ =	shalt  }
0x66: {  	_ =	shalt  }
0x67: {  	_ =	shalt  }
0x68: {  	_ =	shalt  }
0x69: {  	_ =	shalt  }
0x6a: {  	_ =	shalt  }
0x6b: {  	_ =	shalt  }
0x6c: {  	_ =	shalt  }
0x6d: {  	_ =	shalt  }
0x6e: {  	_ =	shalt  }
0x6f: {  	_ =	shalt  }
0x70: {  	_ =	shalt  }
0x71: {  	_ =	shalt  }
0x72: {  	_ =	shalt  }
0x73: {  	_ =	shalt  }
0x74: {  	_ =	shalt  }
0x75: {  	_ =	shalt  }
0x76: {  	_ =	shalt  }
0x77: {  	_ =	shalt  }
0x78: {  	_ =	shalt  }
0x79: {  	_ =	shalt  }
0x7a: {  	_ =	shalt  }
0x7b: {  	_ =	shalt  }
0x7c: {  	_ =	shalt  }
0x7d: {  	_ =	shalt  }
0x7e: {  	_ =	shalt  }
0x7f: {  	_ =	shalt  }
0x80: {  	_ =	shalt  }
0x81: {  	_ =	shalt  }
0x82: {  	_ =	shalt  }
0x83: {  	_ =	shalt  }
0x84: {  	_ =	shalt  }
0x85: {  	_ =	shalt  }
0x86: {  	_ =	shalt  }
0x87: {  	_ =	shalt  }
.Lfunc_end0:
.L_simem_size_0:
called_computation.2_lowered:
.L_overlay_start_0:
0x88: {  	s2 =	sld [smem:$0x3FD9]  }
0x89: {  	s3 =	sld [smem:$0x3FFE];
	_ =	sdelay $0x1  }
0x8a: {  	s1 =	srdreg.scid  }
0x8b: {  	s0 =	sand.u32 $0x1, s1  }
0x8c: {  	s16 =	sshll.u32 s0, $0xA;
	s2 =	sadd.s32 s3, s2  }
0x8d: {  	s2 =	sadd.s32 s2, s16  }
0x8e: {  	[smem:$0x3FBC] =	sst s2  }
0x8f: {  	_ = 	snop  }
0x90: {  	(tm) =	ssettm $0x1  }
0x91: {  	s17 =	sld [smem:$0x3FFB];
	_ =	sdelay $0x3  }
0x92: {  	_ =	strace s17  }
0x93: {  	s2 =	sld [smem:$0x3FFC];
	_ =	sdelay $0x3  }
0x94: {  	_ =	strace s2  }
0x95: {  	s2 =	sld [smem:$0x3FFD];
	_ =	sdelay $0x3  }
0x96: {  	_ =	strace s2  }
0x97: {  	_ =	strace $0x8FFFFFFF  }
0x98: {  	s18 =	sld [smem:$0x3FDB];
	_ =	sdelay $0x1  }
0x99: {  	s19 =	simm.s32 $_scs_section_size  }
0x9a: {  	s4 =	simm.s32 $_size__tile_overlayer_lowered;
	s5 =	simm.s32 $_tile_overlayer_lowered  }
0x9b: {  	s22 =	simm.s32 $0x1BFF;
	s21 =	sshll.u32 s5, $0x1;
	s2 =	sadd.s32 s19, s18  }
0x9c: {  	s6 =	simm.s32 $0x0;
	s20 =	sshll.u32 s4, $0x1;
	s4 =	sadd.s32 s21, s2  }
0x9d: {  	[timem:s6], [sflag:s22] =	dma.local [hbm:s4], s20  }
0x9e: {  	_ =	swait.ge [sflag:s22], s20  }
0x9f: {  	s3 =	ssub.s32 $0x0, s20;
	[sflag:s22] =	ssyncset.done $0x0  }
0xa0: {  	[sflag:s22] =	ssyncadd.s32 s3;
	_ =	sdelay $0x1  }
0xa1: {  	s23 =	simm.s32 $0x1B8B  }
0xa2: {  	_ =	swait.ge [sflag:s23], $0x1  }
0xa3: {  	[sflag:s23] =	ssyncset.done $0x0  }
0xa4: {  	s25 =	simm.s32 $0x1B8E;
	s24 =	sld [smem:$0x3FFE];
	[sflag:s23] =	ssyncadd.s32 $0xFFFFFFFF  }
0xa5: {  	s26 =	simm.s32 $execute0_lowered;
	[smem:$0x3FD2] =	sst s25  }
0xa6: {  	s4 =	sshll.u32 s26, $0x1;
	_ =	strace $0x8000004C;
	[dreg:$0x1] =	wrdreg $0xFFFFFFFF  }
0xa7: {  	s28 =	simm.s32 $_size_execute0_lowered;
	s2 =	sadd.s32 s2, s4;
	[dreg:$0x0] =	wrdreg $0x0  }
0xa8: {  	s4 =	sshll.u32 s28, $0x1;
	[dreg:$0x2] =	wrdreg s2  }
0xa9: {  	[dreg:$0x3] =	wrdreg s4  }
0xaa: {  	[dreg:$0x4] =	wrdreg $0xC0  }
0xab: {  	_ =	task [dreg:s6], $0x5FFFF  }
0xac: {  	[dreg:$0x1] =	wrdreg $0xFFFFFFFF  }
0xad: {  	[dreg:$0x0] =	wrdreg $0x60  }
0xae: {  	[dreg:$0x2] =	wrdreg s24  }
0xaf: {  	[dreg:$0x3] =	wrdreg $0xC4000  }
0xb0: {  	[dreg:$0x4] =	wrdreg $0x9  }
0xb1: {  	_ =	task.clear_ibuf [dreg:s6], $0x5FFFF;
	_ =	strace $0x9000004C  }
0xb2: {  	s29 =	simm.s32 $0x9;
	_ =	strace $0x8000004E  }
0xb3: {  	_ =	swait.ge [sflag:s29], $0x1  }
0xb4: {  	[sflag:s29] =	ssyncadd.s32 $0xFFFFFFFF  }
0xb5: {  	_ =	strace $0x9000004E  }
0xb6: {  	_ =	sfence  }
0xb7: {  	s30 =	sld [smem:$0x0];
	_ =	sdelay $0x2  }
0xb8: {  	s31 =	sshll.u32 s1, $0xD;
	s1 =	sshrl.u32 s1, $0x2  }
0xb9: {  	s3 =	sand.u32 $0x4000, s31;
	s1 =	sadd.s32 s1, s30  }
0xba: {  	s0 =	sor.u32 s3, s0;
	s1 =	sshll.u32 s1, $0x11  }
0xbb: {  	s0 =	sor.u32 s1, s0  }
0xbc: {  	s0 =	sadd.s32 $0x8F2B, s0  }
0xbd: {  	[sflag:s0] =	ssyncadd.remote.s32 $0x1  }
0xbe: {  	_ =	sfence.sel $0xFFFF  }
0xbf: {  	[dreg:$0x0] =	wrdreg $0xFFFFFFFF;
	(pc) =	sbr.abs _section_cstart, $3  }
0xc0: {  	[dreg:$0x1] =	wrdreg $0xFFFFFFFF  }
0xc1: {  	_ =	task.clear_ibuf [dreg:s6], $0x2FFFF;
	_ =	strace $0x9FFFFFFF  }
0xc2: {  	(tm) =	ssettm $0x7FFFFFFF  }
0xc3: {  	_ =	shalt  }
tec
execute0_lowered:
.L_overlay_start_1:
0x0: {  	(tag) =	ssettag $0x1  }
0x1: {  	s6 =	rddreg [dreg:$0x0]  }
0x2: {  	s1 =	rddreg [dreg:$0x1]  }
0x3: {  	s0 =	rddreg [dreg:$0x2];
	s2 =	stileid.u32  }
0x4: {  	s3 =	simm.s32 $0x0;
	s4 =	srdreg.scid;
	s7 =	smul.u32 $0x1400, s2  }
0x5: {  	[smem:$0x7FF] =	sst s3;
	s13 =	sand.u32 $0x1, s4;
	s11 =	smul.u32 $0x28000, s2  }
0x6: {  	s4 =	sadd.s32 $0x15A00, s6;
	s9 =	sadd.s32 $0x33800, s6;
	s12 =	smul.u32 $0xD00, s2  }
0x7: {  	s10 =	sadd.s32 $0x29A00, s6;
	s5 =	sadd.s32 $0x8D600, s6;
	s31 =	smul.u32 $0x840, s2  }
0x8: {  	s29 =	sshll.u32 s2, $0x6;
	s8 =	smul.u32 $0x14000, s13;
	s24 =	ssub.s32 $0x2, s13  }
0x9: {  	_ =	strace $0x8000004D;
	p0 =	sne.s32 s13, $0x0;
	s25 =	sshrl.u32 s24, $0x1  }
0xa: {  	s26 =	sshrl.u32 s11, $0x2;
	s28 =	sshrl.u32 s12, $0x3;
	s7 =	sadd.s32 s7, s8  }
0xb: {  	s15 =	ssub.s32 s24, s25;
	s16 =	sadd.s32 s26, s1;
	s30 =	sadd.s32 $0x8400, s28  }
0xc: {  	s14 =	sadd.s32 s7, s6;
	s6 =	sor.u32 $0x1C03, s29;
	s7 =	sadd.s32 s9, s30  }
0xd: {  	s8 =	sadd.s32 s10, s30;
	s9 =	sadd.s32 s9, s31;
	s10 =	sadd.s32 s10, s31  }
0xe: {  	s12 =	smax.u32 s15, $0x1;
	s13 =	sshrl.u32 s16, $0x3;
	s15 =	simm.s32 $0x8400  }
0xf: {  	s16 =	simm.s32 $0x0;
	s11 =	sadd.s32 $0x8EA00, s14;
	s14 =	simm.s32 $0x3  }
.LBB2_1:
0x10: {  	[spmem:s13], [sflag:s6] =	dma.local [hbm:s5], $0x1400  }
0x11: {  	_ =	swait.ge [sflag:s14], $0x1400  }
0x12: {  	[sflag:s14] =	ssyncset.done $0x0  }
0x13: {  	s17 =	simm.s32 @p0 $0x0;
	s18 =	simm.s32 @p0 $0x3;
	[sflag:s14] =	ssyncadd.s32 $0xFFFFEC00  }
0x14: {  	[tilespmem:s17], [sflag:$0x3] =	stream.linear.gather @p0 [hbm4b:s7+s17], $0xD00, $0x38;
	[tilespmem:$0x16400] =	vst v63  }
0x15: {  	_ =	swait.ge @p0 [sflag:s18], $0xD00  }
0x16: {  	[sflag:s18] =	ssyncset.done @p0 $0x0  }
0x17: {  	s19 =	simm.s32 @p0 $0x4200;
	[sflag:s18] =	ssyncadd.s32 @p0 $0xFFFFF300  }
0x18: {  	[tilespmem:s19], [sflag:$0x3] =	stream.linear.gather @p0 [hbm4b:s8+s17], $0xD00, $0x38;
	[tilespmem:$0x16400] =	vst v63  }
0x19: {  	_ =	swait.ge @p0 [sflag:s18], $0xD00  }
0x1a: {  	[sflag:s18] =	ssyncset.done @p0 $0x0  }
0x1b: {  	s17 =	simm.s32 @!p0 $0x0;
	[sflag:s18] =	ssyncadd.s32 @p0 $0xFFFFF300;
	s18 =	simm.s32 @!p0 $0x3  }
0x1c: {  	[tilespmem:s17], [sflag:$0x3] =	stream.linear.gather @!p0 [hbm4b:s9+s17], $0x4200, $0x38;
	[tilespmem:$0x16400] =	vst v63  }
0x1d: {  	_ =	swait.ge @!p0 [sflag:s18], $0x4200  }
0x1e: {  	[sflag:s18] =	ssyncset.done @!p0 $0x0  }
0x1f: {  	s19 =	simm.s32 @!p0 $0x4200;
	[sflag:s18] =	ssyncadd.s32 @!p0 $0xFFFFBE00  }
0x20: {  	[tilespmem:s19], [sflag:$0x3] =	stream.linear.gather @!p0 [hbm4b:s10+s17], $0x4200, $0x38;
	[tilespmem:$0x16400] =	vst v63  }
0x21: {  	_ =	swait.ge @!p0 [sflag:s18], $0x4200  }
0x22: {  	s17 =	simm.s32 @!p0 $0x42;
	[sflag:s18] =	ssyncset.done @!p0 $0x0  }
0x23: {  	s17 =	simm.s32 @p0 $0xD;
	[sflag:s18] =	ssyncadd.s32 @!p0 $0xFFFFBE00  }
0x24: {  	p1 =	sle.u32 s17, $0x0;
	s18 =	simm.s32 $0x80;
	[bflag:$0x0] =	sbarrier.arrive $0xFFFF  }
0x25: {  	[tilespmem:s15], [sflag:$0x1] =	stream.indirect.gather [hbm4b:s4+s18], $0x40, s3, s18, $0xb8;
	[tilespmem:$0x16400] =	vst v63  }
0x26: {  	s19 =	simm.s32 @!p1 $0x80;
	s20 =	simm.s32 @!p1 $0xA400;
	s21 =	simm.s32 @!p1 $0x1  }
0x27: {  	[tilespmem:s20], [sflag:$0x2] =	stream.indirect.gather @!p1 [hbm4b:s4+s19], $0x40, s18, s19, $0xb8;
	[tilespmem:$0x16400] =	vst v63  }
0x28: {  	s22 =	simm.s32 @!p1 $0x4;
	_ =	swait.ge @!p1 [sflag:s21], $0x2000  }
0x29: {  	s23 =	simm.s32 @!p1 $0x8400;
	s18 =	sadd.s32 $0xFFFFFFFF, s17;
	[sflag:s21] =	ssyncset.done @!p1 $0x0  }
0x2a: {  	p2 =	sle.u32 @!p1 s18, $0x0;
	[sflag:s21] =	ssyncadd.s32 @!p1 $0xFFFFE000;
	s21 =	simm.s32 @!p1 $0x4200  }
0x2b: {  	[spmem:s1] =	stream.indirect.scatter.add.f32 @!p1 [tilespmem:s23], [sflag:$0x4], $0x40, s21, s19, $0xb8;
	[tilespmem:$0x16400] =	vst v63  }
0x2c: {  	p2 =	por p2, p1;
	_ =	swait.ge @!p1 [sflag:s22], $0x2000  }
0x2d: {  	s24 =	simm.s32 @!p2 $0x80;
	s21 =	simm.s32 @!p2 $0x8400;
	[sflag:s22] =	ssyncset.done @!p1 $0x0  }
0x2e: {  	s23 =	simm.s32 @!p1 $0x2;
	[sflag:s22] =	ssyncadd.s32 @!p1 $0xFFFFE000;
	s22 =	simm.s32 @!p2 $0x100  }
0x2f: {  	[tilespmem:s21], [sflag:$0x1] =	stream.indirect.gather @!p2 [hbm4b:s4+s24], $0x40, s22, s24, $0xb8;
	[tilespmem:$0x16400] =	vst v63  }
0x30: {  	_ =	swait.ge @!p1 [sflag:s23], $0x2000  }
0x31: {  	[sflag:s23] =	ssyncset.done @!p1 $0x0  }
0x32: {  	s21 =	simm.s32 $0x4280;
	[sflag:s23] =	ssyncadd.s32 @!p1 $0xFFFFE000;
	s23 =	simm.s32 @!p1 $0x3  }
0x33: {  	[spmem:s1] =	stream.indirect.scatter.add.f32 @!p1 [tilespmem:s20], [sflag:$0x3], $0x40, s21, s19, $0xb8;
	[tilespmem:$0x16400] =	vst v63  }
0x34: {  	s22 =	simm.s32 $0x1;
	s21 =	simm.s32 $0x2;
	_ =	swait.ge @!p1 [sflag:s23], $0x2000  }
0x35: {  	s19 =	simm.s32 $0x4380;
	s20 =	simm.s32 $0x180;
	[sflag:s23] =	ssyncset.done @!p1 $0x0  }
.LBB2_2:
0x36: {  	[sflag:s23] =	ssyncadd.s32 @!p1 $0xFFFFE000  }
0x37: {  	p1 =	sge.u32 s22, s17;
	s23 =	smov.u32 s21;
	s21 =	sadd.s32 $0x1, s21  }
0x38: {  	s24 =	simm.s32 @!p1 $0x80;
	s25 =	simm.s32 @!p1 $0xA400;
	s26 =	simm.s32 @!p1 $0x1  }
0x39: {  	[tilespmem:s25], [sflag:$0x2] =	stream.indirect.gather @!p1 [hbm4b:s4+s24], $0x40, s20, s24, $0xb8;
	[tilespmem:$0x16400] =	vst v63  }
0x3a: {  	p2 =	sne.s32 s21, $0x42;
	p3 =	sge.u32 @!p1 s22, s18;
	_ =	swait.ge @!p1 [sflag:s26], $0x2000  }
0x3b: {  	s28 =	simm.s32 @!p1 $0x4;
	p3 =	por p3, p1;
	[sflag:s26] =	ssyncset.done @!p1 $0x0  }
0x3c: {  	s22 =	sadd.s32 @!p1 $0xFFFFFF80, s19;
	[sflag:s26] =	ssyncadd.s32 @!p1 $0xFFFFE000;
	s26 =	simm.s32 @!p1 $0x8400  }
0x3d: {  	[spmem:s1] =	stream.indirect.scatter.add.f32 @!p1 [tilespmem:s26], [sflag:$0x4], $0x40, s22, s24, $0xb8;
	[tilespmem:$0x16400] =	vst v63  }
0x3e: {  	s22 =	smov.u32 s23;
	_ =	swait.ge @!p1 [sflag:s28], $0x2000  }
0x3f: {  	s23 =	simm.s32 @!p3 $0x8400;
	s26 =	simm.s32 @!p1 $0x2;
	[sflag:s28] =	ssyncset.done @!p1 $0x0  }
0x40: {  	s29 =	simm.s32 @!p3 $0x80;
	[sflag:s28] =	ssyncadd.s32 @!p1 $0xFFFFE000;
	s28 =	sadd.s32 @!p3 $0x80, s20  }
0x41: {  	[tilespmem:s23], [sflag:$0x1] =	stream.indirect.gather @!p3 [hbm4b:s4+s29], $0x40, s28, s29, $0xb8;
	[tilespmem:$0x16400] =	vst v63  }
0x42: {  	_ =	swait.ge @!p1 [sflag:s26], $0x2000  }
.Ltmp0:
0x43: {  	[sflag:s26] =	ssyncset.done @!p1 $0x0;
	(pc) =	sbr.rel @p2 .LBB2_2-.Ltmp0, $4  }
0x44: {  	s23 =	simm.s32 @!p1 $0x3;
	[sflag:s26] =	ssyncadd.s32 @!p1 $0xFFFFE000  }
0x45: {  	[spmem:s1] =	stream.indirect.scatter.add.f32 @!p1 [tilespmem:s25], [sflag:$0x3], $0x40, s19, s24, $0xb8;
	[tilespmem:$0x16400] =	vst v63  }
0x46: {  	_ =	swait.ge @!p1 [sflag:s23], $0x2000  }
0x47: {  	s20 =	sadd.s32 $0x100, s20;
	s19 =	sadd.s32 $0x100, s19;
	[sflag:s23] =	ssyncset.done @!p1 $0x0  }
0x48: {  	p2 =	sge.u32 s22, s17;
	[sflag:s23] =	ssyncadd.s32 @!p1 $0xFFFFE000  }
0x49: {  	s17 =	simm.s32 @!p2 $0x80;
	s21 =	simm.s32 @!p2 $0xA400;
	s23 =	simm.s32 @!p2 $0x1  }
0x4a: {  	[tilespmem:s21], [sflag:$0x2] =	stream.indirect.gather @!p2 [hbm4b:s4+s17], $0x40, s20, s17, $0xb8;
	[tilespmem:$0x16400] =	vst v63  }
0x4b: {  	_ =	swait.ge @!p2 [sflag:s23], $0x2000  }
0x4c: {  	p1 =	sge.u32 @!p2 s22, s18;
	s18 =	simm.s32 @!p2 $0x4;
	[sflag:s23] =	ssyncset.done @!p2 $0x0  }
0x4d: {  	s22 =	sadd.s32 @!p2 $0xFFFFFF80, s19;
	[sflag:s23] =	ssyncadd.s32 @!p2 $0xFFFFE000;
	s23 =	simm.s32 @!p2 $0x8400  }
0x4e: {  	[spmem:s1] =	stream.indirect.scatter.add.f32 @!p2 [tilespmem:s23], [sflag:$0x4], $0x40, s22, s17, $0xb8;
	[tilespmem:$0x16400] =	vst v63  }
0x4f: {  	p1 =	por p1, p2;
	_ =	swait.ge @!p2 [sflag:s18], $0x2000  }
0x50: {  	s22 =	simm.s32 @!p1 $0x8400;
	s23 =	simm.s32 @!p2 $0x2;
	[sflag:s18] =	ssyncset.done @!p2 $0x0  }
0x51: {  	[sflag:s18] =	ssyncadd.s32 @!p2 $0xFFFFE000;
	s18 =	sadd.s32 @!p1 $0x80, s20;
	s20 =	simm.s32 @!p1 $0x80  }
0x52: {  	[tilespmem:s22], [sflag:$0x1] =	stream.indirect.gather @!p1 [hbm4b:s4+s20], $0x40, s18, s20, $0xb8;
	[tilespmem:$0x16400] =	vst v63  }
0x53: {  	_ =	swait.ge @!p2 [sflag:s23], $0x2000  }
0x54: {  	[sflag:s23] =	ssyncset.done @!p2 $0x0  }
0x55: {  	s18 =	simm.s32 @!p2 $0x3;
	[sflag:s23] =	ssyncadd.s32 @!p2 $0xFFFFE000  }
0x56: {  	[spmem:s1] =	stream.indirect.scatter.add.f32 @!p2 [tilespmem:s21], [sflag:$0x3], $0x40, s19, s17, $0xb8;
	[tilespmem:$0x16400] =	vst v63  }
0x57: {  	_ =	swait.ge @!p2 [sflag:s18], $0x2000  }
0x58: {  	s16 =	sadd.s32 $0x1, s16;
	[sflag:s18] =	ssyncset.done @!p2 $0x0  }
0x59: {  	p1 =	sne.s32 s16, s12;
	[sflag:s18] =	ssyncadd.s32 @!p2 $0xFFFFE000  }
.Ltmp1:
0x5a: {  	[bflag:$0x0] =	sbarrier.arrive $0xFFFF;
	(pc) =	sbr.rel @p1 .LBB2_1-.Ltmp1, $4  }
0x5b: {  	[hbm:s11], [sflag:s6] =	dma.local [spmem:s13], $0x1400  }
0x5c: {  	_ =	swait.ge [sflag:s14], $0x1400  }
0x5d: {  	[sflag:s14] =	ssyncset.done $0x0  }
0x5e: {  	[sflag:s14] =	ssyncadd.s32 $0xFFFFEC00  }
0x5f: {  	_ =	sfence.sel $0x180000  }
0x60: {  	[bflag:$0x0] =	sbarrier.arrive $0xFFFF  }
0x61: {  	p0 =	sne.s32 s2, $0x0;
	_ =	strace $0x9000004D  }
0x62: {  	s0 =	sadd.s32 @!p0 $0x100000, s0;
	[bflag:$0x2] =	sbarrier.arrive $0xFFFF  }
0x63: {  	[sflag:s0] =	ssyncadd.tile.s32 @!p0 $0x1;
	_ =	shalt  }
.Lfunc_end2:
_tile_overlayer_lowered:
.L_overlay_start_2:
0x64: {  	(tag) =	ssettag $0x2  }
0x65: {  	s0 =	rddreg [dreg:$0x0];
	s2 =	stileid.u32  }
0x66: {  	s1 =	rddreg [dreg:$0x1];
	p0 =	sne.s32 s2, $0x0  }
0x67: {  	s3 =	rddreg [dreg:$0x2];
	[bflag:$0x3] =	sbarrier.arrive $0xFFFF;
	s2 =	simm.s32 @!p0 $0x1C03  }
0x68: {  	[timem:s3], [sflag:s2] =	dma.local @!p0 [hbm:s0], s1  }
0x69: {  	s0 =	simm.s32 @!p0 $0x3  }
0x6a: {  	_ =	swait.ge @!p0 [sflag:s0], s1  }
0x6b: {  	s1 =	ssub.s32 @!p0 $0x0, s1;
	[sflag:s0] =	ssyncset.done @!p0 $0x0  }
0x6c: {  	[sflag:s0] =	ssyncadd.s32 @!p0 s1  }
0x6d: {  	[bflag:$0x3] =	sbarrier.arrive $0xFFFF  }
0x6e: {  	_ =	shalt  }

// kernel: kernel.19.cloned.1.call-start
scs
__scs_entry_jumppad:
0x0: {  	(pc) =	sbr.rel $0x88, $3  }
0x1: {  	(tag) =	ssettag $0x0;
	lr =	simm.s32 $0x1  }
0x2: {  	[smem:$0x3F95] =	sst lr;
	_ =	strace $0xD0000000  }
0x3: {  	_ = 	snop  }
0x4: {  	_ = 	snop  }
0x5: {  	_ = 	snop  }
0x6: {  	_ = 	snop  }
0x7: {  	_ = 	snop  }
__scs_overlays_trampoline_lowered:
0x8: {  	[smem:$0x3FA4] =	sst s0  }
0x9: {  	[smem:$0x3FA5] =	sst s1  }
0xa: {  	[smem:$0x3FA6] =	sst s2  }
0xb: {  	[smem:$0x3FA7] =	sst s3  }
0xc: {  	[smem:$0x3FA8] =	sst s4  }
0xd: {  	[smem:$0x3FA9] =	sst s5  }
0xe: {  	[smem:$0x3FAA] =	sst s6  }
0xf: {  	[smem:$0x3FAB] =	sst s7  }
0x10: {  	[smem:$0x3FAC] =	sst s8  }
0x11: {  	[smem:$0x3FAD] =	sst s9;
	s0 =	simm.s32 @!p0 $0x0  }
0x12: {  	s1 =	sld [smem:$0x3F93];
	s0 =	simm.s32 @p0 $0x1  }
0x13: {  	[smem:$0x3FAE] =	sst s0;
	s0 =	simm.s32 @!p1 $0x0  }
0x14: {  	s2 =	sld [smem:$0x3F92];
	s0 =	simm.s32 @p1 $0x1  }
0x15: {  	[smem:$0x3FAF] =	sst s0;
	s0 =	simm.s32 @!p2 $0x0  }
0x16: {  	s3 =	sld [smem:$0x3FDB];
	s0 =	simm.s32 @p2 $0x1  }
0x17: {  	s4 =	simm.s32 $0x1BF5;
	[smem:$0x3FB1] =	sst s0  }
0x18: {  	s0 =	sld [smem:$0x3F94];
	_ =	swait.ge [sflag:s4], $0x0  }
0x19: {  	s7 =	sld [smem:$0x3F95]  }
0x1a: {  	s8 =	sadd.s32 $0xFFFFE003, lr  }
0x1b: {  	s9 =	sadd.s32 $0xFFFFFEF7, lr;
	s5 =	simm.s32 $0xFFFFFFFF;
	p2 =	slt.u32 s8, $0xFFFFF086  }
0x1c: {  	p1 =	slt.u32 s9, $0xF7A;
	s5 =	simm.s32 @!p2 $0x0  }
0x1d: {  	s5 =	simm.s32 @p1 $0x1;
	p0 =	seq.s32 s7, s2  }
0x1e: {  	s7 =	smul.u32 @!p0 $0xF7A, s2;
	p2 =	seq.s32 @!p0 s5, $0x0  }
0x1f: {  	s9 =	smul.u32 $0xF7A, s1;
	s8 =	simm.s32 @!p0 $0x1BF5;
	p2 =	por !p2, p0  }
0x20: {  	[sflag:s8] =	ssyncset.s32 @!p0 $0xFFFFF086;
	s6 =	sadd.s32 @!p0 s3, s7;
	s7 =	simm.s32 @!p0 $0x108  }
0x21: {  	s3 =	sadd.s32 s3, s9;
	s6 =	sadd.s32 @!p0 $0x88, s6;
	s7 =	simm.s32 @p2 $0x1082  }
0x22: {  	[simem:s7], [sflag:s8] =	dma.local @!p0 [hbm:s6], $0xF7A  }
0x23: {  	s9 =	sor.u32 $0xD0000000, s2;
	s6 =	simm.s32 $0x108;
	_ =	swait.ge @!p0 [sflag:s8], $0x0  }
0x24: {  	s3 =	sadd.s32 $0x88, s3;
	s6 =	simm.s32 @!p1 $0x1082;
	[sflag:s4] =	ssyncset.s32 $0xFFFFF086  }
0x25: {  	[simem:s6], [sflag:s4] =	dma.local [hbm:s3], $0xF7A  }
0x26: {  	[smem:$0x3F95] =	sst s1;
	(tag) =	ssettag s2;
	_ =	strace s9  }
0x27: {  	s1 =	sld [smem:$0x3FA5]  }
0x28: {  	s2 =	sld [smem:$0x3FA6]  }
0x29: {  	s4 =	sld [smem:$0x3FA8]  }
0x2a: {  	p0 =	seq.s32 s5, $0x0;
	s5 =	sld [smem:$0x3FA9]  }
0x2b: {  	s6 =	sld [smem:$0x3FAA]  }
0x2c: {  	s7 =	sld [smem:$0x3FAB]  }
0x2d: {  	s3 =	simm.s32 $0x108;
	s8 =	sld [smem:$0x3FAC]  }
0x2e: {  	s3 =	simm.s32 @!p0 $0x1082;
	s9 =	sld [smem:$0x3FAD]  }
0x2f: {  	lr =	sadd.s32 s0, s3;
	s0 =	sld [smem:$0x3FA4]  }
0x30: {  	s3 =	sld [smem:$0x3FA7]  }
0x31: {  	[smem:$0x3FB0] =	sst s10  }
0x32: {  	s10 =	sld [smem:$0x3FAE];
	_ =	sdelay $0x3  }
0x33: {  	p0 =	seq.s32 s10, $0x1;
	s10 =	sld [smem:$0x3FB0];
	_ =	sdelay $0x3  }
0x34: {  	[smem:$0x3FB0] =	sst s10  }
0x35: {  	s10 =	sld [smem:$0x3FAF];
	_ =	sdelay $0x3  }
0x36: {  	p1 =	seq.s32 s10, $0x1;
	s10 =	sld [smem:$0x3FB0];
	_ =	sdelay $0x3  }
0x37: {  	[smem:$0x3FB0] =	sst s10  }
0x38: {  	s10 =	sld [smem:$0x3FB1]  }
0x39: {  	_ = 	snop;
	(pc) =	sbr.ind lr, $3  }
0x3a: {  	_ = 	snop  }
0x3b: {  	_ = 	snop  }
0x3c: {  	p2 =	seq.s32 s10, $0x1;
	s10 =	sld [smem:$0x3FB0]  }
0x3d: {  	_ =	shalt  }
0x3e: {  	_ =	shalt  }
0x3f: {  	_ =	shalt  }
0x40: {  	_ =	shalt  }
0x41: {  	_ =	shalt  }
0x42: {  	_ =	shalt  }
0x43: {  	_ =	shalt  }
0x44: {  	_ =	shalt  }
0x45: {  	_ =	shalt  }
0x46: {  	_ =	shalt  }
0x47: {  	_ =	shalt  }
0x48: {  	_ =	shalt  }
0x49: {  	_ =	shalt  }
0x4a: {  	_ =	shalt  }
0x4b: {  	_ =	shalt  }
0x4c: {  	_ =	shalt  }
0x4d: {  	_ =	shalt  }
0x4e: {  	_ =	shalt  }
0x4f: {  	_ =	shalt  }
0x50: {  	_ =	shalt  }
0x51: {  	_ =	shalt  }
0x52: {  	_ =	shalt  }
0x53: {  	_ =	shalt  }
0x54: {  	_ =	shalt  }
0x55: {  	_ =	shalt  }
0x56: {  	_ =	shalt  }
0x57: {  	_ =	shalt  }
0x58: {  	_ =	shalt  }
0x59: {  	_ =	shalt  }
0x5a: {  	_ =	shalt  }
0x5b: {  	_ =	shalt  }
0x5c: {  	_ =	shalt  }
0x5d: {  	_ =	shalt  }
0x5e: {  	_ =	shalt  }
0x5f: {  	_ =	shalt  }
0x60: {  	_ =	shalt  }
0x61: {  	_ =	shalt  }
0x62: {  	_ =	shalt  }
0x63: {  	_ =	shalt  }
0x64: {  	_ =	shalt  }
0x65: {  	_ =	shalt  }
0x66: {  	_ =	shalt  }
0x67: {  	_ =	shalt  }
0x68: {  	_ =	shalt  }
0x69: {  	_ =	shalt  }
0x6a: {  	_ =	shalt  }
0x6b: {  	_ =	shalt  }
0x6c: {  	_ =	shalt  }
0x6d: {  	_ =	shalt  }
0x6e: {  	_ =	shalt  }
0x6f: {  	_ =	shalt  }
0x70: {  	_ =	shalt  }
0x71: {  	_ =	shalt  }
0x72: {  	_ =	shalt  }
0x73: {  	_ =	shalt  }
0x74: {  	_ =	shalt  }
0x75: {  	_ =	shalt  }
0x76: {  	_ =	shalt  }
0x77: {  	_ =	shalt  }
0x78: {  	_ =	shalt  }
0x79: {  	_ =	shalt  }
0x7a: {  	_ =	shalt  }
0x7b: {  	_ =	shalt  }
0x7c: {  	_ =	shalt  }
0x7d: {  	_ =	shalt  }
0x7e: {  	_ =	shalt  }
0x7f: {  	_ =	shalt  }
0x80: {  	_ =	shalt  }
0x81: {  	_ =	shalt  }
0x82: {  	_ =	shalt  }
0x83: {  	_ =	shalt  }
0x84: {  	_ =	shalt  }
0x85: {  	_ =	shalt  }
0x86: {  	_ =	shalt  }
0x87: {  	_ =	shalt  }
.Lfunc_end0:
.L_simem_size_0:
called_computation.3_lowered:
.L_overlay_start_0:
0x88: {  	s2 =	sld [smem:$0x3FD9]  }
0x89: {  	s3 =	sld [smem:$0x3FFE];
	_ =	sdelay $0x1  }
0x8a: {  	s1 =	srdreg.scid  }
0x8b: {  	s0 =	sand.u32 $0x1, s1  }
0x8c: {  	s16 =	sshll.u32 s0, $0xA;
	s2 =	sadd.s32 s3, s2  }
0x8d: {  	s2 =	sadd.s32 s2, s16  }
0x8e: {  	[smem:$0x3FBC] =	sst s2  }
0x8f: {  	_ = 	snop  }
0x90: {  	(tm) =	ssettm $0x1  }
0x91: {  	s17 =	sld [smem:$0x3FFB];
	_ =	sdelay $0x3  }
0x92: {  	_ =	strace s17  }
0x93: {  	s2 =	sld [smem:$0x3FFC];
	_ =	sdelay $0x3  }
0x94: {  	_ =	strace s2  }
0x95: {  	s2 =	sld [smem:$0x3FFD];
	_ =	sdelay $0x3  }
0x96: {  	_ =	strace s2  }
0x97: {  	_ =	strace $0x8FFFFFFF  }
0x98: {  	s18 =	sld [smem:$0x3FDB];
	_ =	sdelay $0x1  }
0x99: {  	s19 =	simm.s32 $_scs_section_size  }
0x9a: {  	s4 =	simm.s32 $_size__tile_overlayer_lowered;
	s5 =	simm.s32 $_tile_overlayer_lowered  }
0x9b: {  	s22 =	simm.s32 $0x1BFF;
	s21 =	sshll.u32 s5, $0x1;
	s2 =	sadd.s32 s19, s18  }
0x9c: {  	s6 =	simm.s32 $0x0;
	s20 =	sshll.u32 s4, $0x1;
	s4 =	sadd.s32 s21, s2  }
0x9d: {  	[timem:s6], [sflag:s22] =	dma.local [hbm:s4], s20  }
0x9e: {  	_ =	swait.ge [sflag:s22], s20  }
0x9f: {  	s3 =	ssub.s32 $0x0, s20;
	[sflag:s22] =	ssyncset.done $0x0  }
0xa0: {  	[sflag:s22] =	ssyncadd.s32 s3;
	_ =	sdelay $0x1  }
0xa1: {  	s23 =	simm.s32 $0x1B8B  }
0xa2: {  	_ =	swait.ge [sflag:s23], $0x1  }
0xa3: {  	[sflag:s23] =	ssyncset.done $0x0  }
0xa4: {  	s25 =	simm.s32 $0x1B8E;
	s24 =	sld [smem:$0x3FFE];
	[sflag:s23] =	ssyncadd.s32 $0xFFFFFFFF  }
0xa5: {  	s26 =	simm.s32 $execute0_lowered;
	[smem:$0x3FD2] =	sst s25  }
0xa6: {  	s4 =	sshll.u32 s26, $0x1;
	_ =	strace $0x8000004F;
	[dreg:$0x1] =	wrdreg $0xFFFFFFFF  }
0xa7: {  	s28 =	simm.s32 $_size_execute0_lowered;
	s2 =	sadd.s32 s2, s4;
	[dreg:$0x0] =	wrdreg $0x0  }
0xa8: {  	s4 =	sshll.u32 s28, $0x1;
	[dreg:$0x2] =	wrdreg s2  }
0xa9: {  	[dreg:$0x3] =	wrdreg s4  }
0xaa: {  	[dreg:$0x4] =	wrdreg $0xC0  }
0xab: {  	_ =	task [dreg:s6], $0x5FFFF  }
0xac: {  	[dreg:$0x1] =	wrdreg $0xFFFFFFFF  }
0xad: {  	[dreg:$0x0] =	wrdreg $0x60  }
0xae: {  	[dreg:$0x2] =	wrdreg s24  }
0xaf: {  	[dreg:$0x3] =	wrdreg $0x9EC00  }
0xb0: {  	[dreg:$0x4] =	wrdreg $0x9  }
0xb1: {  	_ =	task.clear_ibuf [dreg:s6], $0x5FFFF;
	_ =	strace $0x9000004F  }
0xb2: {  	s29 =	simm.s32 $0x9;
	_ =	strace $0x80000051  }
0xb3: {  	_ =	swait.ge [sflag:s29], $0x1  }
0xb4: {  	[sflag:s29] =	ssyncadd.s32 $0xFFFFFFFF  }
0xb5: {  	_ =	strace $0x90000051  }
0xb6: {  	_ =	sfence  }
0xb7: {  	s30 =	sld [smem:$0x0];
	_ =	sdelay $0x2  }
0xb8: {  	s31 =	sshll.u32 s1, $0xD;
	s1 =	sshrl.u32 s1, $0x2  }
0xb9: {  	s3 =	sand.u32 $0x4000, s31;
	s1 =	sadd.s32 s1, s30  }
0xba: {  	s0 =	sor.u32 s3, s0;
	s1 =	sshll.u32 s1, $0x11  }
0xbb: {  	s0 =	sor.u32 s1, s0  }
0xbc: {  	s0 =	sadd.s32 $0x8F2B, s0  }
0xbd: {  	[sflag:s0] =	ssyncadd.remote.s32 $0x1  }
0xbe: {  	_ =	sfence.sel $0xFFFF  }
0xbf: {  	[dreg:$0x0] =	wrdreg $0xFFFFFFFF;
	(pc) =	sbr.abs _section_cstart, $3  }
0xc0: {  	[dreg:$0x1] =	wrdreg $0xFFFFFFFF  }
0xc1: {  	_ =	task.clear_ibuf [dreg:s6], $0x2FFFF;
	_ =	strace $0x9FFFFFFF  }
0xc2: {  	(tm) =	ssettm $0x7FFFFFFF  }
0xc3: {  	_ =	shalt  }
tec
execute0_lowered:
.L_overlay_start_1:
0x0: {  	(tag) =	ssettag $0x1  }
0x1: {  	s6 =	rddreg [dreg:$0x0]  }
0x2: {  	s2 =	rddreg [dreg:$0x1]  }
0x3: {  	s0 =	rddreg [dreg:$0x2]  }
0x4: {  	s3 =	simm.s32 $0x0;
	s4 =	srdreg.scid;
	s1 =	stileid.u32  }
0x5: {  	s17 =	simm.s32 $0x4EC0;
	s18 =	simm.s32 $0x0;
	s5 =	smul.u32 $0x2800, s1  }
0x6: {  	[smem:$0x7FF] =	sst s3;
	s15 =	sand.u32 $0x1, s4;
	s8 =	smul.u32 $0x50000, s1  }
0x7: {  	s4 =	sadd.s32 $0x8D600, s6;
	s9 =	sadd.s32 $0xBC00, s6;
	s12 =	smul.u32 $0x2760, s1  }
0x8: {  	s10 =	sadd.s32 $0x1E00, s6;
	s29 =	sshll.u32 s1, $0x6;
	s31 =	smul.u32 $0x4D8, s1  }
0x9: {  	_ =	strace $0x80000050;
	s7 =	smul.u32 $0x28000, s15;
	s11 =	ssub.s32 $0x2, s15  }
0xa: {  	p0 =	sne.s32 s15, $0x0;
	s25 =	sshrl.u32 s11, $0x1;
	s26 =	sshrl.u32 s8, $0x2  }
0xb: {  	s28 =	sshrl.u32 s12, $0x3;
	s12 =	sadd.s32 $0x3D, s15;
	s7 =	sadd.s32 s5, s7  }
0xc: {  	s5 =	sadd.s32 $0x15A00, s6;
	s14 =	ssub.s32 s11, s25;
	s30 =	sadd.s32 $0x4D80, s28  }
0xd: {  	s16 =	sadd.s32 s26, s2;
	s11 =	sor.u32 $0x3E, s15;
	s13 =	sadd.s32 s7, s6  }
0xe: {  	s6 =	sor.u32 $0x1C03, s29;
	s7 =	sadd.s32 s9, s30;
	s8 =	sadd.s32 s10, s30  }
0xf: {  	s9 =	sadd.s32 s9, s31;
	s10 =	sadd.s32 s10, s31;
	s14 =	smax.u32 s14, $0x1  }
0x10: {  	s15 =	sshrl.u32 s16, $0x3;
	s16 =	simm.s32 $0x3;
	s13 =	sadd.s32 $0xB5600, s13  }
.LBB2_1:
0x11: {  	[spmem:s15], [sflag:s6] =	dma.local [hbm:s5], $0x2800  }
0x12: {  	_ =	swait.ge [sflag:s16], $0x2800  }
0x13: {  	[sflag:s16] =	ssyncset.done $0x0  }
0x14: {  	s19 =	simm.s32 @p0 $0x0;
	s20 =	simm.s32 @p0 $0x3;
	[sflag:s16] =	ssyncadd.s32 $0xFFFFD800  }
0x15: {  	[tilespmem:s19], [sflag:$0x3] =	stream.linear.gather @p0 [hbm4b:s7+s19], $0x2760, $0x38;
	[tilespmem:$0x1DEC0] =	vst v63  }
0x16: {  	_ =	swait.ge @p0 [sflag:s20], $0x2760  }
0x17: {  	[sflag:s20] =	ssyncset.done @p0 $0x0  }
0x18: {  	s21 =	simm.s32 @p0 $0x2760;
	[sflag:s20] =	ssyncadd.s32 @p0 $0xFFFFD8A0  }
0x19: {  	[tilespmem:s21], [sflag:$0x3] =	stream.linear.gather @p0 [hbm4b:s8+s19], $0x2760, $0x38;
	[tilespmem:$0x1DEC0] =	vst v63  }
0x1a: {  	_ =	swait.ge @p0 [sflag:s20], $0x2760  }
0x1b: {  	[sflag:s20] =	ssyncset.done @p0 $0x0  }
0x1c: {  	s19 =	simm.s32 @!p0 $0x0;
	[sflag:s20] =	ssyncadd.s32 @p0 $0xFFFFD8A0;
	s20 =	simm.s32 @!p0 $0x3  }
0x1d: {  	[tilespmem:s19], [sflag:$0x3] =	stream.linear.gather @!p0 [hbm4b:s9+s19], $0x26C0, $0x38;
	[tilespmem:$0x1DEC0] =	vst v63  }
0x1e: {  	_ =	swait.ge @!p0 [sflag:s20], $0x26C0  }
0x1f: {  	[sflag:s20] =	ssyncset.done @!p0 $0x0  }
0x20: {  	s21 =	simm.s32 @!p0 $0x2760;
	[sflag:s20] =	ssyncadd.s32 @!p0 $0xFFFFD940  }
0x21: {  	[tilespmem:s21], [sflag:$0x3] =	stream.linear.gather @!p0 [hbm4b:s10+s19], $0x26C0, $0x38;
	[tilespmem:$0x1DEC0] =	vst v63  }
0x22: {  	_ =	swait.ge @!p0 [sflag:s20], $0x26C0  }
0x23: {  	[sflag:s20] =	ssyncset.done @!p0 $0x0  }
0x24: {  	[sflag:s20] =	ssyncadd.s32 @!p0 $0xFFFFD940  }
0x25: {  	p1 =	sle.u32 s11, $0x0;
	s19 =	simm.s32 $0x50;
	[bflag:$0x0] =	sbarrier.arrive $0xFFFF  }
0x26: {  	[tilespmem:s17], [sflag:$0x1] =	stream.indirect.gather [hbm4b:s4+s19], $0x80, s3, s19, $0xb8;
	[tilespmem:$0x1DEC0] =	vst v63  }
0x27: {  	s22 =	simm.s32 @!p1 $0x1;
	s21 =	simm.s32 @!p1 $0x76C0;
	s20 =	simm.s32 @!p1 $0x50  }
0x28: {  	[tilespmem:s21], [sflag:$0x2] =	stream.indirect.gather @!p1 [hbm4b:s4+s20], $0x80, s19, s20, $0xb8;
	[tilespmem:$0x1DEC0] =	vst v63  }
0x29: {  	_ =	swait.ge @!p1 [sflag:s22], $0x2800  }
0x2a: {  	p2 =	sle.u32 @!p1 s12, $0x0;
	s23 =	simm.s32 @!p1 $0x4EC0;
	[sflag:s22] =	ssyncset.done @!p1 $0x0  }
0x2b: {  	s19 =	simm.s32 @!p1 $0x4;
	[sflag:s22] =	ssyncadd.s32 @!p1 $0xFFFFD800;
	s22 =	simm.s32 @!p1 $0x2760  }
0x2c: {  	[spmem:s2] =	stream.indirect.scatter.add.f32 @!p1 [tilespmem:s23], [sflag:$0x4], $0x80, s22, s20, $0xb8;
	[tilespmem:$0x1DEC0] =	vst v63  }
0x2d: {  	p2 =	por p2, p1;
	_ =	swait.ge @!p1 [sflag:s19], $0x2800  }
0x2e: {  	s24 =	simm.s32 @!p2 $0x50;
	s22 =	simm.s32 @!p2 $0x4EC0;
	[sflag:s19] =	ssyncset.done @!p1 $0x0  }
0x2f: {  	s23 =	simm.s32 @!p1 $0x2;
	[sflag:s19] =	ssyncadd.s32 @!p1 $0xFFFFD800;
	s19 =	simm.s32 @!p2 $0xA0  }
0x30: {  	[tilespmem:s22], [sflag:$0x1] =	stream.indirect.gather @!p2 [hbm4b:s4+s24], $0x80, s19, s24, $0xb8;
	[tilespmem:$0x1DEC0] =	vst v63  }
0x31: {  	_ =	swait.ge @!p1 [sflag:s23], $0x2800  }
0x32: {  	[sflag:s23] =	ssyncset.done @!p1 $0x0  }
0x33: {  	s19 =	simm.s32 $0x27B0;
	[sflag:s23] =	ssyncadd.s32 @!p1 $0xFFFFD800;
	s23 =	simm.s32 @!p1 $0x3  }
0x34: {  	[spmem:s2] =	stream.indirect.scatter.add.f32 @!p1 [tilespmem:s21], [sflag:$0x3], $0x80, s19, s20, $0xb8;
	[tilespmem:$0x1DEC0] =	vst v63  }
0x35: {  	s22 =	simm.s32 $0x1;
	s21 =	simm.s32 $0x2;
	_ =	swait.ge @!p1 [sflag:s23], $0x2800  }
0x36: {  	s20 =	simm.s32 $0xF0;
	s19 =	simm.s32 $0x2850;
	[sflag:s23] =	ssyncset.done @!p1 $0x0  }
.LBB2_2:
0x37: {  	[sflag:s23] =	ssyncadd.s32 @!p1 $0xFFFFD800  }
0x38: {  	p1 =	sge.u32 s22, s11;
	s23 =	smov.u32 s21;
	s21 =	sadd.s32 $0x1, s21  }
0x39: {  	s24 =	simm.s32 @!p1 $0x50;
	s25 =	simm.s32 @!p1 $0x76C0;
	s26 =	simm.s32 @!p1 $0x1  }
0x3a: {  	[tilespmem:s25], [sflag:$0x2] =	stream.indirect.gather @!p1 [hbm4b:s4+s24], $0x80, s20, s24, $0xb8;
	[tilespmem:$0x1DEC0] =	vst v63  }
0x3b: {  	p2 =	sne.s32 s21, $0x3F;
	p3 =	sge.u32 @!p1 s22, s12;
	_ =	swait.ge @!p1 [sflag:s26], $0x2800  }
0x3c: {  	s28 =	simm.s32 @!p1 $0x4;
	p3 =	por p3, p1;
	[sflag:s26] =	ssyncset.done @!p1 $0x0  }
0x3d: {  	s22 =	sadd.s32 @!p1 $0xFFFFFFB0, s19;
	[sflag:s26] =	ssyncadd.s32 @!p1 $0xFFFFD800;
	s26 =	simm.s32 @!p1 $0x4EC0  }
0x3e: {  	[spmem:s2] =	stream.indirect.scatter.add.f32 @!p1 [tilespmem:s26], [sflag:$0x4], $0x80, s22, s24, $0xb8;
	[tilespmem:$0x1DEC0] =	vst v63  }
0x3f: {  	s22 =	smov.u32 s23;
	_ =	swait.ge @!p1 [sflag:s28], $0x2800  }
0x40: {  	s23 =	simm.s32 @!p3 $0x4EC0;
	s26 =	simm.s32 @!p1 $0x2;
	[sflag:s28] =	ssyncset.done @!p1 $0x0  }
0x41: {  	s29 =	simm.s32 @!p3 $0x50;
	[sflag:s28] =	ssyncadd.s32 @!p1 $0xFFFFD800;
	s28 =	sadd.s32 @!p3 $0x50, s20  }
0x42: {  	[tilespmem:s23], [sflag:$0x1] =	stream.indirect.gather @!p3 [hbm4b:s4+s29], $0x80, s28, s29, $0xb8;
	[tilespmem:$0x1DEC0] =	vst v63  }
0x43: {  	_ =	swait.ge @!p1 [sflag:s26], $0x2800  }
.Ltmp0:
0x44: {  	[sflag:s26] =	ssyncset.done @!p1 $0x0;
	(pc) =	sbr.rel @p2 .LBB2_2-.Ltmp0, $4  }
0x45: {  	s23 =	simm.s32 @!p1 $0x3;
	[sflag:s26] =	ssyncadd.s32 @!p1 $0xFFFFD800  }
0x46: {  	[spmem:s2] =	stream.indirect.scatter.add.f32 @!p1 [tilespmem:s25], [sflag:$0x3], $0x80, s19, s24, $0xb8;
	[tilespmem:$0x1DEC0] =	vst v63  }
0x47: {  	_ =	swait.ge @!p1 [sflag:s23], $0x2800  }
0x48: {  	s20 =	sadd.s32 $0xA0, s20;
	s19 =	sadd.s32 $0xA0, s19;
	[sflag:s23] =	ssyncset.done @!p1 $0x0  }
0x49: {  	p2 =	sge.u32 s22, s11;
	[sflag:s23] =	ssyncadd.s32 @!p1 $0xFFFFD800  }
0x4a: {  	s21 =	simm.s32 @!p2 $0x50;
	s23 =	simm.s32 @!p2 $0x76C0;
	s24 =	simm.s32 @!p2 $0x1  }
0x4b: {  	[tilespmem:s23], [sflag:$0x2] =	stream.indirect.gather @!p2 [hbm4b:s4+s21], $0x80, s20, s21, $0xb8;
	[tilespmem:$0x1DEC0] =	vst v63  }
0x4c: {  	_ =	swait.ge @!p2 [sflag:s24], $0x2800  }
0x4d: {  	p1 =	sge.u32 @!p2 s22, s12;
	s22 =	simm.s32 @!p2 $0x4;
	[sflag:s24] =	ssyncset.done @!p2 $0x0  }
0x4e: {  	s25 =	simm.s32 @!p2 $0x4EC0;
	[sflag:s24] =	ssyncadd.s32 @!p2 $0xFFFFD800;
	s24 =	sadd.s32 @!p2 $0xFFFFFFB0, s19  }
0x4f: {  	[spmem:s2] =	stream.indirect.scatter.add.f32 @!p2 [tilespmem:s25], [sflag:$0x4], $0x80, s24, s21, $0xb8;
	[tilespmem:$0x1DEC0] =	vst v63  }
0x50: {  	p1 =	por p1, p2;
	_ =	swait.ge @!p2 [sflag:s22], $0x2800  }
0x51: {  	s20 =	sadd.s32 @!p1 $0x50, s20;
	s24 =	simm.s32 @!p1 $0x4EC0;
	[sflag:s22] =	ssyncset.done @!p2 $0x0  }
0x52: {  	s25 =	simm.s32 @!p2 $0x2;
	[sflag:s22] =	ssyncadd.s32 @!p2 $0xFFFFD800;
	s22 =	simm.s32 @!p1 $0x50  }
0x53: {  	[tilespmem:s24], [sflag:$0x1] =	stream.indirect.gather @!p1 [hbm4b:s4+s22], $0x80, s20, s22, $0xb8;
	[tilespmem:$0x1DEC0] =	vst v63  }
0x54: {  	_ =	swait.ge @!p2 [sflag:s25], $0x2800  }
0x55: {  	[sflag:s25] =	ssyncset.done @!p2 $0x0  }
0x56: {  	s20 =	simm.s32 @!p2 $0x3;
	[sflag:s25] =	ssyncadd.s32 @!p2 $0xFFFFD800  }
0x57: {  	[spmem:s2] =	stream.indirect.scatter.add.f32 @!p2 [tilespmem:s23], [sflag:$0x3], $0x80, s19, s21, $0xb8;
	[tilespmem:$0x1DEC0] =	vst v63  }
0x58: {  	_ =	swait.ge @!p2 [sflag:s20], $0x2800  }
0x59: {  	s18 =	sadd.s32 $0x1, s18;
	[sflag:s20] =	ssyncset.done @!p2 $0x0  }
0x5a: {  	p1 =	sne.s32 s18, s14;
	[sflag:s20] =	ssyncadd.s32 @!p2 $0xFFFFD800  }
.Ltmp1:
0x5b: {  	[bflag:$0x0] =	sbarrier.arrive $0xFFFF;
	(pc) =	sbr.rel @p1 .LBB2_1-.Ltmp1, $4  }
0x5c: {  	[hbm:s13], [sflag:s6] =	dma.local [spmem:s15], $0x2800  }
0x5d: {  	_ =	swait.ge [sflag:s16], $0x2800  }
0x5e: {  	[sflag:s16] =	ssyncset.done $0x0  }
0x5f: {  	[sflag:s16] =	ssyncadd.s32 $0xFFFFD800  }
0x60: {  	_ =	sfence.sel $0x180000  }
0x61: {  	[bflag:$0x0] =	sbarrier.arrive $0xFFFF  }
0x62: {  	p0 =	sne.s32 s1, $0x0;
	_ =	strace $0x90000050  }
0x63: {  	s0 =	sadd.s32 @!p0 $0x100000, s0;
	[bflag:$0x2] =	sbarrier.arrive $0xFFFF  }
0x64: {  	[sflag:s0] =	ssyncadd.tile.s32 @!p0 $0x1;
	_ =	shalt  }
.Lfunc_end2:
_tile_overlayer_lowered:
.L_overlay_start_2:
0x65: {  	(tag) =	ssettag $0x2  }
0x66: {  	s0 =	rddreg [dreg:$0x0];
	s2 =	stileid.u32  }
0x67: {  	s1 =	rddreg [dreg:$0x1];
	p0 =	sne.s32 s2, $0x0  }
0x68: {  	s3 =	rddreg [dreg:$0x2];
	[bflag:$0x3] =	sbarrier.arrive $0xFFFF;
	s2 =	simm.s32 @!p0 $0x1C03  }
0x69: {  	[timem:s3], [sflag:s2] =	dma.local @!p0 [hbm:s0], s1  }
0x6a: {  	s0 =	simm.s32 @!p0 $0x3  }
0x6b: {  	_ =	swait.ge @!p0 [sflag:s0], s1  }
0x6c: {  	s1 =	ssub.s32 @!p0 $0x0, s1;
	[sflag:s0] =	ssyncset.done @!p0 $0x0  }
0x6d: {  	[sflag:s0] =	ssyncadd.s32 @!p0 s1  }
0x6e: {  	[bflag:$0x3] =	sbarrier.arrive $0xFFFF  }
0x6f: {  	_ =	shalt  }

</sc_bundles>
